<compile_context>
chip_gen: v7x
topology: tpu7x:2x2x1
jax: 0.10.2.dev20260603
libtpu: 0.0.44.dev20260713+nightly
codegen_flags: <defaults>
</compile_context>

<pallas_src>
import functools

import jax
import jax.numpy as jnp
from jax import lax
from jax.experimental import pallas as pl
from jax.experimental.pallas import tpu as pltpu
from jax.experimental.pallas import tpu_sc as plsc

VOCAB = 1_000_000
EMBED_DIM = 32
BATCH = 16384
HIST = 20
IN_DIM = HIST * EMBED_DIM
HIDDEN = 256
OUT_DIM = 128

N_ROWS = BATCH * HIST
NUM_CORES = 2
NUM_SUBCORES = 16
NW = NUM_CORES * NUM_SUBCORES
PER_W = N_ROWS // NW
CHUNK = 2560
NCHUNK = PER_W // CHUNK

_sc_mesh = plsc.VectorSubcoreMesh(core_axis_name="c", subcore_axis_name="s")

NCT_FULL = (VOCAB // 128)
EDGE_COLS = VOCAB - NCT_FULL * 128
K = 4
UNIT_COLS = K * 128
UNIT_ROWS = K * 32
NUNITS = NCT_FULL // K
PAIRS = -(-(-(-NCT_FULL // K) // NW) // 2)


@functools.partial(
    pl.kernel,
    mesh=_sc_mesh,
    out_type=jax.ShapeDtypeStruct((VOCAB * EMBED_DIM // 128, 128), jnp.float32),
    scratch_types=[
        pltpu.VMEM((2, EMBED_DIM, UNIT_COLS), jnp.float32),
        pltpu.VMEM((2, UNIT_ROWS, 128), jnp.float32),
        pltpu.VMEM((EMBED_DIM, EDGE_COLS), jnp.float32),
        pltpu.VMEM((16, 128), jnp.float32),
        pltpu.SemaphoreType.DMA,
        pltpu.SemaphoreType.DMA,
        pltpu.SemaphoreType.DMA,
        pltpu.SemaphoreType.DMA,
    ],
    compiler_params=pltpu.CompilerParams(
        use_tc_tiling_on_sc=True, needs_layout_passes=False),
)
def _sc_relayout(wvt_hbm, out_hbm, in_v, out_v, ine_v, oute_v,
                 si0, si1, so0, so1):
    wid = lax.axis_index("s") * NUM_CORES + lax.axis_index("c")
    iota = lax.iota(jnp.int32, 16)
    sin = (si0, si1)
    sout = (so0, so1)

    def shuffle(src_ref, dst_ref, rows):
        @plsc.parallel_loop(0, rows, unroll=8)
        def srow(r):
            for m in range(8):
                cvec = jnp.full((16,), 0, jnp.int32) + (4 * r + m // 2)
                g = plsc.load_gather(src_ref, [iota + 16 * (m % 2), cvec])
                dst_ref[r, pl.ds(16 * m, 16)] = g

    def in_desc(u, b):
        return (wvt_hbm.at[:, pl.ds(u * UNIT_COLS, UNIT_COLS)],
                in_v.at[b], sin[b])

    def out_desc(u, b):
        return (out_v.at[b], out_hbm.at[pl.ds(u * UNIT_ROWS, UNIT_ROWS)],
                sout[b])

    def start_in(j, b):
        u = wid + NW * j

        @pl.when(u < NUNITS)
        def _():
            pltpu.async_copy(*in_desc(u, b))

    def half(j, b):
        u = wid + NW * j

        @pl.when(u < NUNITS)
        def _():
            pltpu.make_async_copy(*in_desc(u, b)).wait()

            @pl.when(j >= 2)
            def _():
                pltpu.make_async_copy(*out_desc(u - 2 * NW, b)).wait()

            shuffle(in_v.at[b], out_v.at[b], UNIT_ROWS)
            pltpu.async_copy(*out_desc(u, b))

    start_in(0, 0)

    def pair(p, carry):
        j = 2 * p
        start_in(j + 1, 1)
        half(j, 0)
        start_in(j + 2, 0)
        half(j + 1, 1)
        return carry

    lax.fori_loop(0, PAIRS, pair, 0)

    _BASE = NUNITS - 2 * NW
    _OFF = (2 * NW - (_BASE % (2 * NW))) % (2 * NW)
    for b in (0, 1):
        ub = _BASE + ((wid + NW * b + _OFF) % (2 * NW))
        pltpu.make_async_copy(*out_desc(ub, b)).wait()

    @pl.when(wid == NW - 1)
    def _():
        pltpu.sync_copy(wvt_hbm.at[:, pl.ds(NCT_FULL * 128, EDGE_COLS)], ine_v)
        shuffle(ine_v, oute_v, 16)
        pltpu.sync_copy(oute_v, out_hbm.at[pl.ds(NCT_FULL * 32, 16)])


@functools.partial(
    pl.kernel,
    mesh=_sc_mesh,
    out_type=jax.ShapeDtypeStruct((N_ROWS, EMBED_DIM), jnp.float32),
    scratch_types=[
        pltpu.VMEM((CHUNK,), jnp.int32),
        pltpu.VMEM((CHUNK, EMBED_DIM), jnp.float32),
        pltpu.SemaphoreType.DMA,
    ],
    compiler_params=pltpu.CompilerParams(use_tc_tiling_on_sc=False),
)
def _sc_gather(idx_hbm, table_hbm, out_hbm, idx_v, rows_v, sem):
    wid = lax.axis_index("s") * NUM_CORES + lax.axis_index("c")
    base = wid * PER_W

    def body(i, carry):
        off = base + i * CHUNK
        pltpu.sync_copy(idx_hbm.at[pl.ds(off, CHUNK)], idx_v)
        pltpu.async_copy(table_hbm.at[idx_v], rows_v, sem).wait()
        pltpu.sync_copy(rows_v, out_hbm.at[pl.ds(off, CHUNK)])
        return carry

    lax.fori_loop(0, NCHUNK, body, 0)


BB = 1024
TB = BB // 8
NS = IN_DIM // 128


def _mlp_body(x_ref, w1_ref, b1_ref, w2_ref, o_ref):
    acc = jnp.zeros((BB, HIDDEN), dtype=jnp.float32)
    for ct in range(NS):
        xc = x_ref[:, ct, :, :].reshape(BB, 128)
        acc = acc + jnp.dot(xc, w1_ref[ct], preferred_element_type=jnp.float32)
    z = acc + b1_ref[...]
    h = 1.0 / (1.0 + jnp.exp(-z))
    o_ref[...] = jnp.dot(h, w2_ref[...], preferred_element_type=jnp.float32)


_mlp = pl.pallas_call(
    _mlp_body,
    grid=(BATCH // BB,),
    in_specs=[
        pl.BlockSpec((TB, NS, 8, 128), lambda i: (i, 0, 0, 0)),
        pl.BlockSpec((NS, 128, HIDDEN), lambda i: (0, 0, 0)),
        pl.BlockSpec((1, HIDDEN), lambda i: (0, 0)),
        pl.BlockSpec((HIDDEN, OUT_DIM), lambda i: (0, 0)),
    ],
    out_specs=pl.BlockSpec((BB, OUT_DIM), lambda i: (i, 0)),
    out_shape=jax.ShapeDtypeStruct((BATCH, OUT_DIM), jnp.float32),
)


def kernel(x, word_vectors, W1, b1, W2):
    idxp = (x.astype(jnp.int32)
             .reshape(BATCH // 8, 8, NS, 4)
             .transpose(0, 2, 1, 3)
             .reshape(-1))
    wv_lin = _sc_relayout(word_vectors.T)
    emb = _sc_gather(idxp, wv_lin.reshape(VOCAB, EMBED_DIM))
    e4d = emb.reshape(BATCH // 8, NS, 8, 128)
    w1v = W1.reshape(NS, 128, HIDDEN)
    return _mlp(e4d, w1v, b1.reshape(1, HIDDEN), W2)

# --- scband reference (transcript-rebuilt; emitter-appended) ---
"""Pipeline reference for scband-emb-net-49383533969744 (READ-ONLY COPY).

The authoritative reference and input builder live on the scoring server;
editing this copy changes nothing except your own understanding.
"""

import jax, jax.numpy as jnp
import numpy as np

VOCAB = 1000000
EMBED_DIM = 32
BATCH = 16384
HIST = 20
IN_DIM = HIST * EMBED_DIM
HIDDEN = 256
OUT_DIM = 128


def setup_inputs(seed: int = 0) -> dict:
    key = jax.random.key(seed)
    k_x, k_wv, k_w1, k_b1, k_w2 = jax.random.split(key, 5)
    x = jax.random.randint(k_x, (BATCH, HIST), 0, VOCAB, dtype=jnp.int64 if jax.config.jax_enable_x64 else jnp.int32)
    word_vectors = jax.random.normal(k_wv, (VOCAB, EMBED_DIM), dtype=jnp.float32) * 0.02
    W1 = jax.random.normal(k_w1, (IN_DIM, HIDDEN), dtype=jnp.float32) * (1.0 / np.sqrt(IN_DIM))
    b1 = jax.random.normal(k_b1, (HIDDEN,), dtype=jnp.float32) * 0.01
    W2 = jax.random.normal(k_w2, (HIDDEN, OUT_DIM), dtype=jnp.float32) * (1.0 / np.sqrt(HIDDEN))
    return {"x": x, "word_vectors": word_vectors, "W1": W1, "b1": b1, "W2": W2}


def reference(x, word_vectors, W1, b1, W2):
    # emb = self._embed(x)
    emb = jnp.take(word_vectors, x, axis=0)            # [B, HIST, EMBED_DIM]
    # win_emb = torch.flatten(emb, start_dim=1)
    win_emb = emb.reshape(emb.shape[0], -1)            # [B, IN_DIM]
    # z = self._lin(win_emb)
    z = win_emb @ W1 + b1                              # [B, HIDDEN]
    # h = self._act(z)  (Sigmoid)
    h = jax.nn.sigmoid(z)
    # y_hat = self._pred(h)  (Linear, no bias)
    y_hat = h @ W2                                     # [B, OUT_DIM]
    return y_hat

if __name__ == "__main__":
    import jax
    _d = setup_inputs()
    print(jax.jit(kernel)(*tuple(_d.values())))

</pallas_src>

<mosaic_0001>
#map = affine_map<(d0, d1) -> (0, 0)>
module attributes {stable_mosaic.version = 14 : i64} {
  func.func @_sc_relayout(%arg0: i32, %arg1: i32, %arg2: memref<32x1000000xf32, #tpu.memory_space<hbm>>, %arg3: memref<250000x128xf32, #tpu.memory_space<hbm>>, %arg4: memref<2x32x512xf32, #tpu.memory_space<vmem>>, %arg5: memref<2x128x128xf32, #tpu.memory_space<vmem>>, %arg6: memref<32x64xf32, #tpu.memory_space<vmem>>, %arg7: memref<16x128xf32, #tpu.memory_space<vmem>>, %arg8: memref<!tpu.dma_semaphore, #tpu.memory_space<semaphore_mem>>, %arg9: memref<!tpu.dma_semaphore, #tpu.memory_space<semaphore_mem>>, %arg10: memref<!tpu.dma_semaphore, #tpu.memory_space<semaphore_mem>>, %arg11: memref<!tpu.dma_semaphore, #tpu.memory_space<semaphore_mem>>) attributes {dimension_semantics = [#tpu.dimension_semantics<core_parallel>, #tpu.dimension_semantics<subcore_parallel>], iteration_bounds = array<i64: 2, 16>, scalar_prefetch = 0 : i64, scratch_operands = 8 : i64, tpu.core_type = #tpu.core_type<sc_vector_subcore>, window_params = [{transform_indices = #map}, {transform_indices = #map}]} {
    %mul3A = arith.constant 2 : i32
    %mul3A_0 = arith.muli %arg1, %mul3A : i32
    %add3A = arith.addi %mul3A_0, %arg0 : i32
    %iota3A = tpu.iota {dimensions = array<i32: 0>} : vector<16xi32>
    %add3A_1 = arith.constant 0 : i32
    %add3A_2 = arith.addi %add3A, %add3A_1 : i32
    %lt3A = arith.constant 1953 : i32
    %lt3A_3 = arith.cmpi slt, %add3A_2, %lt3A : i32
    %convert_element_type3A = arith.extui %lt3A_3 : i1 to i32
    %cond3A = arith.constant 0 : i32
    %cond3A_4 = arith.cmpi ne, %convert_element_type3A, %cond3A : i32
    scf.if %cond3A_4 {
      %mul3A_82 = arith.constant 512 : i32
      %mul3A_83 = arith.muli %add3A_2, %mul3A_82 : i32
      %dma_start3A = arith.constant 0 : i32
      %dma_start3A_84 = arith.constant 0 : i32
      %dma_start3A_85 = arith.constant 0 : i32
      %dma_start3A_86 = tpu.memref_slice %arg4[%dma_start3A, %dma_start3A_84, %dma_start3A_85] : memref<2x32x512xf32, #tpu.memory_space<vmem>> -> memref<1x32x512xf32, #tpu.memory_space<vmem>>
      %dma_start3A_87 = tpu.memref_squeeze %dma_start3A_86 : memref<1x32x512xf32, #tpu.memory_space<vmem>> -> memref<32x512xf32, #tpu.memory_space<vmem>>
      %dma_start3A_88 = arith.constant 0 : i32
      %dma_start3A_89 = tpu.memref_slice %arg2[%dma_start3A_88, %mul3A_83] : memref<32x1000000xf32, #tpu.memory_space<hbm>> -> memref<32x512xf32, #tpu.memory_space<hbm>>
      %dma_start3A_90 = arith.constant 0 : i32
      %dma_start3A_91 = arith.constant 0 : i32
      %dma_start3A_92 = tpu.memref_slice %arg4[%dma_start3A, %dma_start3A_90, %dma_start3A_91] : memref<2x32x512xf32, #tpu.memory_space<vmem>> -> memref<1x32x512xf32, #tpu.memory_space<vmem>>
      %dma_start3A_93 = tpu.memref_squeeze %dma_start3A_92 : memref<1x32x512xf32, #tpu.memory_space<vmem>> -> memref<32x512xf32, #tpu.memory_space<vmem>>
      %dma_start3A_94 = arith.constant 0 : i32
      %dma_start3A_95 = tpu.memref_slice %arg2[%dma_start3A_94, %mul3A_83] : memref<32x1000000xf32, #tpu.memory_space<hbm>> -> memref<32x512xf32, #tpu.memory_space<hbm>>
      tpu.enqueue_dma source(%dma_start3A_95 : memref<32x512xf32, #tpu.memory_space<hbm>>) target(%dma_start3A_93 : memref<32x512xf32, #tpu.memory_space<vmem>>) target_semaphore(%arg8 : memref<!tpu.dma_semaphore, #tpu.memory_space<semaphore_mem>>)
    } else {
    }
    %scan3A = arith.constant 0 : i32
    %scan3A_5 = arith.constant 0 : i32
    %scan3A_6 = arith.constant 31 : i32
    %scan3A_7 = arith.addi %scan3A_5, %scan3A_6 : i32
    %scan3A_8 = arith.constant 1 : i32
    scf.for %scan3A_82 = %scan3A_5 to %scan3A_7 step %scan3A_8  : i32 {
      %mul3A_83 = arith.constant 2 : i32
      %mul3A_84 = arith.muli %mul3A_83, %scan3A_82 : i32
      %add3A_85 = arith.constant 1 : i32
      %add3A_86 = arith.addi %mul3A_84, %add3A_85 : i32
      %mul3A_87 = arith.constant 32 : i32
      %mul3A_88 = arith.muli %mul3A_87, %add3A_86 : i32
      %add3A_89 = arith.addi %add3A, %mul3A_88 : i32
      %lt3A_90 = arith.constant 1953 : i32
      %lt3A_91 = arith.cmpi slt, %add3A_89, %lt3A_90 : i32
      %convert_element_type3A_92 = arith.extui %lt3A_91 : i1 to i32
      %cond3A_93 = arith.constant 0 : i32
      %cond3A_94 = arith.cmpi ne, %convert_element_type3A_92, %cond3A_93 : i32
      scf.if %cond3A_94 {
        %mul3A_123 = arith.constant 512 : i32
        %mul3A_124 = arith.muli %add3A_89, %mul3A_123 : i32
        %dma_start3A = arith.constant 1 : i32
        %dma_start3A_125 = arith.constant 0 : i32
        %dma_start3A_126 = arith.constant 0 : i32
        %dma_start3A_127 = tpu.memref_slice %arg4[%dma_start3A, %dma_start3A_125, %dma_start3A_126] : memref<2x32x512xf32, #tpu.memory_space<vmem>> -> memref<1x32x512xf32, #tpu.memory_space<vmem>>
        %dma_start3A_128 = tpu.memref_squeeze %dma_start3A_127 : memref<1x32x512xf32, #tpu.memory_space<vmem>> -> memref<32x512xf32, #tpu.memory_space<vmem>>
        %dma_start3A_129 = arith.constant 0 : i32
        %dma_start3A_130 = tpu.memref_slice %arg2[%dma_start3A_129, %mul3A_124] : memref<32x1000000xf32, #tpu.memory_space<hbm>> -> memref<32x512xf32, #tpu.memory_space<hbm>>
        %dma_start3A_131 = arith.constant 0 : i32
        %dma_start3A_132 = arith.constant 0 : i32
        %dma_start3A_133 = tpu.memref_slice %arg4[%dma_start3A, %dma_start3A_131, %dma_start3A_132] : memref<2x32x512xf32, #tpu.memory_space<vmem>> -> memref<1x32x512xf32, #tpu.memory_space<vmem>>
        %dma_start3A_134 = tpu.memref_squeeze %dma_start3A_133 : memref<1x32x512xf32, #tpu.memory_space<vmem>> -> memref<32x512xf32, #tpu.memory_space<vmem>>
        %dma_start3A_135 = arith.constant 0 : i32
        %dma_start3A_136 = tpu.memref_slice %arg2[%dma_start3A_135, %mul3A_124] : memref<32x1000000xf32, #tpu.memory_space<hbm>> -> memref<32x512xf32, #tpu.memory_space<hbm>>
        tpu.enqueue_dma source(%dma_start3A_136 : memref<32x512xf32, #tpu.memory_space<hbm>>) target(%dma_start3A_134 : memref<32x512xf32, #tpu.memory_space<vmem>>) target_semaphore(%arg9 : memref<!tpu.dma_semaphore, #tpu.memory_space<semaphore_mem>>)
      } else {
      }
      %mul3A_95 = arith.constant 32 : i32
      %mul3A_96 = arith.muli %mul3A_95, %mul3A_84 : i32
      %add3A_97 = arith.addi %add3A, %mul3A_96 : i32
      %lt3A_98 = arith.constant 1953 : i32
      %lt3A_99 = arith.cmpi slt, %add3A_97, %lt3A_98 : i32
      %convert_element_type3A_100 = arith.extui %lt3A_99 : i1 to i32
      %cond3A_101 = arith.constant 0 : i32
      %cond3A_102 = arith.cmpi ne, %convert_element_type3A_100, %cond3A_101 : i32
      scf.if %cond3A_102 {
        %mul3A_123 = arith.constant 512 : i32
        %mul3A_124 = arith.muli %add3A_97, %mul3A_123 : i32
        %dma_wait3A_125 = arith.constant 0 : i32
        %dma_wait3A_126 = arith.constant 0 : i32
        %dma_wait3A_127 = arith.constant 0 : i32
        %dma_wait3A_128 = tpu.memref_slice %arg4[%dma_wait3A_125, %dma_wait3A_126, %dma_wait3A_127] : memref<2x32x512xf32, #tpu.memory_space<vmem>> -> memref<1x32x512xf32, #tpu.memory_space<vmem>>
        %dma_wait3A_129 = tpu.memref_squeeze %dma_wait3A_128 : memref<1x32x512xf32, #tpu.memory_space<vmem>> -> memref<32x512xf32, #tpu.memory_space<vmem>>
        %dma_wait3A_130 = arith.constant 0 : i32
        %dma_wait3A_131 = tpu.memref_slice %arg2[%dma_wait3A_130, %mul3A_124] : memref<32x1000000xf32, #tpu.memory_space<hbm>> -> memref<32x512xf32, #tpu.memory_space<hbm>>
        %dma_wait3A_132 = arith.constant 0 : i32
        %dma_wait3A_133 = arith.constant 0 : i32
        %dma_wait3A_134 = tpu.memref_slice %arg4[%dma_wait3A_125, %dma_wait3A_132, %dma_wait3A_133] : memref<2x32x512xf32, #tpu.memory_space<vmem>> -> memref<1x32x512xf32, #tpu.memory_space<vmem>>
        %dma_wait3A_135 = tpu.memref_squeeze %dma_wait3A_134 : memref<1x32x512xf32, #tpu.memory_space<vmem>> -> memref<32x512xf32, #tpu.memory_space<vmem>>
        %dma_wait3A_136 = arith.constant 0 : i32
        %dma_wait3A_137 = tpu.memref_slice %arg2[%dma_wait3A_136, %mul3A_124] : memref<32x1000000xf32, #tpu.memory_space<hbm>> -> memref<32x512xf32, #tpu.memory_space<hbm>>
        tpu.wait_dma2 semaphore(%arg8 : memref<!tpu.dma_semaphore, #tpu.memory_space<semaphore_mem>>) src(%dma_wait3A_137 : memref<32x512xf32, #tpu.memory_space<hbm>>) dst(%dma_wait3A_135 : memref<32x512xf32, #tpu.memory_space<vmem>>)
        %ge3A = arith.constant 2 : i32
        %ge3A_138 = arith.cmpi sge, %mul3A_84, %ge3A : i32
        %convert_element_type3A_139 = arith.extui %ge3A_138 : i1 to i32
        %cond3A_140 = arith.constant 0 : i32
        %cond3A_141 = arith.cmpi ne, %convert_element_type3A_139, %cond3A_140 : i32
        scf.if %cond3A_141 {
          %sub3A = arith.constant 64 : i32
          %sub3A_160 = arith.subi %add3A_97, %sub3A : i32
          %mul3A_161 = arith.constant 128 : i32
          %mul3A_162 = arith.muli %sub3A_160, %mul3A_161 : i32
          %dma_wait3A_163 = arith.constant 0 : i32
          %dma_wait3A_164 = arith.constant 0 : i32
          %dma_wait3A_165 = arith.constant 0 : i32
          %dma_wait3A_166 = tpu.memref_slice %arg5[%dma_wait3A_163, %dma_wait3A_164, %dma_wait3A_165] : memref<2x128x128xf32, #tpu.memory_space<vmem>> -> memref<1x128x128xf32, #tpu.memory_space<vmem>>
          %dma_wait3A_167 = tpu.memref_squeeze %dma_wait3A_166 : memref<1x128x128xf32, #tpu.memory_space<vmem>> -> memref<128x128xf32, #tpu.memory_space<vmem>>
          %dma_wait3A_168 = arith.constant 0 : i32
          %dma_wait3A_169 = tpu.memref_slice %arg3[%mul3A_162, %dma_wait3A_168] : memref<250000x128xf32, #tpu.memory_space<hbm>> -> memref<128x128xf32, #tpu.memory_space<hbm>>
          %dma_wait3A_170 = arith.constant 0 : i32
          %dma_wait3A_171 = tpu.memref_slice %arg3[%mul3A_162, %dma_wait3A_170] : memref<250000x128xf32, #tpu.memory_space<hbm>> -> memref<128x128xf32, #tpu.memory_space<hbm>>
          %dma_wait3A_172 = arith.constant 0 : i32
          %dma_wait3A_173 = arith.constant 0 : i32
          %dma_wait3A_174 = tpu.memref_slice %arg5[%dma_wait3A_163, %dma_wait3A_172, %dma_wait3A_173] : memref<2x128x128xf32, #tpu.memory_space<vmem>> -> memref<1x128x128xf32, #tpu.memory_space<vmem>>
          %dma_wait3A_175 = tpu.memref_squeeze %dma_wait3A_174 : memref<1x128x128xf32, #tpu.memory_space<vmem>> -> memref<128x128xf32, #tpu.memory_space<vmem>>
          tpu.wait_dma2 semaphore(%arg10 : memref<!tpu.dma_semaphore, #tpu.memory_space<semaphore_mem>>) src(%dma_wait3A_175 : memref<128x128xf32, #tpu.memory_space<vmem>>) dst(%dma_wait3A_171 : memref<128x128xf32, #tpu.memory_space<hbm>>)
        } else {
        }
        %parallel_loop3A = arith.constant 0 : i32
        %parallel_loop3A_142 = arith.constant 128 : i32
        %parallel_loop3A_143 = arith.constant 1 : i32
        %parallel_loop3A_144 = arith.constant 0 : i32
        %parallel_loop3A_145 = arith.constant 0 : i32
        scf.for %parallel_loop3A_160 = %parallel_loop3A to %parallel_loop3A_142 step %parallel_loop3A_143  : i32 {
          %parallel_loop3A_161 = arith.constant 0 : i32
          %parallel_loop3A_162 = vector.broadcast %parallel_loop3A_161 : i32 to vector<16xi32>
          %parallel_loop3A_163 = arith.constant 4 : i32
          %parallel_loop3A_164 = arith.muli %parallel_loop3A_163, %parallel_loop3A_160 : i32
          %parallel_loop3A_165 = arith.constant 0 : i32
          %parallel_loop3A_166 = arith.addi %parallel_loop3A_164, %parallel_loop3A_165 : i32
          %parallel_loop3A_167 = vector.broadcast %parallel_loop3A_166 : i32 to vector<16xi32>
          %parallel_loop3A_168 = arith.addi %parallel_loop3A_162, %parallel_loop3A_167 : vector<16xi32>
          %parallel_loop3A_169 = arith.constant 0 : i32
          %parallel_loop3A_170 = vector.broadcast %parallel_loop3A_169 : i32 to vector<16xi32>
          %parallel_loop3A_171 = arith.addi %iota3A, %parallel_loop3A_170 : vector<16xi32>
          %parallel_loop3A_172 = arith.constant 0 : i32
          %parallel_loop3A_173 = arith.constant 0 : i32
          %parallel_loop3A_174 = tpu.memref_slice %arg4[%parallel_loop3A_144, %parallel_loop3A_172, %parallel_loop3A_173] : memref<2x32x512xf32, #tpu.memory_space<vmem>> -> memref<1x32x512xf32, #tpu.memory_space<vmem>>
          %parallel_loop3A_175 = tpu.memref_squeeze %parallel_loop3A_174 : memref<1x32x512xf32, #tpu.memory_space<vmem>> -> memref<32x512xf32, #tpu.memory_space<vmem>>
          %parallel_loop3A_176 = tpu.vector_load_idx %parallel_loop3A_175[%parallel_loop3A_171, %parallel_loop3A_168] : memref<32x512xf32, #tpu.memory_space<vmem>>[vector<16xi32>, vector<16xi32>], vector<16xf32>,
          %parallel_loop3A_177 = arith.constant 0 : i32
          %parallel_loop3A_178 = arith.constant 0 : i32
          %parallel_loop3A_179 = tpu.memref_slice %arg5[%parallel_loop3A_145, %parallel_loop3A_177, %parallel_loop3A_178] : memref<2x128x128xf32, #tpu.memory_space<vmem>> -> memref<1x128x128xf32, #tpu.memory_space<vmem>>
          %parallel_loop3A_180 = tpu.memref_squeeze %parallel_loop3A_179 : memref<1x128x128xf32, #tpu.memory_space<vmem>> -> memref<128x128xf32, #tpu.memory_space<vmem>>
          %parallel_loop3A_181 = arith.index_cast %parallel_loop3A_160 : i32 to index
          %parallel_loop3A_182 = arith.constant 0 : index
          %parallel_loop3A_183 = tpu.vector_load %parallel_loop3A_180[%parallel_loop3A_181, %parallel_loop3A_182] {strides = array<i32>} : memref<128x128xf32, #tpu.memory_space<vmem>>, vector<16xf32>,
          tpu.vector_store %parallel_loop3A_180[%parallel_loop3A_181, %parallel_loop3A_182], %parallel_loop3A_176 {strides = array<i32>} : memref<128x128xf32, #tpu.memory_space<vmem>>, vector<16xf32>,
          %parallel_loop3A_184 = arith.constant 0 : i32
          %parallel_loop3A_185 = vector.broadcast %parallel_loop3A_184 : i32 to vector<16xi32>
          %parallel_loop3A_186 = arith.constant 4 : i32
          %parallel_loop3A_187 = arith.muli %parallel_loop3A_186, %parallel_loop3A_160 : i32
          %parallel_loop3A_188 = arith.constant 0 : i32
          %parallel_loop3A_189 = arith.addi %parallel_loop3A_187, %parallel_loop3A_188 : i32
          %parallel_loop3A_190 = vector.broadcast %parallel_loop3A_189 : i32 to vector<16xi32>
          %parallel_loop3A_191 = arith.addi %parallel_loop3A_185, %parallel_loop3A_190 : vector<16xi32>
          %parallel_loop3A_192 = arith.constant 16 : i32
          %parallel_loop3A_193 = vector.broadcast %parallel_loop3A_192 : i32 to vector<16xi32>
          %parallel_loop3A_194 = arith.addi %iota3A, %parallel_loop3A_193 : vector<16xi32>
          %parallel_loop3A_195 = arith.constant 0 : i32
          %parallel_loop3A_196 = arith.constant 0 : i32
          %parallel_loop3A_197 = tpu.memref_slice %arg4[%parallel_loop3A_144, %parallel_loop3A_195, %parallel_loop3A_196] : memref<2x32x512xf32, #tpu.memory_space<vmem>> -> memref<1x32x512xf32, #tpu.memory_space<vmem>>
          %parallel_loop3A_198 = tpu.memref_squeeze %parallel_loop3A_197 : memref<1x32x512xf32, #tpu.memory_space<vmem>> -> memref<32x512xf32, #tpu.memory_space<vmem>>
          %parallel_loop3A_199 = tpu.vector_load_idx %parallel_loop3A_198[%parallel_loop3A_194, %parallel_loop3A_191] : memref<32x512xf32, #tpu.memory_space<vmem>>[vector<16xi32>, vector<16xi32>], vector<16xf32>,
          %parallel_loop3A_200 = arith.constant 0 : i32
          %parallel_loop3A_201 = arith.constant 0 : i32
          %parallel_loop3A_202 = tpu.memref_slice %arg5[%parallel_loop3A_145, %parallel_loop3A_200, %parallel_loop3A_201] : memref<2x128x128xf32, #tpu.memory_space<vmem>> -> memref<1x128x128xf32, #tpu.memory_space<vmem>>
          %parallel_loop3A_203 = tpu.memref_squeeze %parallel_loop3A_202 : memref<1x128x128xf32, #tpu.memory_space<vmem>> -> memref<128x128xf32, #tpu.memory_space<vmem>>
          %parallel_loop3A_204 = arith.index_cast %parallel_loop3A_160 : i32 to index
          %parallel_loop3A_205 = arith.constant 16 : index
          %parallel_loop3A_206 = tpu.vector_load %parallel_loop3A_203[%parallel_loop3A_204, %parallel_loop3A_205] {strides = array<i32>} : memref<128x128xf32, #tpu.memory_space<vmem>>, vector<16xf32>,
          tpu.vector_store %parallel_loop3A_203[%parallel_loop3A_204, %parallel_loop3A_205], %parallel_loop3A_199 {strides = array<i32>} : memref<128x128xf32, #tpu.memory_space<vmem>>, vector<16xf32>,
          %parallel_loop3A_207 = arith.constant 0 : i32
          %parallel_loop3A_208 = vector.broadcast %parallel_loop3A_207 : i32 to vector<16xi32>
          %parallel_loop3A_209 = arith.constant 4 : i32
          %parallel_loop3A_210 = arith.muli %parallel_loop3A_209, %parallel_loop3A_160 : i32
          %parallel_loop3A_211 = arith.constant 1 : i32
          %parallel_loop3A_212 = arith.addi %parallel_loop3A_210, %parallel_loop3A_211 : i32
          %parallel_loop3A_213 = vector.broadcast %parallel_loop3A_212 : i32 to vector<16xi32>
          %parallel_loop3A_214 = arith.addi %parallel_loop3A_208, %parallel_loop3A_213 : vector<16xi32>
          %parallel_loop3A_215 = arith.constant 0 : i32
          %parallel_loop3A_216 = vector.broadcast %parallel_loop3A_215 : i32 to vector<16xi32>
          %parallel_loop3A_217 = arith.addi %iota3A, %parallel_loop3A_216 : vector<16xi32>
          %parallel_loop3A_218 = arith.constant 0 : i32
          %parallel_loop3A_219 = arith.constant 0 : i32
          %parallel_loop3A_220 = tpu.memref_slice %arg4[%parallel_loop3A_144, %parallel_loop3A_218, %parallel_loop3A_219] : memref<2x32x512xf32, #tpu.memory_space<vmem>> -> memref<1x32x512xf32, #tpu.memory_space<vmem>>
          %parallel_loop3A_221 = tpu.memref_squeeze %parallel_loop3A_220 : memref<1x32x512xf32, #tpu.memory_space<vmem>> -> memref<32x512xf32, #tpu.memory_space<vmem>>
          %parallel_loop3A_222 = tpu.vector_load_idx %parallel_loop3A_221[%parallel_loop3A_217, %parallel_loop3A_214] : memref<32x512xf32, #tpu.memory_space<vmem>>[vector<16xi32>, vector<16xi32>], vector<16xf32>,
          %parallel_loop3A_223 = arith.constant 0 : i32
          %parallel_loop3A_224 = arith.constant 0 : i32
          %parallel_loop3A_225 = tpu.memref_slice %arg5[%parallel_loop3A_145, %parallel_loop3A_223, %parallel_loop3A_224] : memref<2x128x128xf32, #tpu.memory_space<vmem>> -> memref<1x128x128xf32, #tpu.memory_space<vmem>>
          %parallel_loop3A_226 = tpu.memref_squeeze %parallel_loop3A_225 : memref<1x128x128xf32, #tpu.memory_space<vmem>> -> memref<128x128xf32, #tpu.memory_space<vmem>>
          %parallel_loop3A_227 = arith.index_cast %parallel_loop3A_160 : i32 to index
          %parallel_loop3A_228 = arith.constant 32 : index
          %parallel_loop3A_229 = tpu.vector_load %parallel_loop3A_226[%parallel_loop3A_227, %parallel_loop3A_228] {strides = array<i32>} : memref<128x128xf32, #tpu.memory_space<vmem>>, vector<16xf32>,
          tpu.vector_store %parallel_loop3A_226[%parallel_loop3A_227, %parallel_loop3A_228], %parallel_loop3A_222 {strides = array<i32>} : memref<128x128xf32, #tpu.memory_space<vmem>>, vector<16xf32>,
          %parallel_loop3A_230 = arith.constant 0 : i32
          %parallel_loop3A_231 = vector.broadcast %parallel_loop3A_230 : i32 to vector<16xi32>
          %parallel_loop3A_232 = arith.constant 4 : i32
          %parallel_loop3A_233 = arith.muli %parallel_loop3A_232, %parallel_loop3A_160 : i32
          %parallel_loop3A_234 = arith.constant 1 : i32
          %parallel_loop3A_235 = arith.addi %parallel_loop3A_233, %parallel_loop3A_234 : i32
          %parallel_loop3A_236 = vector.broadcast %parallel_loop3A_235 : i32 to vector<16xi32>
          %parallel_loop3A_237 = arith.addi %parallel_loop3A_231, %parallel_loop3A_236 : vector<16xi32>
          %parallel_loop3A_238 = arith.constant 16 : i32
          %parallel_loop3A_239 = vector.broadcast %parallel_loop3A_238 : i32 to vector<16xi32>
          %parallel_loop3A_240 = arith.addi %iota3A, %parallel_loop3A_239 : vector<16xi32>
          %parallel_loop3A_241 = arith.constant 0 : i32
          %parallel_loop3A_242 = arith.constant 0 : i32
          %parallel_loop3A_243 = tpu.memref_slice %arg4[%parallel_loop3A_144, %parallel_loop3A_241, %parallel_loop3A_242] : memref<2x32x512xf32, #tpu.memory_space<vmem>> -> memref<1x32x512xf32, #tpu.memory_space<vmem>>
          %parallel_loop3A_244 = tpu.memref_squeeze %parallel_loop3A_243 : memref<1x32x512xf32, #tpu.memory_space<vmem>> -> memref<32x512xf32, #tpu.memory_space<vmem>>
          %parallel_loop3A_245 = tpu.vector_load_idx %parallel_loop3A_244[%parallel_loop3A_240, %parallel_loop3A_237] : memref<32x512xf32, #tpu.memory_space<vmem>>[vector<16xi32>, vector<16xi32>], vector<16xf32>,
          %parallel_loop3A_246 = arith.constant 0 : i32
          %parallel_loop3A_247 = arith.constant 0 : i32
          %parallel_loop3A_248 = tpu.memref_slice %arg5[%parallel_loop3A_145, %parallel_loop3A_246, %parallel_loop3A_247] : memref<2x128x128xf32, #tpu.memory_space<vmem>> -> memref<1x128x128xf32, #tpu.memory_space<vmem>>
          %parallel_loop3A_249 = tpu.memref_squeeze %parallel_loop3A_248 : memref<1x128x128xf32, #tpu.memory_space<vmem>> -> memref<128x128xf32, #tpu.memory_space<vmem>>
          %parallel_loop3A_250 = arith.index_cast %parallel_loop3A_160 : i32 to index
          %parallel_loop3A_251 = arith.constant 48 : index
          %parallel_loop3A_252 = tpu.vector_load %parallel_loop3A_249[%parallel_loop3A_250, %parallel_loop3A_251] {strides = array<i32>} : memref<128x128xf32, #tpu.memory_space<vmem>>, vector<16xf32>,
          tpu.vector_store %parallel_loop3A_249[%parallel_loop3A_250, %parallel_loop3A_251], %parallel_loop3A_245 {strides = array<i32>} : memref<128x128xf32, #tpu.memory_space<vmem>>, vector<16xf32>,
          %parallel_loop3A_253 = arith.constant 0 : i32
          %parallel_loop3A_254 = vector.broadcast %parallel_loop3A_253 : i32 to vector<16xi32>
          %parallel_loop3A_255 = arith.constant 4 : i32
          %parallel_loop3A_256 = arith.muli %parallel_loop3A_255, %parallel_loop3A_160 : i32
          %parallel_loop3A_257 = arith.constant 2 : i32
          %parallel_loop3A_258 = arith.addi %parallel_loop3A_256, %parallel_loop3A_257 : i32
          %parallel_loop3A_259 = vector.broadcast %parallel_loop3A_258 : i32 to vector<16xi32>
          %parallel_loop3A_260 = arith.addi %parallel_loop3A_254, %parallel_loop3A_259 : vector<16xi32>
          %parallel_loop3A_261 = arith.constant 0 : i32
          %parallel_loop3A_262 = vector.broadcast %parallel_loop3A_261 : i32 to vector<16xi32>
          %parallel_loop3A_263 = arith.addi %iota3A, %parallel_loop3A_262 : vector<16xi32>
          %parallel_loop3A_264 = arith.constant 0 : i32
          %parallel_loop3A_265 = arith.constant 0 : i32
          %parallel_loop3A_266 = tpu.memref_slice %arg4[%parallel_loop3A_144, %parallel_loop3A_264, %parallel_loop3A_265] : memref<2x32x512xf32, #tpu.memory_space<vmem>> -> memref<1x32x512xf32, #tpu.memory_space<vmem>>
          %parallel_loop3A_267 = tpu.memref_squeeze %parallel_loop3A_266 : memref<1x32x512xf32, #tpu.memory_space<vmem>> -> memref<32x512xf32, #tpu.memory_space<vmem>>
          %parallel_loop3A_268 = tpu.vector_load_idx %parallel_loop3A_267[%parallel_loop3A_263, %parallel_loop3A_260] : memref<32x512xf32, #tpu.memory_space<vmem>>[vector<16xi32>, vector<16xi32>], vector<16xf32>,
          %parallel_loop3A_269 = arith.constant 0 : i32
          %parallel_loop3A_270 = arith.constant 0 : i32
          %parallel_loop3A_271 = tpu.memref_slice %arg5[%parallel_loop3A_145, %parallel_loop3A_269, %parallel_loop3A_270] : memref<2x128x128xf32, #tpu.memory_space<vmem>> -> memref<1x128x128xf32, #tpu.memory_space<vmem>>
          %parallel_loop3A_272 = tpu.memref_squeeze %parallel_loop3A_271 : memref<1x128x128xf32, #tpu.memory_space<vmem>> -> memref<128x128xf32, #tpu.memory_space<vmem>>
          %parallel_loop3A_273 = arith.index_cast %parallel_loop3A_160 : i32 to index
          %parallel_loop3A_274 = arith.constant 64 : index
          %parallel_loop3A_275 = tpu.vector_load %parallel_loop3A_272[%parallel_loop3A_273, %parallel_loop3A_274] {strides = array<i32>} : memref<128x128xf32, #tpu.memory_space<vmem>>, vector<16xf32>,
          tpu.vector_store %parallel_loop3A_272[%parallel_loop3A_273, %parallel_loop3A_274], %parallel_loop3A_268 {strides = array<i32>} : memref<128x128xf32, #tpu.memory_space<vmem>>, vector<16xf32>,
          %parallel_loop3A_276 = arith.constant 0 : i32
          %parallel_loop3A_277 = vector.broadcast %parallel_loop3A_276 : i32 to vector<16xi32>
          %parallel_loop3A_278 = arith.constant 4 : i32
          %parallel_loop3A_279 = arith.muli %parallel_loop3A_278, %parallel_loop3A_160 : i32
          %parallel_loop3A_280 = arith.constant 2 : i32
          %parallel_loop3A_281 = arith.addi %parallel_loop3A_279, %parallel_loop3A_280 : i32
          %parallel_loop3A_282 = vector.broadcast %parallel_loop3A_281 : i32 to vector<16xi32>
          %parallel_loop3A_283 = arith.addi %parallel_loop3A_277, %parallel_loop3A_282 : vector<16xi32>
          %parallel_loop3A_284 = arith.constant 16 : i32
          %parallel_loop3A_285 = vector.broadcast %parallel_loop3A_284 : i32 to vector<16xi32>
          %parallel_loop3A_286 = arith.addi %iota3A, %parallel_loop3A_285 : vector<16xi32>
          %parallel_loop3A_287 = arith.constant 0 : i32
          %parallel_loop3A_288 = arith.constant 0 : i32
          %parallel_loop3A_289 = tpu.memref_slice %arg4[%parallel_loop3A_144, %parallel_loop3A_287, %parallel_loop3A_288] : memref<2x32x512xf32, #tpu.memory_space<vmem>> -> memref<1x32x512xf32, #tpu.memory_space<vmem>>
          %parallel_loop3A_290 = tpu.memref_squeeze %parallel_loop3A_289 : memref<1x32x512xf32, #tpu.memory_space<vmem>> -> memref<32x512xf32, #tpu.memory_space<vmem>>
          %parallel_loop3A_291 = tpu.vector_load_idx %parallel_loop3A_290[%parallel_loop3A_286, %parallel_loop3A_283] : memref<32x512xf32, #tpu.memory_space<vmem>>[vector<16xi32>, vector<16xi32>], vector<16xf32>,
          %parallel_loop3A_292 = arith.constant 0 : i32
          %parallel_loop3A_293 = arith.constant 0 : i32
          %parallel_loop3A_294 = tpu.memref_slice %arg5[%parallel_loop3A_145, %parallel_loop3A_292, %parallel_loop3A_293] : memref<2x128x128xf32, #tpu.memory_space<vmem>> -> memref<1x128x128xf32, #tpu.memory_space<vmem>>
          %parallel_loop3A_295 = tpu.memref_squeeze %parallel_loop3A_294 : memref<1x128x128xf32, #tpu.memory_space<vmem>> -> memref<128x128xf32, #tpu.memory_space<vmem>>
          %parallel_loop3A_296 = arith.index_cast %parallel_loop3A_160 : i32 to index
          %parallel_loop3A_297 = arith.constant 80 : index
          %parallel_loop3A_298 = tpu.vector_load %parallel_loop3A_295[%parallel_loop3A_296, %parallel_loop3A_297] {strides = array<i32>} : memref<128x128xf32, #tpu.memory_space<vmem>>, vector<16xf32>,
          tpu.vector_store %parallel_loop3A_295[%parallel_loop3A_296, %parallel_loop3A_297], %parallel_loop3A_291 {strides = array<i32>} : memref<128x128xf32, #tpu.memory_space<vmem>>, vector<16xf32>,
          %parallel_loop3A_299 = arith.constant 0 : i32
          %parallel_loop3A_300 = vector.broadcast %parallel_loop3A_299 : i32 to vector<16xi32>
          %parallel_loop3A_301 = arith.constant 4 : i32
          %parallel_loop3A_302 = arith.muli %parallel_loop3A_301, %parallel_loop3A_160 : i32
          %parallel_loop3A_303 = arith.constant 3 : i32
          %parallel_loop3A_304 = arith.addi %parallel_loop3A_302, %parallel_loop3A_303 : i32
          %parallel_loop3A_305 = vector.broadcast %parallel_loop3A_304 : i32 to vector<16xi32>
          %parallel_loop3A_306 = arith.addi %parallel_loop3A_300, %parallel_loop3A_305 : vector<16xi32>
          %parallel_loop3A_307 = arith.constant 0 : i32
          %parallel_loop3A_308 = vector.broadcast %parallel_loop3A_307 : i32 to vector<16xi32>
          %parallel_loop3A_309 = arith.addi %iota3A, %parallel_loop3A_308 : vector<16xi32>
          %parallel_loop3A_310 = arith.constant 0 : i32
          %parallel_loop3A_311 = arith.constant 0 : i32
          %parallel_loop3A_312 = tpu.memref_slice %arg4[%parallel_loop3A_144, %parallel_loop3A_310, %parallel_loop3A_311] : memref<2x32x512xf32, #tpu.memory_space<vmem>> -> memref<1x32x512xf32, #tpu.memory_space<vmem>>
          %parallel_loop3A_313 = tpu.memref_squeeze %parallel_loop3A_312 : memref<1x32x512xf32, #tpu.memory_space<vmem>> -> memref<32x512xf32, #tpu.memory_space<vmem>>
          %parallel_loop3A_314 = tpu.vector_load_idx %parallel_loop3A_313[%parallel_loop3A_309, %parallel_loop3A_306] : memref<32x512xf32, #tpu.memory_space<vmem>>[vector<16xi32>, vector<16xi32>], vector<16xf32>,
          %parallel_loop3A_315 = arith.constant 0 : i32
          %parallel_loop3A_316 = arith.constant 0 : i32
          %parallel_loop3A_317 = tpu.memref_slice %arg5[%parallel_loop3A_145, %parallel_loop3A_315, %parallel_loop3A_316] : memref<2x128x128xf32, #tpu.memory_space<vmem>> -> memref<1x128x128xf32, #tpu.memory_space<vmem>>
          %parallel_loop3A_318 = tpu.memref_squeeze %parallel_loop3A_317 : memref<1x128x128xf32, #tpu.memory_space<vmem>> -> memref<128x128xf32, #tpu.memory_space<vmem>>
          %parallel_loop3A_319 = arith.index_cast %parallel_loop3A_160 : i32 to index
          %parallel_loop3A_320 = arith.constant 96 : index
          %parallel_loop3A_321 = tpu.vector_load %parallel_loop3A_318[%parallel_loop3A_319, %parallel_loop3A_320] {strides = array<i32>} : memref<128x128xf32, #tpu.memory_space<vmem>>, vector<16xf32>,
          tpu.vector_store %parallel_loop3A_318[%parallel_loop3A_319, %parallel_loop3A_320], %parallel_loop3A_314 {strides = array<i32>} : memref<128x128xf32, #tpu.memory_space<vmem>>, vector<16xf32>,
          %parallel_loop3A_322 = arith.constant 0 : i32
          %parallel_loop3A_323 = vector.broadcast %parallel_loop3A_322 : i32 to vector<16xi32>
          %parallel_loop3A_324 = arith.constant 4 : i32
          %parallel_loop3A_325 = arith.muli %parallel_loop3A_324, %parallel_loop3A_160 : i32
          %parallel_loop3A_326 = arith.constant 3 : i32
          %parallel_loop3A_327 = arith.addi %parallel_loop3A_325, %parallel_loop3A_326 : i32
          %parallel_loop3A_328 = vector.broadcast %parallel_loop3A_327 : i32 to vector<16xi32>
          %parallel_loop3A_329 = arith.addi %parallel_loop3A_323, %parallel_loop3A_328 : vector<16xi32>
          %parallel_loop3A_330 = arith.constant 16 : i32
          %parallel_loop3A_331 = vector.broadcast %parallel_loop3A_330 : i32 to vector<16xi32>
          %parallel_loop3A_332 = arith.addi %iota3A, %parallel_loop3A_331 : vector<16xi32>
          %parallel_loop3A_333 = arith.constant 0 : i32
          %parallel_loop3A_334 = arith.constant 0 : i32
          %parallel_loop3A_335 = tpu.memref_slice %arg4[%parallel_loop3A_144, %parallel_loop3A_333, %parallel_loop3A_334] : memref<2x32x512xf32, #tpu.memory_space<vmem>> -> memref<1x32x512xf32, #tpu.memory_space<vmem>>
          %parallel_loop3A_336 = tpu.memref_squeeze %parallel_loop3A_335 : memref<1x32x512xf32, #tpu.memory_space<vmem>> -> memref<32x512xf32, #tpu.memory_space<vmem>>
          %parallel_loop3A_337 = tpu.vector_load_idx %parallel_loop3A_336[%parallel_loop3A_332, %parallel_loop3A_329] : memref<32x512xf32, #tpu.memory_space<vmem>>[vector<16xi32>, vector<16xi32>], vector<16xf32>,
          %parallel_loop3A_338 = arith.constant 0 : i32
          %parallel_loop3A_339 = arith.constant 0 : i32
          %parallel_loop3A_340 = tpu.memref_slice %arg5[%parallel_loop3A_145, %parallel_loop3A_338, %parallel_loop3A_339] : memref<2x128x128xf32, #tpu.memory_space<vmem>> -> memref<1x128x128xf32, #tpu.memory_space<vmem>>
          %parallel_loop3A_341 = tpu.memref_squeeze %parallel_loop3A_340 : memref<1x128x128xf32, #tpu.memory_space<vmem>> -> memref<128x128xf32, #tpu.memory_space<vmem>>
          %parallel_loop3A_342 = arith.index_cast %parallel_loop3A_160 : i32 to index
          %parallel_loop3A_343 = arith.constant 112 : index
          %parallel_loop3A_344 = tpu.vector_load %parallel_loop3A_341[%parallel_loop3A_342, %parallel_loop3A_343] {strides = array<i32>} : memref<128x128xf32, #tpu.memory_space<vmem>>, vector<16xf32>,
          tpu.vector_store %parallel_loop3A_341[%parallel_loop3A_342, %parallel_loop3A_343], %parallel_loop3A_337 {strides = array<i32>} : memref<128x128xf32, #tpu.memory_space<vmem>>, vector<16xf32>,
        } {sc.loop_unroll_factor = 8 : i64, sc.parallel_access}
        %mul3A_146 = arith.constant 128 : i32
        %mul3A_147 = arith.muli %add3A_97, %mul3A_146 : i32
        %dma_start3A = arith.constant 0 : i32
        %dma_start3A_148 = arith.constant 0 : i32
        %dma_start3A_149 = arith.constant 0 : i32
        %dma_start3A_150 = tpu.memref_slice %arg5[%dma_start3A, %dma_start3A_148, %dma_start3A_149] : memref<2x128x128xf32, #tpu.memory_space<vmem>> -> memref<1x128x128xf32, #tpu.memory_space<vmem>>
        %dma_start3A_151 = tpu.memref_squeeze %dma_start3A_150 : memref<1x128x128xf32, #tpu.memory_space<vmem>> -> memref<128x128xf32, #tpu.memory_space<vmem>>
        %dma_start3A_152 = arith.constant 0 : i32
        %dma_start3A_153 = tpu.memref_slice %arg3[%mul3A_147, %dma_start3A_152] : memref<250000x128xf32, #tpu.memory_space<hbm>> -> memref<128x128xf32, #tpu.memory_space<hbm>>
        %dma_start3A_154 = arith.constant 0 : i32
        %dma_start3A_155 = tpu.memref_slice %arg3[%mul3A_147, %dma_start3A_154] : memref<250000x128xf32, #tpu.memory_space<hbm>> -> memref<128x128xf32, #tpu.memory_space<hbm>>
        %dma_start3A_156 = arith.constant 0 : i32
        %dma_start3A_157 = arith.constant 0 : i32
        %dma_start3A_158 = tpu.memref_slice %arg5[%dma_start3A, %dma_start3A_156, %dma_start3A_157] : memref<2x128x128xf32, #tpu.memory_space<vmem>> -> memref<1x128x128xf32, #tpu.memory_space<vmem>>
        %dma_start3A_159 = tpu.memref_squeeze %dma_start3A_158 : memref<1x128x128xf32, #tpu.memory_space<vmem>> -> memref<128x128xf32, #tpu.memory_space<vmem>>
        tpu.enqueue_dma source(%dma_start3A_159 : memref<128x128xf32, #tpu.memory_space<vmem>>) target(%dma_start3A_155 : memref<128x128xf32, #tpu.memory_space<hbm>>) target_semaphore(%arg10 : memref<!tpu.dma_semaphore, #tpu.memory_space<semaphore_mem>>)
      } else {
      }
      %add3A_103 = arith.constant 2 : i32
      %add3A_104 = arith.addi %mul3A_84, %add3A_103 : i32
      %mul3A_105 = arith.constant 32 : i32
      %mul3A_106 = arith.muli %mul3A_105, %add3A_104 : i32
      %add3A_107 = arith.addi %add3A, %mul3A_106 : i32
      %lt3A_108 = arith.constant 1953 : i32
      %lt3A_109 = arith.cmpi slt, %add3A_107, %lt3A_108 : i32
      %convert_element_type3A_110 = arith.extui %lt3A_109 : i1 to i32
      %cond3A_111 = arith.constant 0 : i32
      %cond3A_112 = arith.cmpi ne, %convert_element_type3A_110, %cond3A_111 : i32
      scf.if %cond3A_112 {
        %mul3A_123 = arith.constant 512 : i32
        %mul3A_124 = arith.muli %add3A_107, %mul3A_123 : i32
        %dma_start3A = arith.constant 0 : i32
        %dma_start3A_125 = arith.constant 0 : i32
        %dma_start3A_126 = arith.constant 0 : i32
        %dma_start3A_127 = tpu.memref_slice %arg4[%dma_start3A, %dma_start3A_125, %dma_start3A_126] : memref<2x32x512xf32, #tpu.memory_space<vmem>> -> memref<1x32x512xf32, #tpu.memory_space<vmem>>
        %dma_start3A_128 = tpu.memref_squeeze %dma_start3A_127 : memref<1x32x512xf32, #tpu.memory_space<vmem>> -> memref<32x512xf32, #tpu.memory_space<vmem>>
        %dma_start3A_129 = arith.constant 0 : i32
        %dma_start3A_130 = tpu.memref_slice %arg2[%dma_start3A_129, %mul3A_124] : memref<32x1000000xf32, #tpu.memory_space<hbm>> -> memref<32x512xf32, #tpu.memory_space<hbm>>
        %dma_start3A_131 = arith.constant 0 : i32
        %dma_start3A_132 = arith.constant 0 : i32
        %dma_start3A_133 = tpu.memref_slice %arg4[%dma_start3A, %dma_start3A_131, %dma_start3A_132] : memref<2x32x512xf32, #tpu.memory_space<vmem>> -> memref<1x32x512xf32, #tpu.memory_space<vmem>>
        %dma_start3A_134 = tpu.memref_squeeze %dma_start3A_133 : memref<1x32x512xf32, #tpu.memory_space<vmem>> -> memref<32x512xf32, #tpu.memory_space<vmem>>
        %dma_start3A_135 = arith.constant 0 : i32
        %dma_start3A_136 = tpu.memref_slice %arg2[%dma_start3A_135, %mul3A_124] : memref<32x1000000xf32, #tpu.memory_space<hbm>> -> memref<32x512xf32, #tpu.memory_space<hbm>>
        tpu.enqueue_dma source(%dma_start3A_136 : memref<32x512xf32, #tpu.memory_space<hbm>>) target(%dma_start3A_134 : memref<32x512xf32, #tpu.memory_space<vmem>>) target_semaphore(%arg8 : memref<!tpu.dma_semaphore, #tpu.memory_space<semaphore_mem>>)
      } else {
      }
      %add3A_113 = arith.constant 1 : i32
      %add3A_114 = arith.addi %mul3A_84, %add3A_113 : i32
      %mul3A_115 = arith.constant 32 : i32
      %mul3A_116 = arith.muli %mul3A_115, %add3A_114 : i32
      %add3A_117 = arith.addi %add3A, %mul3A_116 : i32
      %lt3A_118 = arith.constant 1953 : i32
      %lt3A_119 = arith.cmpi slt, %add3A_117, %lt3A_118 : i32
      %convert_element_type3A_120 = arith.extui %lt3A_119 : i1 to i32
      %cond3A_121 = arith.constant 0 : i32
      %cond3A_122 = arith.cmpi ne, %convert_element_type3A_120, %cond3A_121 : i32
      scf.if %cond3A_122 {
        %mul3A_123 = arith.constant 512 : i32
        %mul3A_124 = arith.muli %add3A_117, %mul3A_123 : i32
        %dma_wait3A_125 = arith.constant 1 : i32
        %dma_wait3A_126 = arith.constant 0 : i32
        %dma_wait3A_127 = arith.constant 0 : i32
        %dma_wait3A_128 = tpu.memref_slice %arg4[%dma_wait3A_125, %dma_wait3A_126, %dma_wait3A_127] : memref<2x32x512xf32, #tpu.memory_space<vmem>> -> memref<1x32x512xf32, #tpu.memory_space<vmem>>
        %dma_wait3A_129 = tpu.memref_squeeze %dma_wait3A_128 : memref<1x32x512xf32, #tpu.memory_space<vmem>> -> memref<32x512xf32, #tpu.memory_space<vmem>>
        %dma_wait3A_130 = arith.constant 0 : i32
        %dma_wait3A_131 = tpu.memref_slice %arg2[%dma_wait3A_130, %mul3A_124] : memref<32x1000000xf32, #tpu.memory_space<hbm>> -> memref<32x512xf32, #tpu.memory_space<hbm>>
        %dma_wait3A_132 = arith.constant 0 : i32
        %dma_wait3A_133 = arith.constant 0 : i32
        %dma_wait3A_134 = tpu.memref_slice %arg4[%dma_wait3A_125, %dma_wait3A_132, %dma_wait3A_133] : memref<2x32x512xf32, #tpu.memory_space<vmem>> -> memref<1x32x512xf32, #tpu.memory_space<vmem>>
        %dma_wait3A_135 = tpu.memref_squeeze %dma_wait3A_134 : memref<1x32x512xf32, #tpu.memory_space<vmem>> -> memref<32x512xf32, #tpu.memory_space<vmem>>
        %dma_wait3A_136 = arith.constant 0 : i32
        %dma_wait3A_137 = tpu.memref_slice %arg2[%dma_wait3A_136, %mul3A_124] : memref<32x1000000xf32, #tpu.memory_space<hbm>> -> memref<32x512xf32, #tpu.memory_space<hbm>>
        tpu.wait_dma2 semaphore(%arg9 : memref<!tpu.dma_semaphore, #tpu.memory_space<semaphore_mem>>) src(%dma_wait3A_137 : memref<32x512xf32, #tpu.memory_space<hbm>>) dst(%dma_wait3A_135 : memref<32x512xf32, #tpu.memory_space<vmem>>)
        %ge3A = arith.constant 2 : i32
        %ge3A_138 = arith.cmpi sge, %add3A_114, %ge3A : i32
        %convert_element_type3A_139 = arith.extui %ge3A_138 : i1 to i32
        %cond3A_140 = arith.constant 0 : i32
        %cond3A_141 = arith.cmpi ne, %convert_element_type3A_139, %cond3A_140 : i32
        scf.if %cond3A_141 {
          %sub3A = arith.constant 64 : i32
          %sub3A_160 = arith.subi %add3A_117, %sub3A : i32
          %mul3A_161 = arith.constant 128 : i32
          %mul3A_162 = arith.muli %sub3A_160, %mul3A_161 : i32
          %dma_wait3A_163 = arith.constant 1 : i32
          %dma_wait3A_164 = arith.constant 0 : i32
          %dma_wait3A_165 = arith.constant 0 : i32
          %dma_wait3A_166 = tpu.memref_slice %arg5[%dma_wait3A_163, %dma_wait3A_164, %dma_wait3A_165] : memref<2x128x128xf32, #tpu.memory_space<vmem>> -> memref<1x128x128xf32, #tpu.memory_space<vmem>>
          %dma_wait3A_167 = tpu.memref_squeeze %dma_wait3A_166 : memref<1x128x128xf32, #tpu.memory_space<vmem>> -> memref<128x128xf32, #tpu.memory_space<vmem>>
          %dma_wait3A_168 = arith.constant 0 : i32
          %dma_wait3A_169 = tpu.memref_slice %arg3[%mul3A_162, %dma_wait3A_168] : memref<250000x128xf32, #tpu.memory_space<hbm>> -> memref<128x128xf32, #tpu.memory_space<hbm>>
          %dma_wait3A_170 = arith.constant 0 : i32
          %dma_wait3A_171 = tpu.memref_slice %arg3[%mul3A_162, %dma_wait3A_170] : memref<250000x128xf32, #tpu.memory_space<hbm>> -> memref<128x128xf32, #tpu.memory_space<hbm>>
          %dma_wait3A_172 = arith.constant 0 : i32
          %dma_wait3A_173 = arith.constant 0 : i32
          %dma_wait3A_174 = tpu.memref_slice %arg5[%dma_wait3A_163, %dma_wait3A_172, %dma_wait3A_173] : memref<2x128x128xf32, #tpu.memory_space<vmem>> -> memref<1x128x128xf32, #tpu.memory_space<vmem>>
          %dma_wait3A_175 = tpu.memref_squeeze %dma_wait3A_174 : memref<1x128x128xf32, #tpu.memory_space<vmem>> -> memref<128x128xf32, #tpu.memory_space<vmem>>
          tpu.wait_dma2 semaphore(%arg11 : memref<!tpu.dma_semaphore, #tpu.memory_space<semaphore_mem>>) src(%dma_wait3A_175 : memref<128x128xf32, #tpu.memory_space<vmem>>) dst(%dma_wait3A_171 : memref<128x128xf32, #tpu.memory_space<hbm>>)
        } else {
        }
        %parallel_loop3A = arith.constant 0 : i32
        %parallel_loop3A_142 = arith.constant 128 : i32
        %parallel_loop3A_143 = arith.constant 1 : i32
        %parallel_loop3A_144 = arith.constant 1 : i32
        %parallel_loop3A_145 = arith.constant 1 : i32
        scf.for %parallel_loop3A_160 = %parallel_loop3A to %parallel_loop3A_142 step %parallel_loop3A_143  : i32 {
          %parallel_loop3A_161 = arith.constant 0 : i32
          %parallel_loop3A_162 = vector.broadcast %parallel_loop3A_161 : i32 to vector<16xi32>
          %parallel_loop3A_163 = arith.constant 4 : i32
          %parallel_loop3A_164 = arith.muli %parallel_loop3A_163, %parallel_loop3A_160 : i32
          %parallel_loop3A_165 = arith.constant 0 : i32
          %parallel_loop3A_166 = arith.addi %parallel_loop3A_164, %parallel_loop3A_165 : i32
          %parallel_loop3A_167 = vector.broadcast %parallel_loop3A_166 : i32 to vector<16xi32>
          %parallel_loop3A_168 = arith.addi %parallel_loop3A_162, %parallel_loop3A_167 : vector<16xi32>
          %parallel_loop3A_169 = arith.constant 0 : i32
          %parallel_loop3A_170 = vector.broadcast %parallel_loop3A_169 : i32 to vector<16xi32>
          %parallel_loop3A_171 = arith.addi %iota3A, %parallel_loop3A_170 : vector<16xi32>
          %parallel_loop3A_172 = arith.constant 0 : i32
          %parallel_loop3A_173 = arith.constant 0 : i32
          %parallel_loop3A_174 = tpu.memref_slice %arg4[%parallel_loop3A_144, %parallel_loop3A_172, %parallel_loop3A_173] : memref<2x32x512xf32, #tpu.memory_space<vmem>> -> memref<1x32x512xf32, #tpu.memory_space<vmem>>
          %parallel_loop3A_175 = tpu.memref_squeeze %parallel_loop3A_174 : memref<1x32x512xf32, #tpu.memory_space<vmem>> -> memref<32x512xf32, #tpu.memory_space<vmem>>
          %parallel_loop3A_176 = tpu.vector_load_idx %parallel_loop3A_175[%parallel_loop3A_171, %parallel_loop3A_168] : memref<32x512xf32, #tpu.memory_space<vmem>>[vector<16xi32>, vector<16xi32>], vector<16xf32>,
          %parallel_loop3A_177 = arith.constant 0 : i32
          %parallel_loop3A_178 = arith.constant 0 : i32
          %parallel_loop3A_179 = tpu.memref_slice %arg5[%parallel_loop3A_145, %parallel_loop3A_177, %parallel_loop3A_178] : memref<2x128x128xf32, #tpu.memory_space<vmem>> -> memref<1x128x128xf32, #tpu.memory_space<vmem>>
          %parallel_loop3A_180 = tpu.memref_squeeze %parallel_loop3A_179 : memref<1x128x128xf32, #tpu.memory_space<vmem>> -> memref<128x128xf32, #tpu.memory_space<vmem>>
          %parallel_loop3A_181 = arith.index_cast %parallel_loop3A_160 : i32 to index
          %parallel_loop3A_182 = arith.constant 0 : index
          %parallel_loop3A_183 = tpu.vector_load %parallel_loop3A_180[%parallel_loop3A_181, %parallel_loop3A_182] {strides = array<i32>} : memref<128x128xf32, #tpu.memory_space<vmem>>, vector<16xf32>,
          tpu.vector_store %parallel_loop3A_180[%parallel_loop3A_181, %parallel_loop3A_182], %parallel_loop3A_176 {strides = array<i32>} : memref<128x128xf32, #tpu.memory_space<vmem>>, vector<16xf32>,
          %parallel_loop3A_184 = arith.constant 0 : i32
          %parallel_loop3A_185 = vector.broadcast %parallel_loop3A_184 : i32 to vector<16xi32>
          %parallel_loop3A_186 = arith.constant 4 : i32
          %parallel_loop3A_187 = arith.muli %parallel_loop3A_186, %parallel_loop3A_160 : i32
          %parallel_loop3A_188 = arith.constant 0 : i32
          %parallel_loop3A_189 = arith.addi %parallel_loop3A_187, %parallel_loop3A_188 : i32
          %parallel_loop3A_190 = vector.broadcast %parallel_loop3A_189 : i32 to vector<16xi32>
          %parallel_loop3A_191 = arith.addi %parallel_loop3A_185, %parallel_loop3A_190 : vector<16xi32>
          %parallel_loop3A_192 = arith.constant 16 : i32
          %parallel_loop3A_193 = vector.broadcast %parallel_loop3A_192 : i32 to vector<16xi32>
          %parallel_loop3A_194 = arith.addi %iota3A, %parallel_loop3A_193 : vector<16xi32>
          %parallel_loop3A_195 = arith.constant 0 : i32
          %parallel_loop3A_196 = arith.constant 0 : i32
          %parallel_loop3A_197 = tpu.memref_slice %arg4[%parallel_loop3A_144, %parallel_loop3A_195, %parallel_loop3A_196] : memref<2x32x512xf32, #tpu.memory_space<vmem>> -> memref<1x32x512xf32, #tpu.memory_space<vmem>>
          %parallel_loop3A_198 = tpu.memref_squeeze %parallel_loop3A_197 : memref<1x32x512xf32, #tpu.memory_space<vmem>> -> memref<32x512xf32, #tpu.memory_space<vmem>>
          %parallel_loop3A_199 = tpu.vector_load_idx %parallel_loop3A_198[%parallel_loop3A_194, %parallel_loop3A_191] : memref<32x512xf32, #tpu.memory_space<vmem>>[vector<16xi32>, vector<16xi32>], vector<16xf32>,
          %parallel_loop3A_200 = arith.constant 0 : i32
          %parallel_loop3A_201 = arith.constant 0 : i32
          %parallel_loop3A_202 = tpu.memref_slice %arg5[%parallel_loop3A_145, %parallel_loop3A_200, %parallel_loop3A_201] : memref<2x128x128xf32, #tpu.memory_space<vmem>> -> memref<1x128x128xf32, #tpu.memory_space<vmem>>
          %parallel_loop3A_203 = tpu.memref_squeeze %parallel_loop3A_202 : memref<1x128x128xf32, #tpu.memory_space<vmem>> -> memref<128x128xf32, #tpu.memory_space<vmem>>
          %parallel_loop3A_204 = arith.index_cast %parallel_loop3A_160 : i32 to index
          %parallel_loop3A_205 = arith.constant 16 : index
          %parallel_loop3A_206 = tpu.vector_load %parallel_loop3A_203[%parallel_loop3A_204, %parallel_loop3A_205] {strides = array<i32>} : memref<128x128xf32, #tpu.memory_space<vmem>>, vector<16xf32>,
          tpu.vector_store %parallel_loop3A_203[%parallel_loop3A_204, %parallel_loop3A_205], %parallel_loop3A_199 {strides = array<i32>} : memref<128x128xf32, #tpu.memory_space<vmem>>, vector<16xf32>,
          %parallel_loop3A_207 = arith.constant 0 : i32
          %parallel_loop3A_208 = vector.broadcast %parallel_loop3A_207 : i32 to vector<16xi32>
          %parallel_loop3A_209 = arith.constant 4 : i32
          %parallel_loop3A_210 = arith.muli %parallel_loop3A_209, %parallel_loop3A_160 : i32
          %parallel_loop3A_211 = arith.constant 1 : i32
          %parallel_loop3A_212 = arith.addi %parallel_loop3A_210, %parallel_loop3A_211 : i32
          %parallel_loop3A_213 = vector.broadcast %parallel_loop3A_212 : i32 to vector<16xi32>
          %parallel_loop3A_214 = arith.addi %parallel_loop3A_208, %parallel_loop3A_213 : vector<16xi32>
          %parallel_loop3A_215 = arith.constant 0 : i32
          %parallel_loop3A_216 = vector.broadcast %parallel_loop3A_215 : i32 to vector<16xi32>
          %parallel_loop3A_217 = arith.addi %iota3A, %parallel_loop3A_216 : vector<16xi32>
          %parallel_loop3A_218 = arith.constant 0 : i32
          %parallel_loop3A_219 = arith.constant 0 : i32
          %parallel_loop3A_220 = tpu.memref_slice %arg4[%parallel_loop3A_144, %parallel_loop3A_218, %parallel_loop3A_219] : memref<2x32x512xf32, #tpu.memory_space<vmem>> -> memref<1x32x512xf32, #tpu.memory_space<vmem>>
          %parallel_loop3A_221 = tpu.memref_squeeze %parallel_loop3A_220 : memref<1x32x512xf32, #tpu.memory_space<vmem>> -> memref<32x512xf32, #tpu.memory_space<vmem>>
          %parallel_loop3A_222 = tpu.vector_load_idx %parallel_loop3A_221[%parallel_loop3A_217, %parallel_loop3A_214] : memref<32x512xf32, #tpu.memory_space<vmem>>[vector<16xi32>, vector<16xi32>], vector<16xf32>,
          %parallel_loop3A_223 = arith.constant 0 : i32
          %parallel_loop3A_224 = arith.constant 0 : i32
          %parallel_loop3A_225 = tpu.memref_slice %arg5[%parallel_loop3A_145, %parallel_loop3A_223, %parallel_loop3A_224] : memref<2x128x128xf32, #tpu.memory_space<vmem>> -> memref<1x128x128xf32, #tpu.memory_space<vmem>>
          %parallel_loop3A_226 = tpu.memref_squeeze %parallel_loop3A_225 : memref<1x128x128xf32, #tpu.memory_space<vmem>> -> memref<128x128xf32, #tpu.memory_space<vmem>>
          %parallel_loop3A_227 = arith.index_cast %parallel_loop3A_160 : i32 to index
          %parallel_loop3A_228 = arith.constant 32 : index
          %parallel_loop3A_229 = tpu.vector_load %parallel_loop3A_226[%parallel_loop3A_227, %parallel_loop3A_228] {strides = array<i32>} : memref<128x128xf32, #tpu.memory_space<vmem>>, vector<16xf32>,
          tpu.vector_store %parallel_loop3A_226[%parallel_loop3A_227, %parallel_loop3A_228], %parallel_loop3A_222 {strides = array<i32>} : memref<128x128xf32, #tpu.memory_space<vmem>>, vector<16xf32>,
          %parallel_loop3A_230 = arith.constant 0 : i32
          %parallel_loop3A_231 = vector.broadcast %parallel_loop3A_230 : i32 to vector<16xi32>
          %parallel_loop3A_232 = arith.constant 4 : i32
          %parallel_loop3A_233 = arith.muli %parallel_loop3A_232, %parallel_loop3A_160 : i32
          %parallel_loop3A_234 = arith.constant 1 : i32
          %parallel_loop3A_235 = arith.addi %parallel_loop3A_233, %parallel_loop3A_234 : i32
          %parallel_loop3A_236 = vector.broadcast %parallel_loop3A_235 : i32 to vector<16xi32>
          %parallel_loop3A_237 = arith.addi %parallel_loop3A_231, %parallel_loop3A_236 : vector<16xi32>
          %parallel_loop3A_238 = arith.constant 16 : i32
          %parallel_loop3A_239 = vector.broadcast %parallel_loop3A_238 : i32 to vector<16xi32>
          %parallel_loop3A_240 = arith.addi %iota3A, %parallel_loop3A_239 : vector<16xi32>
          %parallel_loop3A_241 = arith.constant 0 : i32
          %parallel_loop3A_242 = arith.constant 0 : i32
          %parallel_loop3A_243 = tpu.memref_slice %arg4[%parallel_loop3A_144, %parallel_loop3A_241, %parallel_loop3A_242] : memref<2x32x512xf32, #tpu.memory_space<vmem>> -> memref<1x32x512xf32, #tpu.memory_space<vmem>>
          %parallel_loop3A_244 = tpu.memref_squeeze %parallel_loop3A_243 : memref<1x32x512xf32, #tpu.memory_space<vmem>> -> memref<32x512xf32, #tpu.memory_space<vmem>>
          %parallel_loop3A_245 = tpu.vector_load_idx %parallel_loop3A_244[%parallel_loop3A_240, %parallel_loop3A_237] : memref<32x512xf32, #tpu.memory_space<vmem>>[vector<16xi32>, vector<16xi32>], vector<16xf32>,
          %parallel_loop3A_246 = arith.constant 0 : i32
          %parallel_loop3A_247 = arith.constant 0 : i32
          %parallel_loop3A_248 = tpu.memref_slice %arg5[%parallel_loop3A_145, %parallel_loop3A_246, %parallel_loop3A_247] : memref<2x128x128xf32, #tpu.memory_space<vmem>> -> memref<1x128x128xf32, #tpu.memory_space<vmem>>
          %parallel_loop3A_249 = tpu.memref_squeeze %parallel_loop3A_248 : memref<1x128x128xf32, #tpu.memory_space<vmem>> -> memref<128x128xf32, #tpu.memory_space<vmem>>
          %parallel_loop3A_250 = arith.index_cast %parallel_loop3A_160 : i32 to index
          %parallel_loop3A_251 = arith.constant 48 : index
          %parallel_loop3A_252 = tpu.vector_load %parallel_loop3A_249[%parallel_loop3A_250, %parallel_loop3A_251] {strides = array<i32>} : memref<128x128xf32, #tpu.memory_space<vmem>>, vector<16xf32>,
          tpu.vector_store %parallel_loop3A_249[%parallel_loop3A_250, %parallel_loop3A_251], %parallel_loop3A_245 {strides = array<i32>} : memref<128x128xf32, #tpu.memory_space<vmem>>, vector<16xf32>,
          %parallel_loop3A_253 = arith.constant 0 : i32
          %parallel_loop3A_254 = vector.broadcast %parallel_loop3A_253 : i32 to vector<16xi32>
          %parallel_loop3A_255 = arith.constant 4 : i32
          %parallel_loop3A_256 = arith.muli %parallel_loop3A_255, %parallel_loop3A_160 : i32
          %parallel_loop3A_257 = arith.constant 2 : i32
          %parallel_loop3A_258 = arith.addi %parallel_loop3A_256, %parallel_loop3A_257 : i32
          %parallel_loop3A_259 = vector.broadcast %parallel_loop3A_258 : i32 to vector<16xi32>
          %parallel_loop3A_260 = arith.addi %parallel_loop3A_254, %parallel_loop3A_259 : vector<16xi32>
          %parallel_loop3A_261 = arith.constant 0 : i32
          %parallel_loop3A_262 = vector.broadcast %parallel_loop3A_261 : i32 to vector<16xi32>
          %parallel_loop3A_263 = arith.addi %iota3A, %parallel_loop3A_262 : vector<16xi32>
          %parallel_loop3A_264 = arith.constant 0 : i32
          %parallel_loop3A_265 = arith.constant 0 : i32
          %parallel_loop3A_266 = tpu.memref_slice %arg4[%parallel_loop3A_144, %parallel_loop3A_264, %parallel_loop3A_265] : memref<2x32x512xf32, #tpu.memory_space<vmem>> -> memref<1x32x512xf32, #tpu.memory_space<vmem>>
          %parallel_loop3A_267 = tpu.memref_squeeze %parallel_loop3A_266 : memref<1x32x512xf32, #tpu.memory_space<vmem>> -> memref<32x512xf32, #tpu.memory_space<vmem>>
          %parallel_loop3A_268 = tpu.vector_load_idx %parallel_loop3A_267[%parallel_loop3A_263, %parallel_loop3A_260] : memref<32x512xf32, #tpu.memory_space<vmem>>[vector<16xi32>, vector<16xi32>], vector<16xf32>,
          %parallel_loop3A_269 = arith.constant 0 : i32
          %parallel_loop3A_270 = arith.constant 0 : i32
          %parallel_loop3A_271 = tpu.memref_slice %arg5[%parallel_loop3A_145, %parallel_loop3A_269, %parallel_loop3A_270] : memref<2x128x128xf32, #tpu.memory_space<vmem>> -> memref<1x128x128xf32, #tpu.memory_space<vmem>>
          %parallel_loop3A_272 = tpu.memref_squeeze %parallel_loop3A_271 : memref<1x128x128xf32, #tpu.memory_space<vmem>> -> memref<128x128xf32, #tpu.memory_space<vmem>>
          %parallel_loop3A_273 = arith.index_cast %parallel_loop3A_160 : i32 to index
          %parallel_loop3A_274 = arith.constant 64 : index
          %parallel_loop3A_275 = tpu.vector_load %parallel_loop3A_272[%parallel_loop3A_273, %parallel_loop3A_274] {strides = array<i32>} : memref<128x128xf32, #tpu.memory_space<vmem>>, vector<16xf32>,
          tpu.vector_store %parallel_loop3A_272[%parallel_loop3A_273, %parallel_loop3A_274], %parallel_loop3A_268 {strides = array<i32>} : memref<128x128xf32, #tpu.memory_space<vmem>>, vector<16xf32>,
          %parallel_loop3A_276 = arith.constant 0 : i32
          %parallel_loop3A_277 = vector.broadcast %parallel_loop3A_276 : i32 to vector<16xi32>
          %parallel_loop3A_278 = arith.constant 4 : i32
          %parallel_loop3A_279 = arith.muli %parallel_loop3A_278, %parallel_loop3A_160 : i32
          %parallel_loop3A_280 = arith.constant 2 : i32
          %parallel_loop3A_281 = arith.addi %parallel_loop3A_279, %parallel_loop3A_280 : i32
          %parallel_loop3A_282 = vector.broadcast %parallel_loop3A_281 : i32 to vector<16xi32>
          %parallel_loop3A_283 = arith.addi %parallel_loop3A_277, %parallel_loop3A_282 : vector<16xi32>
          %parallel_loop3A_284 = arith.constant 16 : i32
          %parallel_loop3A_285 = vector.broadcast %parallel_loop3A_284 : i32 to vector<16xi32>
          %parallel_loop3A_286 = arith.addi %iota3A, %parallel_loop3A_285 : vector<16xi32>
          %parallel_loop3A_287 = arith.constant 0 : i32
          %parallel_loop3A_288 = arith.constant 0 : i32
          %parallel_loop3A_289 = tpu.memref_slice %arg4[%parallel_loop3A_144, %parallel_loop3A_287, %parallel_loop3A_288] : memref<2x32x512xf32, #tpu.memory_space<vmem>> -> memref<1x32x512xf32, #tpu.memory_space<vmem>>
          %parallel_loop3A_290 = tpu.memref_squeeze %parallel_loop3A_289 : memref<1x32x512xf32, #tpu.memory_space<vmem>> -> memref<32x512xf32, #tpu.memory_space<vmem>>
          %parallel_loop3A_291 = tpu.vector_load_idx %parallel_loop3A_290[%parallel_loop3A_286, %parallel_loop3A_283] : memref<32x512xf32, #tpu.memory_space<vmem>>[vector<16xi32>, vector<16xi32>], vector<16xf32>,
          %parallel_loop3A_292 = arith.constant 0 : i32
          %parallel_loop3A_293 = arith.constant 0 : i32
          %parallel_loop3A_294 = tpu.memref_slice %arg5[%parallel_loop3A_145, %parallel_loop3A_292, %parallel_loop3A_293] : memref<2x128x128xf32, #tpu.memory_space<vmem>> -> memref<1x128x128xf32, #tpu.memory_space<vmem>>
          %parallel_loop3A_295 = tpu.memref_squeeze %parallel_loop3A_294 : memref<1x128x128xf32, #tpu.memory_space<vmem>> -> memref<128x128xf32, #tpu.memory_space<vmem>>
          %parallel_loop3A_296 = arith.index_cast %parallel_loop3A_160 : i32 to index
          %parallel_loop3A_297 = arith.constant 80 : index
          %parallel_loop3A_298 = tpu.vector_load %parallel_loop3A_295[%parallel_loop3A_296, %parallel_loop3A_297] {strides = array<i32>} : memref<128x128xf32, #tpu.memory_space<vmem>>, vector<16xf32>,
          tpu.vector_store %parallel_loop3A_295[%parallel_loop3A_296, %parallel_loop3A_297], %parallel_loop3A_291 {strides = array<i32>} : memref<128x128xf32, #tpu.memory_space<vmem>>, vector<16xf32>,
          %parallel_loop3A_299 = arith.constant 0 : i32
          %parallel_loop3A_300 = vector.broadcast %parallel_loop3A_299 : i32 to vector<16xi32>
          %parallel_loop3A_301 = arith.constant 4 : i32
          %parallel_loop3A_302 = arith.muli %parallel_loop3A_301, %parallel_loop3A_160 : i32
          %parallel_loop3A_303 = arith.constant 3 : i32
          %parallel_loop3A_304 = arith.addi %parallel_loop3A_302, %parallel_loop3A_303 : i32
          %parallel_loop3A_305 = vector.broadcast %parallel_loop3A_304 : i32 to vector<16xi32>
          %parallel_loop3A_306 = arith.addi %parallel_loop3A_300, %parallel_loop3A_305 : vector<16xi32>
          %parallel_loop3A_307 = arith.constant 0 : i32
          %parallel_loop3A_308 = vector.broadcast %parallel_loop3A_307 : i32 to vector<16xi32>
          %parallel_loop3A_309 = arith.addi %iota3A, %parallel_loop3A_308 : vector<16xi32>
          %parallel_loop3A_310 = arith.constant 0 : i32
          %parallel_loop3A_311 = arith.constant 0 : i32
          %parallel_loop3A_312 = tpu.memref_slice %arg4[%parallel_loop3A_144, %parallel_loop3A_310, %parallel_loop3A_311] : memref<2x32x512xf32, #tpu.memory_space<vmem>> -> memref<1x32x512xf32, #tpu.memory_space<vmem>>
          %parallel_loop3A_313 = tpu.memref_squeeze %parallel_loop3A_312 : memref<1x32x512xf32, #tpu.memory_space<vmem>> -> memref<32x512xf32, #tpu.memory_space<vmem>>
          %parallel_loop3A_314 = tpu.vector_load_idx %parallel_loop3A_313[%parallel_loop3A_309, %parallel_loop3A_306] : memref<32x512xf32, #tpu.memory_space<vmem>>[vector<16xi32>, vector<16xi32>], vector<16xf32>,
          %parallel_loop3A_315 = arith.constant 0 : i32
          %parallel_loop3A_316 = arith.constant 0 : i32
          %parallel_loop3A_317 = tpu.memref_slice %arg5[%parallel_loop3A_145, %parallel_loop3A_315, %parallel_loop3A_316] : memref<2x128x128xf32, #tpu.memory_space<vmem>> -> memref<1x128x128xf32, #tpu.memory_space<vmem>>
          %parallel_loop3A_318 = tpu.memref_squeeze %parallel_loop3A_317 : memref<1x128x128xf32, #tpu.memory_space<vmem>> -> memref<128x128xf32, #tpu.memory_space<vmem>>
          %parallel_loop3A_319 = arith.index_cast %parallel_loop3A_160 : i32 to index
          %parallel_loop3A_320 = arith.constant 96 : index
          %parallel_loop3A_321 = tpu.vector_load %parallel_loop3A_318[%parallel_loop3A_319, %parallel_loop3A_320] {strides = array<i32>} : memref<128x128xf32, #tpu.memory_space<vmem>>, vector<16xf32>,
          tpu.vector_store %parallel_loop3A_318[%parallel_loop3A_319, %parallel_loop3A_320], %parallel_loop3A_314 {strides = array<i32>} : memref<128x128xf32, #tpu.memory_space<vmem>>, vector<16xf32>,
          %parallel_loop3A_322 = arith.constant 0 : i32
          %parallel_loop3A_323 = vector.broadcast %parallel_loop3A_322 : i32 to vector<16xi32>
          %parallel_loop3A_324 = arith.constant 4 : i32
          %parallel_loop3A_325 = arith.muli %parallel_loop3A_324, %parallel_loop3A_160 : i32
          %parallel_loop3A_326 = arith.constant 3 : i32
          %parallel_loop3A_327 = arith.addi %parallel_loop3A_325, %parallel_loop3A_326 : i32
          %parallel_loop3A_328 = vector.broadcast %parallel_loop3A_327 : i32 to vector<16xi32>
          %parallel_loop3A_329 = arith.addi %parallel_loop3A_323, %parallel_loop3A_328 : vector<16xi32>
          %parallel_loop3A_330 = arith.constant 16 : i32
          %parallel_loop3A_331 = vector.broadcast %parallel_loop3A_330 : i32 to vector<16xi32>
          %parallel_loop3A_332 = arith.addi %iota3A, %parallel_loop3A_331 : vector<16xi32>
          %parallel_loop3A_333 = arith.constant 0 : i32
          %parallel_loop3A_334 = arith.constant 0 : i32
          %parallel_loop3A_335 = tpu.memref_slice %arg4[%parallel_loop3A_144, %parallel_loop3A_333, %parallel_loop3A_334] : memref<2x32x512xf32, #tpu.memory_space<vmem>> -> memref<1x32x512xf32, #tpu.memory_space<vmem>>
          %parallel_loop3A_336 = tpu.memref_squeeze %parallel_loop3A_335 : memref<1x32x512xf32, #tpu.memory_space<vmem>> -> memref<32x512xf32, #tpu.memory_space<vmem>>
          %parallel_loop3A_337 = tpu.vector_load_idx %parallel_loop3A_336[%parallel_loop3A_332, %parallel_loop3A_329] : memref<32x512xf32, #tpu.memory_space<vmem>>[vector<16xi32>, vector<16xi32>], vector<16xf32>,
          %parallel_loop3A_338 = arith.constant 0 : i32
          %parallel_loop3A_339 = arith.constant 0 : i32
          %parallel_loop3A_340 = tpu.memref_slice %arg5[%parallel_loop3A_145, %parallel_loop3A_338, %parallel_loop3A_339] : memref<2x128x128xf32, #tpu.memory_space<vmem>> -> memref<1x128x128xf32, #tpu.memory_space<vmem>>
          %parallel_loop3A_341 = tpu.memref_squeeze %parallel_loop3A_340 : memref<1x128x128xf32, #tpu.memory_space<vmem>> -> memref<128x128xf32, #tpu.memory_space<vmem>>
          %parallel_loop3A_342 = arith.index_cast %parallel_loop3A_160 : i32 to index
          %parallel_loop3A_343 = arith.constant 112 : index
          %parallel_loop3A_344 = tpu.vector_load %parallel_loop3A_341[%parallel_loop3A_342, %parallel_loop3A_343] {strides = array<i32>} : memref<128x128xf32, #tpu.memory_space<vmem>>, vector<16xf32>,
          tpu.vector_store %parallel_loop3A_341[%parallel_loop3A_342, %parallel_loop3A_343], %parallel_loop3A_337 {strides = array<i32>} : memref<128x128xf32, #tpu.memory_space<vmem>>, vector<16xf32>,
        } {sc.loop_unroll_factor = 8 : i64, sc.parallel_access}
        %mul3A_146 = arith.constant 128 : i32
        %mul3A_147 = arith.muli %add3A_117, %mul3A_146 : i32
        %dma_start3A = arith.constant 1 : i32
        %dma_start3A_148 = arith.constant 0 : i32
        %dma_start3A_149 = arith.constant 0 : i32
        %dma_start3A_150 = tpu.memref_slice %arg5[%dma_start3A, %dma_start3A_148, %dma_start3A_149] : memref<2x128x128xf32, #tpu.memory_space<vmem>> -> memref<1x128x128xf32, #tpu.memory_space<vmem>>
        %dma_start3A_151 = tpu.memref_squeeze %dma_start3A_150 : memref<1x128x128xf32, #tpu.memory_space<vmem>> -> memref<128x128xf32, #tpu.memory_space<vmem>>
        %dma_start3A_152 = arith.constant 0 : i32
        %dma_start3A_153 = tpu.memref_slice %arg3[%mul3A_147, %dma_start3A_152] : memref<250000x128xf32, #tpu.memory_space<hbm>> -> memref<128x128xf32, #tpu.memory_space<hbm>>
        %dma_start3A_154 = arith.constant 0 : i32
        %dma_start3A_155 = tpu.memref_slice %arg3[%mul3A_147, %dma_start3A_154] : memref<250000x128xf32, #tpu.memory_space<hbm>> -> memref<128x128xf32, #tpu.memory_space<hbm>>
        %dma_start3A_156 = arith.constant 0 : i32
        %dma_start3A_157 = arith.constant 0 : i32
        %dma_start3A_158 = tpu.memref_slice %arg5[%dma_start3A, %dma_start3A_156, %dma_start3A_157] : memref<2x128x128xf32, #tpu.memory_space<vmem>> -> memref<1x128x128xf32, #tpu.memory_space<vmem>>
        %dma_start3A_159 = tpu.memref_squeeze %dma_start3A_158 : memref<1x128x128xf32, #tpu.memory_space<vmem>> -> memref<128x128xf32, #tpu.memory_space<vmem>>
        tpu.enqueue_dma source(%dma_start3A_159 : memref<128x128xf32, #tpu.memory_space<vmem>>) target(%dma_start3A_155 : memref<128x128xf32, #tpu.memory_space<hbm>>) target_semaphore(%arg11 : memref<!tpu.dma_semaphore, #tpu.memory_space<semaphore_mem>>)
      } else {
      }
    }
    %scan3A_9 = arith.constant 31 : i32
    %add3A_10 = arith.constant 0 : i32
    %add3A_11 = arith.addi %add3A, %add3A_10 : i32
    %add3A_12 = arith.constant 31 : i32
    %add3A_13 = arith.addi %add3A_11, %add3A_12 : i32
    %jit3A = arith.constant 64 : i32
    %eq3A = arith.constant 0 : i32
    %eq3A_14 = arith.cmpi eq, %jit3A, %eq3A : i32
    %jit3A_15 = arith.constant 1 : i32
    %select_n3A = arith.select %eq3A_14, %jit3A_15, %jit3A : i32
    %rem3A = arith.remsi %add3A_13, %select_n3A : i32
    %ne3A = arith.constant 0 : i32
    %ne3A_16 = arith.cmpi ne, %rem3A, %ne3A : i32
    %lt3A_17 = arith.constant 0 : i32
    %lt3A_18 = arith.cmpi slt, %rem3A, %lt3A_17 : i32
    %lt3A_19 = arith.constant 0 : i32
    %lt3A_20 = arith.cmpi slt, %select_n3A, %lt3A_19 : i32
    %ne3A_21 = arith.xori %lt3A_18, %lt3A_20 : i1
    %and3A = arith.andi %ne3A_21, %ne3A_16 : i1
    %add3A_22 = arith.addi %rem3A, %select_n3A : i32
    %select_n3A_23 = arith.select %and3A, %add3A_22, %rem3A : i32
    %add3A_24 = arith.constant 1889 : i32
    %add3A_25 = arith.addi %add3A_24, %select_n3A_23 : i32
    %mul3A_26 = arith.constant 128 : i32
    %mul3A_27 = arith.muli %add3A_25, %mul3A_26 : i32
    %dma_wait3A = arith.constant 0 : i32
    %dma_wait3A_28 = arith.constant 0 : i32
    %dma_wait3A_29 = arith.constant 0 : i32
    %dma_wait3A_30 = tpu.memref_slice %arg5[%dma_wait3A, %dma_wait3A_28, %dma_wait3A_29] : memref<2x128x128xf32, #tpu.memory_space<vmem>> -> memref<1x128x128xf32, #tpu.memory_space<vmem>>
    %dma_wait3A_31 = tpu.memref_squeeze %dma_wait3A_30 : memref<1x128x128xf32, #tpu.memory_space<vmem>> -> memref<128x128xf32, #tpu.memory_space<vmem>>
    %dma_wait3A_32 = arith.constant 0 : i32
    %dma_wait3A_33 = tpu.memref_slice %arg3[%mul3A_27, %dma_wait3A_32] : memref<250000x128xf32, #tpu.memory_space<hbm>> -> memref<128x128xf32, #tpu.memory_space<hbm>>
    %dma_wait3A_34 = arith.constant 0 : i32
    %dma_wait3A_35 = tpu.memref_slice %arg3[%mul3A_27, %dma_wait3A_34] : memref<250000x128xf32, #tpu.memory_space<hbm>> -> memref<128x128xf32, #tpu.memory_space<hbm>>
    %dma_wait3A_36 = arith.constant 0 : i32
    %dma_wait3A_37 = arith.constant 0 : i32
    %dma_wait3A_38 = tpu.memref_slice %arg5[%dma_wait3A, %dma_wait3A_36, %dma_wait3A_37] : memref<2x128x128xf32, #tpu.memory_space<vmem>> -> memref<1x128x128xf32, #tpu.memory_space<vmem>>
    %dma_wait3A_39 = tpu.memref_squeeze %dma_wait3A_38 : memref<1x128x128xf32, #tpu.memory_space<vmem>> -> memref<128x128xf32, #tpu.memory_space<vmem>>
    tpu.wait_dma2 semaphore(%arg10 : memref<!tpu.dma_semaphore, #tpu.memory_space<semaphore_mem>>) src(%dma_wait3A_39 : memref<128x128xf32, #tpu.memory_space<vmem>>) dst(%dma_wait3A_35 : memref<128x128xf32, #tpu.memory_space<hbm>>)
    %add3A_40 = arith.constant 32 : i32
    %add3A_41 = arith.addi %add3A, %add3A_40 : i32
    %add3A_42 = arith.constant 31 : i32
    %add3A_43 = arith.addi %add3A_41, %add3A_42 : i32
    %jit3A_44 = arith.constant 64 : i32
    %eq3A_45 = arith.constant 0 : i32
    %eq3A_46 = arith.cmpi eq, %jit3A_44, %eq3A_45 : i32
    %jit3A_47 = arith.constant 1 : i32
    %select_n3A_48 = arith.select %eq3A_46, %jit3A_47, %jit3A_44 : i32
    %rem3A_49 = arith.remsi %add3A_43, %select_n3A_48 : i32
    %ne3A_50 = arith.constant 0 : i32
    %ne3A_51 = arith.cmpi ne, %rem3A_49, %ne3A_50 : i32
    %lt3A_52 = arith.constant 0 : i32
    %lt3A_53 = arith.cmpi slt, %rem3A_49, %lt3A_52 : i32
    %lt3A_54 = arith.constant 0 : i32
    %lt3A_55 = arith.cmpi slt, %select_n3A_48, %lt3A_54 : i32
    %ne3A_56 = arith.xori %lt3A_53, %lt3A_55 : i1
    %and3A_57 = arith.andi %ne3A_56, %ne3A_51 : i1
    %add3A_58 = arith.addi %rem3A_49, %select_n3A_48 : i32
    %select_n3A_59 = arith.select %and3A_57, %add3A_58, %rem3A_49 : i32
    %add3A_60 = arith.constant 1889 : i32
    %add3A_61 = arith.addi %add3A_60, %select_n3A_59 : i32
    %mul3A_62 = arith.constant 128 : i32
    %mul3A_63 = arith.muli %add3A_61, %mul3A_62 : i32
    %dma_wait3A_64 = arith.constant 1 : i32
    %dma_wait3A_65 = arith.constant 0 : i32
    %dma_wait3A_66 = arith.constant 0 : i32
    %dma_wait3A_67 = tpu.memref_slice %arg5[%dma_wait3A_64, %dma_wait3A_65, %dma_wait3A_66] : memref<2x128x128xf32, #tpu.memory_space<vmem>> -> memref<1x128x128xf32, #tpu.memory_space<vmem>>
    %dma_wait3A_68 = tpu.memref_squeeze %dma_wait3A_67 : memref<1x128x128xf32, #tpu.memory_space<vmem>> -> memref<128x128xf32, #tpu.memory_space<vmem>>
    %dma_wait3A_69 = arith.constant 0 : i32
    %dma_wait3A_70 = tpu.memref_slice %arg3[%mul3A_63, %dma_wait3A_69] : memref<250000x128xf32, #tpu.memory_space<hbm>> -> memref<128x128xf32, #tpu.memory_space<hbm>>
    %dma_wait3A_71 = arith.constant 0 : i32
    %dma_wait3A_72 = tpu.memref_slice %arg3[%mul3A_63, %dma_wait3A_71] : memref<250000x128xf32, #tpu.memory_space<hbm>> -> memref<128x128xf32, #tpu.memory_space<hbm>>
    %dma_wait3A_73 = arith.constant 0 : i32
    %dma_wait3A_74 = arith.constant 0 : i32
    %dma_wait3A_75 = tpu.memref_slice %arg5[%dma_wait3A_64, %dma_wait3A_73, %dma_wait3A_74] : memref<2x128x128xf32, #tpu.memory_space<vmem>> -> memref<1x128x128xf32, #tpu.memory_space<vmem>>
    %dma_wait3A_76 = tpu.memref_squeeze %dma_wait3A_75 : memref<1x128x128xf32, #tpu.memory_space<vmem>> -> memref<128x128xf32, #tpu.memory_space<vmem>>
    tpu.wait_dma2 semaphore(%arg11 : memref<!tpu.dma_semaphore, #tpu.memory_space<semaphore_mem>>) src(%dma_wait3A_76 : memref<128x128xf32, #tpu.memory_space<vmem>>) dst(%dma_wait3A_72 : memref<128x128xf32, #tpu.memory_space<hbm>>)
    %eq3A_77 = arith.constant 31 : i32
    %eq3A_78 = arith.cmpi eq, %add3A, %eq3A_77 : i32
    %convert_element_type3A_79 = arith.extui %eq3A_78 : i1 to i32
    %cond3A_80 = arith.constant 0 : i32
    %cond3A_81 = arith.cmpi ne, %convert_element_type3A_79, %cond3A_80 : i32
    scf.if %cond3A_81 {
      "tpu.region"() ({
        %run_scoped3A = tpu.sem_alloc : memref<!tpu.dma_semaphore, #tpu.memory_space<semaphore_mem>>
        %dma_start3A = arith.constant 0 : i32
        %dma_start3A_84 = arith.constant 999936 : i32
        %dma_start3A_85 = tpu.memref_slice %arg2[%dma_start3A, %dma_start3A_84] : memref<32x1000000xf32, #tpu.memory_space<hbm>> -> memref<32x64xf32, #tpu.memory_space<hbm>>
        %dma_start3A_86 = arith.constant 0 : i32
        %dma_start3A_87 = arith.constant 999936 : i32
        %dma_start3A_88 = tpu.memref_slice %arg2[%dma_start3A_86, %dma_start3A_87] : memref<32x1000000xf32, #tpu.memory_space<hbm>> -> memref<32x64xf32, #tpu.memory_space<hbm>>
        tpu.enqueue_dma source(%dma_start3A_88 : memref<32x64xf32, #tpu.memory_space<hbm>>) target(%arg6 : memref<32x64xf32, #tpu.memory_space<vmem>>) target_semaphore(%run_scoped3A : memref<!tpu.dma_semaphore, #tpu.memory_space<semaphore_mem>>)
        %dma_wait3A_89 = arith.constant 0 : i32
        %dma_wait3A_90 = arith.constant 999936 : i32
        %dma_wait3A_91 = tpu.memref_slice %arg2[%dma_wait3A_89, %dma_wait3A_90] : memref<32x1000000xf32, #tpu.memory_space<hbm>> -> memref<32x64xf32, #tpu.memory_space<hbm>>
        %dma_wait3A_92 = arith.constant 0 : i32
        %dma_wait3A_93 = arith.constant 999936 : i32
        %dma_wait3A_94 = tpu.memref_slice %arg2[%dma_wait3A_92, %dma_wait3A_93] : memref<32x1000000xf32, #tpu.memory_space<hbm>> -> memref<32x64xf32, #tpu.memory_space<hbm>>
        tpu.wait_dma2 semaphore(%run_scoped3A : memref<!tpu.dma_semaphore, #tpu.memory_space<semaphore_mem>>) src(%dma_wait3A_94 : memref<32x64xf32, #tpu.memory_space<hbm>>) dst(%arg6 : memref<32x64xf32, #tpu.memory_space<vmem>>)
        tpu.yield
      }) : () -> ()
      %parallel_loop3A = arith.constant 0 : i32
      %parallel_loop3A_82 = arith.constant 16 : i32
      %parallel_loop3A_83 = arith.constant 1 : i32
      scf.for %parallel_loop3A_84 = %parallel_loop3A to %parallel_loop3A_82 step %parallel_loop3A_83  : i32 {
        %parallel_loop3A_85 = arith.constant 0 : i32
        %parallel_loop3A_86 = vector.broadcast %parallel_loop3A_85 : i32 to vector<16xi32>
        %parallel_loop3A_87 = arith.constant 4 : i32
        %parallel_loop3A_88 = arith.muli %parallel_loop3A_87, %parallel_loop3A_84 : i32
        %parallel_loop3A_89 = arith.constant 0 : i32
        %parallel_loop3A_90 = arith.addi %parallel_loop3A_88, %parallel_loop3A_89 : i32
        %parallel_loop3A_91 = vector.broadcast %parallel_loop3A_90 : i32 to vector<16xi32>
        %parallel_loop3A_92 = arith.addi %parallel_loop3A_86, %parallel_loop3A_91 : vector<16xi32>
        %parallel_loop3A_93 = arith.constant 0 : i32
        %parallel_loop3A_94 = vector.broadcast %parallel_loop3A_93 : i32 to vector<16xi32>
        %parallel_loop3A_95 = arith.addi %iota3A, %parallel_loop3A_94 : vector<16xi32>
        %parallel_loop3A_96 = tpu.vector_load_idx %arg6[%parallel_loop3A_95, %parallel_loop3A_92] : memref<32x64xf32, #tpu.memory_space<vmem>>[vector<16xi32>, vector<16xi32>], vector<16xf32>,
        %parallel_loop3A_97 = arith.index_cast %parallel_loop3A_84 : i32 to index
        %parallel_loop3A_98 = arith.constant 0 : index
        %parallel_loop3A_99 = tpu.vector_load %arg7[%parallel_loop3A_97, %parallel_loop3A_98] {strides = array<i32>} : memref<16x128xf32, #tpu.memory_space<vmem>>, vector<16xf32>,
        tpu.vector_store %arg7[%parallel_loop3A_97, %parallel_loop3A_98], %parallel_loop3A_96 {strides = array<i32>} : memref<16x128xf32, #tpu.memory_space<vmem>>, vector<16xf32>,
        %parallel_loop3A_100 = arith.constant 0 : i32
        %parallel_loop3A_101 = vector.broadcast %parallel_loop3A_100 : i32 to vector<16xi32>
        %parallel_loop3A_102 = arith.constant 4 : i32
        %parallel_loop3A_103 = arith.muli %parallel_loop3A_102, %parallel_loop3A_84 : i32
        %parallel_loop3A_104 = arith.constant 0 : i32
        %parallel_loop3A_105 = arith.addi %parallel_loop3A_103, %parallel_loop3A_104 : i32
        %parallel_loop3A_106 = vector.broadcast %parallel_loop3A_105 : i32 to vector<16xi32>
        %parallel_loop3A_107 = arith.addi %parallel_loop3A_101, %parallel_loop3A_106 : vector<16xi32>
        %parallel_loop3A_108 = arith.constant 16 : i32
        %parallel_loop3A_109 = vector.broadcast %parallel_loop3A_108 : i32 to vector<16xi32>
        %parallel_loop3A_110 = arith.addi %iota3A, %parallel_loop3A_109 : vector<16xi32>
        %parallel_loop3A_111 = tpu.vector_load_idx %arg6[%parallel_loop3A_110, %parallel_loop3A_107] : memref<32x64xf32, #tpu.memory_space<vmem>>[vector<16xi32>, vector<16xi32>], vector<16xf32>,
        %parallel_loop3A_112 = arith.index_cast %parallel_loop3A_84 : i32 to index
        %parallel_loop3A_113 = arith.constant 16 : index
        %parallel_loop3A_114 = tpu.vector_load %arg7[%parallel_loop3A_112, %parallel_loop3A_113] {strides = array<i32>} : memref<16x128xf32, #tpu.memory_space<vmem>>, vector<16xf32>,
        tpu.vector_store %arg7[%parallel_loop3A_112, %parallel_loop3A_113], %parallel_loop3A_111 {strides = array<i32>} : memref<16x128xf32, #tpu.memory_space<vmem>>, vector<16xf32>,
        %parallel_loop3A_115 = arith.constant 0 : i32
        %parallel_loop3A_116 = vector.broadcast %parallel_loop3A_115 : i32 to vector<16xi32>
        %parallel_loop3A_117 = arith.constant 4 : i32
        %parallel_loop3A_118 = arith.muli %parallel_loop3A_117, %parallel_loop3A_84 : i32
        %parallel_loop3A_119 = arith.constant 1 : i32
        %parallel_loop3A_120 = arith.addi %parallel_loop3A_118, %parallel_loop3A_119 : i32
        %parallel_loop3A_121 = vector.broadcast %parallel_loop3A_120 : i32 to vector<16xi32>
        %parallel_loop3A_122 = arith.addi %parallel_loop3A_116, %parallel_loop3A_121 : vector<16xi32>
        %parallel_loop3A_123 = arith.constant 0 : i32
        %parallel_loop3A_124 = vector.broadcast %parallel_loop3A_123 : i32 to vector<16xi32>
        %parallel_loop3A_125 = arith.addi %iota3A, %parallel_loop3A_124 : vector<16xi32>
        %parallel_loop3A_126 = tpu.vector_load_idx %arg6[%parallel_loop3A_125, %parallel_loop3A_122] : memref<32x64xf32, #tpu.memory_space<vmem>>[vector<16xi32>, vector<16xi32>], vector<16xf32>,
        %parallel_loop3A_127 = arith.index_cast %parallel_loop3A_84 : i32 to index
        %parallel_loop3A_128 = arith.constant 32 : index
        %parallel_loop3A_129 = tpu.vector_load %arg7[%parallel_loop3A_127, %parallel_loop3A_128] {strides = array<i32>} : memref<16x128xf32, #tpu.memory_space<vmem>>, vector<16xf32>,
        tpu.vector_store %arg7[%parallel_loop3A_127, %parallel_loop3A_128], %parallel_loop3A_126 {strides = array<i32>} : memref<16x128xf32, #tpu.memory_space<vmem>>, vector<16xf32>,
        %parallel_loop3A_130 = arith.constant 0 : i32
        %parallel_loop3A_131 = vector.broadcast %parallel_loop3A_130 : i32 to vector<16xi32>
        %parallel_loop3A_132 = arith.constant 4 : i32
        %parallel_loop3A_133 = arith.muli %parallel_loop3A_132, %parallel_loop3A_84 : i32
        %parallel_loop3A_134 = arith.constant 1 : i32
        %parallel_loop3A_135 = arith.addi %parallel_loop3A_133, %parallel_loop3A_134 : i32
        %parallel_loop3A_136 = vector.broadcast %parallel_loop3A_135 : i32 to vector<16xi32>
        %parallel_loop3A_137 = arith.addi %parallel_loop3A_131, %parallel_loop3A_136 : vector<16xi32>
        %parallel_loop3A_138 = arith.constant 16 : i32
        %parallel_loop3A_139 = vector.broadcast %parallel_loop3A_138 : i32 to vector<16xi32>
        %parallel_loop3A_140 = arith.addi %iota3A, %parallel_loop3A_139 : vector<16xi32>
        %parallel_loop3A_141 = tpu.vector_load_idx %arg6[%parallel_loop3A_140, %parallel_loop3A_137] : memref<32x64xf32, #tpu.memory_space<vmem>>[vector<16xi32>, vector<16xi32>], vector<16xf32>,
        %parallel_loop3A_142 = arith.index_cast %parallel_loop3A_84 : i32 to index
        %parallel_loop3A_143 = arith.constant 48 : index
        %parallel_loop3A_144 = tpu.vector_load %arg7[%parallel_loop3A_142, %parallel_loop3A_143] {strides = array<i32>} : memref<16x128xf32, #tpu.memory_space<vmem>>, vector<16xf32>,
        tpu.vector_store %arg7[%parallel_loop3A_142, %parallel_loop3A_143], %parallel_loop3A_141 {strides = array<i32>} : memref<16x128xf32, #tpu.memory_space<vmem>>, vector<16xf32>,
        %parallel_loop3A_145 = arith.constant 0 : i32
        %parallel_loop3A_146 = vector.broadcast %parallel_loop3A_145 : i32 to vector<16xi32>
        %parallel_loop3A_147 = arith.constant 4 : i32
        %parallel_loop3A_148 = arith.muli %parallel_loop3A_147, %parallel_loop3A_84 : i32
        %parallel_loop3A_149 = arith.constant 2 : i32
        %parallel_loop3A_150 = arith.addi %parallel_loop3A_148, %parallel_loop3A_149 : i32
        %parallel_loop3A_151 = vector.broadcast %parallel_loop3A_150 : i32 to vector<16xi32>
        %parallel_loop3A_152 = arith.addi %parallel_loop3A_146, %parallel_loop3A_151 : vector<16xi32>
        %parallel_loop3A_153 = arith.constant 0 : i32
        %parallel_loop3A_154 = vector.broadcast %parallel_loop3A_153 : i32 to vector<16xi32>
        %parallel_loop3A_155 = arith.addi %iota3A, %parallel_loop3A_154 : vector<16xi32>
        %parallel_loop3A_156 = tpu.vector_load_idx %arg6[%parallel_loop3A_155, %parallel_loop3A_152] : memref<32x64xf32, #tpu.memory_space<vmem>>[vector<16xi32>, vector<16xi32>], vector<16xf32>,
        %parallel_loop3A_157 = arith.index_cast %parallel_loop3A_84 : i32 to index
        %parallel_loop3A_158 = arith.constant 64 : index
        %parallel_loop3A_159 = tpu.vector_load %arg7[%parallel_loop3A_157, %parallel_loop3A_158] {strides = array<i32>} : memref<16x128xf32, #tpu.memory_space<vmem>>, vector<16xf32>,
        tpu.vector_store %arg7[%parallel_loop3A_157, %parallel_loop3A_158], %parallel_loop3A_156 {strides = array<i32>} : memref<16x128xf32, #tpu.memory_space<vmem>>, vector<16xf32>,
        %parallel_loop3A_160 = arith.constant 0 : i32
        %parallel_loop3A_161 = vector.broadcast %parallel_loop3A_160 : i32 to vector<16xi32>
        %parallel_loop3A_162 = arith.constant 4 : i32
        %parallel_loop3A_163 = arith.muli %parallel_loop3A_162, %parallel_loop3A_84 : i32
        %parallel_loop3A_164 = arith.constant 2 : i32
        %parallel_loop3A_165 = arith.addi %parallel_loop3A_163, %parallel_loop3A_164 : i32
        %parallel_loop3A_166 = vector.broadcast %parallel_loop3A_165 : i32 to vector<16xi32>
        %parallel_loop3A_167 = arith.addi %parallel_loop3A_161, %parallel_loop3A_166 : vector<16xi32>
        %parallel_loop3A_168 = arith.constant 16 : i32
        %parallel_loop3A_169 = vector.broadcast %parallel_loop3A_168 : i32 to vector<16xi32>
        %parallel_loop3A_170 = arith.addi %iota3A, %parallel_loop3A_169 : vector<16xi32>
        %parallel_loop3A_171 = tpu.vector_load_idx %arg6[%parallel_loop3A_170, %parallel_loop3A_167] : memref<32x64xf32, #tpu.memory_space<vmem>>[vector<16xi32>, vector<16xi32>], vector<16xf32>,
        %parallel_loop3A_172 = arith.index_cast %parallel_loop3A_84 : i32 to index
        %parallel_loop3A_173 = arith.constant 80 : index
        %parallel_loop3A_174 = tpu.vector_load %arg7[%parallel_loop3A_172, %parallel_loop3A_173] {strides = array<i32>} : memref<16x128xf32, #tpu.memory_space<vmem>>, vector<16xf32>,
        tpu.vector_store %arg7[%parallel_loop3A_172, %parallel_loop3A_173], %parallel_loop3A_171 {strides = array<i32>} : memref<16x128xf32, #tpu.memory_space<vmem>>, vector<16xf32>,
        %parallel_loop3A_175 = arith.constant 0 : i32
        %parallel_loop3A_176 = vector.broadcast %parallel_loop3A_175 : i32 to vector<16xi32>
        %parallel_loop3A_177 = arith.constant 4 : i32
        %parallel_loop3A_178 = arith.muli %parallel_loop3A_177, %parallel_loop3A_84 : i32
        %parallel_loop3A_179 = arith.constant 3 : i32
        %parallel_loop3A_180 = arith.addi %parallel_loop3A_178, %parallel_loop3A_179 : i32
        %parallel_loop3A_181 = vector.broadcast %parallel_loop3A_180 : i32 to vector<16xi32>
        %parallel_loop3A_182 = arith.addi %parallel_loop3A_176, %parallel_loop3A_181 : vector<16xi32>
        %parallel_loop3A_183 = arith.constant 0 : i32
        %parallel_loop3A_184 = vector.broadcast %parallel_loop3A_183 : i32 to vector<16xi32>
        %parallel_loop3A_185 = arith.addi %iota3A, %parallel_loop3A_184 : vector<16xi32>
        %parallel_loop3A_186 = tpu.vector_load_idx %arg6[%parallel_loop3A_185, %parallel_loop3A_182] : memref<32x64xf32, #tpu.memory_space<vmem>>[vector<16xi32>, vector<16xi32>], vector<16xf32>,
        %parallel_loop3A_187 = arith.index_cast %parallel_loop3A_84 : i32 to index
        %parallel_loop3A_188 = arith.constant 96 : index
        %parallel_loop3A_189 = tpu.vector_load %arg7[%parallel_loop3A_187, %parallel_loop3A_188] {strides = array<i32>} : memref<16x128xf32, #tpu.memory_space<vmem>>, vector<16xf32>,
        tpu.vector_store %arg7[%parallel_loop3A_187, %parallel_loop3A_188], %parallel_loop3A_186 {strides = array<i32>} : memref<16x128xf32, #tpu.memory_space<vmem>>, vector<16xf32>,
        %parallel_loop3A_190 = arith.constant 0 : i32
        %parallel_loop3A_191 = vector.broadcast %parallel_loop3A_190 : i32 to vector<16xi32>
        %parallel_loop3A_192 = arith.constant 4 : i32
        %parallel_loop3A_193 = arith.muli %parallel_loop3A_192, %parallel_loop3A_84 : i32
        %parallel_loop3A_194 = arith.constant 3 : i32
        %parallel_loop3A_195 = arith.addi %parallel_loop3A_193, %parallel_loop3A_194 : i32
        %parallel_loop3A_196 = vector.broadcast %parallel_loop3A_195 : i32 to vector<16xi32>
        %parallel_loop3A_197 = arith.addi %parallel_loop3A_191, %parallel_loop3A_196 : vector<16xi32>
        %parallel_loop3A_198 = arith.constant 16 : i32
        %parallel_loop3A_199 = vector.broadcast %parallel_loop3A_198 : i32 to vector<16xi32>
        %parallel_loop3A_200 = arith.addi %iota3A, %parallel_loop3A_199 : vector<16xi32>
        %parallel_loop3A_201 = tpu.vector_load_idx %arg6[%parallel_loop3A_200, %parallel_loop3A_197] : memref<32x64xf32, #tpu.memory_space<vmem>>[vector<16xi32>, vector<16xi32>], vector<16xf32>,
        %parallel_loop3A_202 = arith.index_cast %parallel_loop3A_84 : i32 to index
        %parallel_loop3A_203 = arith.constant 112 : index
        %parallel_loop3A_204 = tpu.vector_load %arg7[%parallel_loop3A_202, %parallel_loop3A_203] {strides = array<i32>} : memref<16x128xf32, #tpu.memory_space<vmem>>, vector<16xf32>,
        tpu.vector_store %arg7[%parallel_loop3A_202, %parallel_loop3A_203], %parallel_loop3A_201 {strides = array<i32>} : memref<16x128xf32, #tpu.memory_space<vmem>>, vector<16xf32>,
      } {sc.loop_unroll_factor = 8 : i64, sc.parallel_access}
      "tpu.region"() ({
        %run_scoped3A = tpu.sem_alloc : memref<!tpu.dma_semaphore, #tpu.memory_space<semaphore_mem>>
        %dma_start3A = arith.constant 249984 : i32
        %dma_start3A_84 = arith.constant 0 : i32
        %dma_start3A_85 = tpu.memref_slice %arg3[%dma_start3A, %dma_start3A_84] : memref<250000x128xf32, #tpu.memory_space<hbm>> -> memref<16x128xf32, #tpu.memory_space<hbm>>
        %dma_start3A_86 = arith.constant 249984 : i32
        %dma_start3A_87 = arith.constant 0 : i32
        %dma_start3A_88 = tpu.memref_slice %arg3[%dma_start3A_86, %dma_start3A_87] : memref<250000x128xf32, #tpu.memory_space<hbm>> -> memref<16x128xf32, #tpu.memory_space<hbm>>
        tpu.enqueue_dma source(%arg7 : memref<16x128xf32, #tpu.memory_space<vmem>>) target(%dma_start3A_88 : memref<16x128xf32, #tpu.memory_space<hbm>>) target_semaphore(%run_scoped3A : memref<!tpu.dma_semaphore, #tpu.memory_space<semaphore_mem>>)
        %dma_wait3A_89 = arith.constant 249984 : i32
        %dma_wait3A_90 = arith.constant 0 : i32
        %dma_wait3A_91 = tpu.memref_slice %arg3[%dma_wait3A_89, %dma_wait3A_90] : memref<250000x128xf32, #tpu.memory_space<hbm>> -> memref<16x128xf32, #tpu.memory_space<hbm>>
        %dma_wait3A_92 = arith.constant 249984 : i32
        %dma_wait3A_93 = arith.constant 0 : i32
        %dma_wait3A_94 = tpu.memref_slice %arg3[%dma_wait3A_92, %dma_wait3A_93] : memref<250000x128xf32, #tpu.memory_space<hbm>> -> memref<16x128xf32, #tpu.memory_space<hbm>>
        tpu.wait_dma2 semaphore(%run_scoped3A : memref<!tpu.dma_semaphore, #tpu.memory_space<semaphore_mem>>) src(%arg7 : memref<16x128xf32, #tpu.memory_space<vmem>>) dst(%dma_wait3A_94 : memref<16x128xf32, #tpu.memory_space<hbm>>)
        tpu.yield
      }) : () -> ()
    } else {
    }
    return
  }
}

#map = affine_map<(d0, d1) -> (0)>
#map1 = affine_map<(d0, d1) -> (0, 0)>
module attributes {stable_mosaic.version = 14 : i64} {
  func.func @_sc_gather(%arg0: i32, %arg1: i32, %arg2: memref<327680xi32, #tpu.memory_space<hbm>>, %arg3: memref<1000000x32xf32, #tpu.memory_space<hbm>>, %arg4: memref<327680x32xf32, #tpu.memory_space<hbm>>, %arg5: memref<2560xi32, #tpu.memory_space<vmem>>, %arg6: memref<2560x32xf32, #tpu.memory_space<vmem>>, %arg7: memref<!tpu.dma_semaphore, #tpu.memory_space<semaphore_mem>>) attributes {dimension_semantics = [#tpu.dimension_semantics<core_parallel>, #tpu.dimension_semantics<subcore_parallel>], iteration_bounds = array<i64: 2, 16>, scalar_prefetch = 0 : i64, scratch_operands = 3 : i64, tpu.core_type = #tpu.core_type<sc_vector_subcore>, window_params = [{transform_indices = #map}, {transform_indices = #map1}, {transform_indices = #map1}]} {
    %mul3A = arith.constant 2 : i32
    %mul3A_0 = arith.muli %arg1, %mul3A : i32
    %add3A = arith.addi %mul3A_0, %arg0 : i32
    %mul3A_1 = arith.constant 10240 : i32
    %mul3A_2 = arith.muli %add3A, %mul3A_1 : i32
    %scan3A = arith.constant 0 : i32
    %scan3A_3 = arith.constant 0 : i32
    %scan3A_4 = arith.constant 4 : i32
    %scan3A_5 = arith.addi %scan3A_3, %scan3A_4 : i32
    %scan3A_6 = arith.constant 1 : i32
    scf.for %scan3A_8 = %scan3A_3 to %scan3A_5 step %scan3A_6  : i32 {
      %mul3A_9 = arith.constant 2560 : i32
      %mul3A_10 = arith.muli %scan3A_8, %mul3A_9 : i32
      %add3A_11 = arith.addi %mul3A_2, %mul3A_10 : i32
      "tpu.region"() ({
        %run_scoped3A = tpu.sem_alloc : memref<!tpu.dma_semaphore, #tpu.memory_space<semaphore_mem>>
        %dma_start3A_16 = tpu.memref_slice %arg2[%add3A_11] : memref<327680xi32, #tpu.memory_space<hbm>> -> memref<2560xi32, #tpu.memory_space<hbm>>
        %dma_start3A_17 = tpu.memref_slice %arg2[%add3A_11] : memref<327680xi32, #tpu.memory_space<hbm>> -> memref<2560xi32, #tpu.memory_space<hbm>>
        tpu.enqueue_dma source(%dma_start3A_17 : memref<2560xi32, #tpu.memory_space<hbm>>) target(%arg5 : memref<2560xi32, #tpu.memory_space<vmem>>) target_semaphore(%run_scoped3A : memref<!tpu.dma_semaphore, #tpu.memory_space<semaphore_mem>>)
        %dma_wait3A_18 = tpu.memref_slice %arg2[%add3A_11] : memref<327680xi32, #tpu.memory_space<hbm>> -> memref<2560xi32, #tpu.memory_space<hbm>>
        %dma_wait3A_19 = tpu.memref_slice %arg2[%add3A_11] : memref<327680xi32, #tpu.memory_space<hbm>> -> memref<2560xi32, #tpu.memory_space<hbm>>
        tpu.wait_dma2 semaphore(%run_scoped3A : memref<!tpu.dma_semaphore, #tpu.memory_space<semaphore_mem>>) src(%dma_wait3A_19 : memref<2560xi32, #tpu.memory_space<hbm>>) dst(%arg5 : memref<2560xi32, #tpu.memory_space<vmem>>)
        tpu.yield
      }) : () -> ()
      %dma_start3A = arith.constant 0 : i32
      %dma_start3A_12 = arith.constant 0 : i32
      %dma_start3A_13 = tpu.memref_slice %arg3[%dma_start3A, %dma_start3A_12] : memref<1000000x32xf32, #tpu.memory_space<hbm>> -> memref<1000000x32xf32, #tpu.memory_space<hbm>>
      tpu.enqueue_indirect_dma source(%dma_start3A_13 : memref<1000000x32xf32, #tpu.memory_space<hbm>>) target(%arg6 : memref<2560x32xf32, #tpu.memory_space<vmem>>) offsets(%arg5 : memref<2560xi32, #tpu.memory_space<vmem>>) semaphore(%arg7 : memref<!tpu.dma_semaphore, #tpu.memory_space<semaphore_mem>>)
      %dma_wait3A = arith.constant 0 : i32
      %dma_wait3A_14 = arith.constant 0 : i32
      %dma_wait3A_15 = tpu.memref_slice %arg3[%dma_wait3A, %dma_wait3A_14] : memref<1000000x32xf32, #tpu.memory_space<hbm>> -> memref<1000000x32xf32, #tpu.memory_space<hbm>>
      tpu.wait_indirect_dma semaphore(%arg7 : memref<!tpu.dma_semaphore, #tpu.memory_space<semaphore_mem>>) src(%dma_wait3A_15 : memref<1000000x32xf32, #tpu.memory_space<hbm>>) dst(%arg6 : memref<2560x32xf32, #tpu.memory_space<vmem>>)
      "tpu.region"() ({
        %run_scoped3A = tpu.sem_alloc : memref<!tpu.dma_semaphore, #tpu.memory_space<semaphore_mem>>
        %dma_start3A_16 = arith.constant 0 : i32
        %dma_start3A_17 = tpu.memref_slice %arg4[%add3A_11, %dma_start3A_16] : memref<327680x32xf32, #tpu.memory_space<hbm>> -> memref<2560x32xf32, #tpu.memory_space<hbm>>
        %dma_start3A_18 = arith.constant 0 : i32
        %dma_start3A_19 = tpu.memref_slice %arg4[%add3A_11, %dma_start3A_18] : memref<327680x32xf32, #tpu.memory_space<hbm>> -> memref<2560x32xf32, #tpu.memory_space<hbm>>
        tpu.enqueue_dma source(%arg6 : memref<2560x32xf32, #tpu.memory_space<vmem>>) target(%dma_start3A_19 : memref<2560x32xf32, #tpu.memory_space<hbm>>) target_semaphore(%run_scoped3A : memref<!tpu.dma_semaphore, #tpu.memory_space<semaphore_mem>>)
        %dma_wait3A_20 = arith.constant 0 : i32
        %dma_wait3A_21 = tpu.memref_slice %arg4[%add3A_11, %dma_wait3A_20] : memref<327680x32xf32, #tpu.memory_space<hbm>> -> memref<2560x32xf32, #tpu.memory_space<hbm>>
        %dma_wait3A_22 = arith.constant 0 : i32
        %dma_wait3A_23 = tpu.memref_slice %arg4[%add3A_11, %dma_wait3A_22] : memref<327680x32xf32, #tpu.memory_space<hbm>> -> memref<2560x32xf32, #tpu.memory_space<hbm>>
        tpu.wait_dma2 semaphore(%run_scoped3A : memref<!tpu.dma_semaphore, #tpu.memory_space<semaphore_mem>>) src(%arg6 : memref<2560x32xf32, #tpu.memory_space<vmem>>) dst(%dma_wait3A_23 : memref<2560x32xf32, #tpu.memory_space<hbm>>)
        tpu.yield
      }) : () -> ()
    }
    %scan3A_7 = arith.constant 4 : i32
    return
  }
}

module attributes {stable_mosaic.version = 14 : i64} {
  func.func @_mlp_body(%arg0: i32, %arg1: memref<128x5x8x128xf32, #tpu.memory_space<vmem>>, %arg2: memref<5x128x256xf32, #tpu.memory_space<vmem>>, %arg3: memref<1x256xf32, #tpu.memory_space<vmem>>, %arg4: memref<256x128xf32, #tpu.memory_space<vmem>>, %arg5: memref<1024x128xf32, #tpu.memory_space<vmem>>) attributes {dimension_semantics = [#tpu.dimension_semantics<arbitrary>], iteration_bounds = array<i64: 16>, scalar_prefetch = 0 : i64, scratch_operands = 0 : i64, tpu.core_type = #tpu.core_type<tc>, window_params = [{transform_indices = @transform_0, window_bounds = array<i64: 128, 5, 8, 128>}, {pipeline_mode = #tpu.pipeline_mode<synchronous>, transform_indices = @transform_1, window_bounds = array<i64: 5, 128, 256>}, {pipeline_mode = #tpu.pipeline_mode<synchronous>, transform_indices = @transform_2, window_bounds = array<i64: 1, 256>}, {pipeline_mode = #tpu.pipeline_mode<synchronous>, transform_indices = @transform_3, window_bounds = array<i64: 256, 128>}, {transform_indices = @transform_4, window_bounds = array<i64: 1024, 128>}]} {
    %broadcast_in_dim3A = arith.constant 0.000000e+00 : f32
    %broadcast_in_dim3A_0 = vector.broadcast %broadcast_in_dim3A : f32 to vector<1024x256xf32>
    %get3A = arith.constant 0 : index
    %get3A_1 = arith.constant 0 : index
    %get3A_2 = arith.constant 0 : index
    %get3A_3 = arith.constant 0 : index
    %get3A_4 = vector.load %arg1[%get3A, %get3A_1, %get3A_2, %get3A_3] : memref<128x5x8x128xf32, #tpu.memory_space<vmem>>, vector<128x1x8x128xf32>
    %get3A_5 = vector.shape_cast %get3A_4 : vector<128x1x8x128xf32> to vector<128x8x128xf32>
    %reshape3A = vector.shape_cast %get3A_5 : vector<128x8x128xf32> to vector<1024x128xf32>
    %get3A_6 = arith.constant 0 : index
    %get3A_7 = arith.constant 0 : index
    %get3A_8 = arith.constant 0 : index
    %get3A_9 = vector.load %arg2[%get3A_6, %get3A_7, %get3A_8] : memref<5x128x256xf32, #tpu.memory_space<vmem>>, vector<1x128x256xf32>
    %get3A_10 = vector.shape_cast %get3A_9 : vector<1x128x256xf32> to vector<128x256xf32>
    %dot_general3A = arith.constant dense<0.000000e+00> : vector<1024x256xf32>
    %dot_general3A_11 = tpu.matmul %reshape3A, %get3A_10, %dot_general3A {dimension_numbers = #tpu.dot_dimension_numbers<[1], [0], [0], [1], [0, 0, 1, 1], [], []>, transpose_lhs_hint = false} : vector<1024x128xf32>, vector<128x256xf32>, vector<1024x256xf32> -> vector<1024x256xf32>
    %add3A = arith.addf %broadcast_in_dim3A_0, %dot_general3A_11 : vector<1024x256xf32>
    %get3A_12 = arith.constant 0 : index
    %get3A_13 = arith.constant 1 : index
    %get3A_14 = arith.constant 0 : index
    %get3A_15 = arith.constant 0 : index
    %get3A_16 = vector.load %arg1[%get3A_12, %get3A_13, %get3A_14, %get3A_15] : memref<128x5x8x128xf32, #tpu.memory_space<vmem>>, vector<128x1x8x128xf32>
    %get3A_17 = vector.shape_cast %get3A_16 : vector<128x1x8x128xf32> to vector<128x8x128xf32>
    %reshape3A_18 = vector.shape_cast %get3A_17 : vector<128x8x128xf32> to vector<1024x128xf32>
    %get3A_19 = arith.constant 1 : index
    %get3A_20 = arith.constant 0 : index
    %get3A_21 = arith.constant 0 : index
    %get3A_22 = vector.load %arg2[%get3A_19, %get3A_20, %get3A_21] : memref<5x128x256xf32, #tpu.memory_space<vmem>>, vector<1x128x256xf32>
    %get3A_23 = vector.shape_cast %get3A_22 : vector<1x128x256xf32> to vector<128x256xf32>
    %dot_general3A_24 = arith.constant dense<0.000000e+00> : vector<1024x256xf32>
    %dot_general3A_25 = tpu.matmul %reshape3A_18, %get3A_23, %dot_general3A_24 {dimension_numbers = #tpu.dot_dimension_numbers<[1], [0], [0], [1], [0, 0, 1, 1], [], []>, transpose_lhs_hint = false} : vector<1024x128xf32>, vector<128x256xf32>, vector<1024x256xf32> -> vector<1024x256xf32>
    %add3A_26 = arith.addf %add3A, %dot_general3A_25 : vector<1024x256xf32>
    %get3A_27 = arith.constant 0 : index
    %get3A_28 = arith.constant 2 : index
    %get3A_29 = arith.constant 0 : index
    %get3A_30 = arith.constant 0 : index
    %get3A_31 = vector.load %arg1[%get3A_27, %get3A_28, %get3A_29, %get3A_30] : memref<128x5x8x128xf32, #tpu.memory_space<vmem>>, vector<128x1x8x128xf32>
    %get3A_32 = vector.shape_cast %get3A_31 : vector<128x1x8x128xf32> to vector<128x8x128xf32>
    %reshape3A_33 = vector.shape_cast %get3A_32 : vector<128x8x128xf32> to vector<1024x128xf32>
    %get3A_34 = arith.constant 2 : index
    %get3A_35 = arith.constant 0 : index
    %get3A_36 = arith.constant 0 : index
    %get3A_37 = vector.load %arg2[%get3A_34, %get3A_35, %get3A_36] : memref<5x128x256xf32, #tpu.memory_space<vmem>>, vector<1x128x256xf32>
    %get3A_38 = vector.shape_cast %get3A_37 : vector<1x128x256xf32> to vector<128x256xf32>
    %dot_general3A_39 = arith.constant dense<0.000000e+00> : vector<1024x256xf32>
    %dot_general3A_40 = tpu.matmul %reshape3A_33, %get3A_38, %dot_general3A_39 {dimension_numbers = #tpu.dot_dimension_numbers<[1], [0], [0], [1], [0, 0, 1, 1], [], []>, transpose_lhs_hint = false} : vector<1024x128xf32>, vector<128x256xf32>, vector<1024x256xf32> -> vector<1024x256xf32>
    %add3A_41 = arith.addf %add3A_26, %dot_general3A_40 : vector<1024x256xf32>
    %get3A_42 = arith.constant 0 : index
    %get3A_43 = arith.constant 3 : index
    %get3A_44 = arith.constant 0 : index
    %get3A_45 = arith.constant 0 : index
    %get3A_46 = vector.load %arg1[%get3A_42, %get3A_43, %get3A_44, %get3A_45] : memref<128x5x8x128xf32, #tpu.memory_space<vmem>>, vector<128x1x8x128xf32>
    %get3A_47 = vector.shape_cast %get3A_46 : vector<128x1x8x128xf32> to vector<128x8x128xf32>
    %reshape3A_48 = vector.shape_cast %get3A_47 : vector<128x8x128xf32> to vector<1024x128xf32>
    %get3A_49 = arith.constant 3 : index
    %get3A_50 = arith.constant 0 : index
    %get3A_51 = arith.constant 0 : index
    %get3A_52 = vector.load %arg2[%get3A_49, %get3A_50, %get3A_51] : memref<5x128x256xf32, #tpu.memory_space<vmem>>, vector<1x128x256xf32>
    %get3A_53 = vector.shape_cast %get3A_52 : vector<1x128x256xf32> to vector<128x256xf32>
    %dot_general3A_54 = arith.constant dense<0.000000e+00> : vector<1024x256xf32>
    %dot_general3A_55 = tpu.matmul %reshape3A_48, %get3A_53, %dot_general3A_54 {dimension_numbers = #tpu.dot_dimension_numbers<[1], [0], [0], [1], [0, 0, 1, 1], [], []>, transpose_lhs_hint = false} : vector<1024x128xf32>, vector<128x256xf32>, vector<1024x256xf32> -> vector<1024x256xf32>
    %add3A_56 = arith.addf %add3A_41, %dot_general3A_55 : vector<1024x256xf32>
    %get3A_57 = arith.constant 0 : index
    %get3A_58 = arith.constant 4 : index
    %get3A_59 = arith.constant 0 : index
    %get3A_60 = arith.constant 0 : index
    %get3A_61 = vector.load %arg1[%get3A_57, %get3A_58, %get3A_59, %get3A_60] : memref<128x5x8x128xf32, #tpu.memory_space<vmem>>, vector<128x1x8x128xf32>
    %get3A_62 = vector.shape_cast %get3A_61 : vector<128x1x8x128xf32> to vector<128x8x128xf32>
    %reshape3A_63 = vector.shape_cast %get3A_62 : vector<128x8x128xf32> to vector<1024x128xf32>
    %get3A_64 = arith.constant 4 : index
    %get3A_65 = arith.constant 0 : index
    %get3A_66 = arith.constant 0 : index
    %get3A_67 = vector.load %arg2[%get3A_64, %get3A_65, %get3A_66] : memref<5x128x256xf32, #tpu.memory_space<vmem>>, vector<1x128x256xf32>
    %get3A_68 = vector.shape_cast %get3A_67 : vector<1x128x256xf32> to vector<128x256xf32>
    %dot_general3A_69 = arith.constant dense<0.000000e+00> : vector<1024x256xf32>
    %dot_general3A_70 = tpu.matmul %reshape3A_63, %get3A_68, %dot_general3A_69 {dimension_numbers = #tpu.dot_dimension_numbers<[1], [0], [0], [1], [0, 0, 1, 1], [], []>, transpose_lhs_hint = false} : vector<1024x128xf32>, vector<128x256xf32>, vector<1024x256xf32> -> vector<1024x256xf32>
    %add3A_71 = arith.addf %add3A_56, %dot_general3A_70 : vector<1024x256xf32>
    %get3A_72 = arith.constant 0 : index
    %get3A_73 = arith.constant 0 : index
    %get3A_74 = vector.load %arg3[%get3A_72, %get3A_73] : memref<1x256xf32, #tpu.memory_space<vmem>>, vector<1x256xf32>
    %add3A_75 = vector.broadcast %get3A_74 : vector<1x256xf32> to vector<1024x256xf32>
    %add3A_76 = arith.addf %add3A_71, %add3A_75 : vector<1024x256xf32>
    %neg3A = arith.constant 0.000000e+00 : f32
    %neg3A_77 = vector.broadcast %neg3A : f32 to vector<1024x256xf32>
    %neg3A_78 = arith.subf %neg3A_77, %add3A_76 : vector<1024x256xf32>
    %exp3A = math.exp %neg3A_78 : vector<1024x256xf32>
    %add3A_79 = arith.constant 1.000000e+00 : f32
    %add3A_80 = vector.broadcast %add3A_79 : f32 to vector<1024x256xf32>
    %add3A_81 = arith.addf %add3A_80, %exp3A : vector<1024x256xf32>
    %div3A = arith.constant 1.000000e+00 : f32
    %div3A_82 = vector.broadcast %div3A : f32 to vector<1024x256xf32>
    %div3A_83 = arith.divf %div3A_82, %add3A_81 : vector<1024x256xf32>
    %get3A_84 = arith.constant 0 : index
    %get3A_85 = arith.constant 0 : index
    %get3A_86 = vector.load %arg4[%get3A_84, %get3A_85] : memref<256x128xf32, #tpu.memory_space<vmem>>, vector<256x128xf32>
    %dot_general3A_87 = arith.constant dense<0.000000e+00> : vector<1024x128xf32>
    %dot_general3A_88 = tpu.matmul %div3A_83, %get3A_86, %dot_general3A_87 {dimension_numbers = #tpu.dot_dimension_numbers<[1], [0], [0], [1], [0, 0, 1, 1], [], []>, transpose_lhs_hint = false} : vector<1024x256xf32>, vector<256x128xf32>, vector<1024x128xf32> -> vector<1024x128xf32>
    %swap3A = arith.constant 0 : index
    %swap3A_89 = arith.constant 0 : index
    %swap3A_90 = vector.load %arg5[%swap3A, %swap3A_89] : memref<1024x128xf32, #tpu.memory_space<vmem>>, vector<1024x128xf32>
    tpu.vector_store %arg5[%swap3A, %swap3A_89], %dot_general3A_88 {strides = array<i32>} : memref<1024x128xf32, #tpu.memory_space<vmem>>, vector<1024x128xf32>,
    return
  }
  func.func @transform_0(%arg0: i32) -> (i32, i32, i32, i32) {
    %c0_i32 = arith.constant 0 : i32
    %c0_i32_0 = arith.constant 0 : i32
    %c0_i32_1 = arith.constant 0 : i32
    %c0_i32_2 = arith.constant 0 : i32
    return %arg0, %c0_i32, %c0_i32_0, %c0_i32_1 : i32, i32, i32, i32
  }
  func.func @transform_1(%arg0: i32) -> (i32, i32, i32) {
    %c0_i32 = arith.constant 0 : i32
    %c0_i32_0 = arith.constant 0 : i32
    %c0_i32_1 = arith.constant 0 : i32
    %c0_i32_2 = arith.constant 0 : i32
    return %c0_i32, %c0_i32_0, %c0_i32_1 : i32, i32, i32
  }
  func.func @transform_2(%arg0: i32) -> (i32, i32) {
    %c0_i32 = arith.constant 0 : i32
    %c0_i32_0 = arith.constant 0 : i32
    %c0_i32_1 = arith.constant 0 : i32
    return %c0_i32, %c0_i32_0 : i32, i32
  }
  func.func @transform_3(%arg0: i32) -> (i32, i32) {
    %c0_i32 = arith.constant 0 : i32
    %c0_i32_0 = arith.constant 0 : i32
    %c0_i32_1 = arith.constant 0 : i32
    return %c0_i32, %c0_i32_0 : i32, i32
  }
  func.func @transform_4(%arg0: i32) -> (i32, i32) {
    %c0_i32 = arith.constant 0 : i32
    %c0_i32_0 = arith.constant 0 : i32
    return %arg0, %c0_i32 : i32, i32
  }
}

</mosaic_0001>

<sc_bundles>
// kernel: kernel.5.cloned.1.call-start
scs
__scs_entry_jumppad:
0x0: {  	(pc) =	sbr.rel $0x88, $3  }
0x1: {  	(tag) =	ssettag $0x0;
	lr =	simm.s32 $0x1  }
0x2: {  	[smem:$0x3F9C] =	sst lr;
	_ =	strace $0xD0000000  }
0x3: {  	_ = 	snop  }
0x4: {  	_ = 	snop  }
0x5: {  	_ = 	snop  }
0x6: {  	_ = 	snop  }
0x7: {  	_ = 	snop  }
__scs_overlays_trampoline_lowered:
0x8: {  	[smem:$0x3FAB] =	sst s0  }
0x9: {  	[smem:$0x3FAC] =	sst s1  }
0xa: {  	[smem:$0x3FAD] =	sst s2  }
0xb: {  	[smem:$0x3FAE] =	sst s3  }
0xc: {  	[smem:$0x3FAF] =	sst s4  }
0xd: {  	[smem:$0x3FB0] =	sst s5  }
0xe: {  	[smem:$0x3FB1] =	sst s6  }
0xf: {  	[smem:$0x3FB2] =	sst s7  }
0x10: {  	[smem:$0x3FB3] =	sst s8  }
0x11: {  	[smem:$0x3FB4] =	sst s9;
	s0 =	simm.s32 @!p0 $0x0  }
0x12: {  	s1 =	sld [smem:$0x3F9A];
	s0 =	simm.s32 @p0 $0x1  }
0x13: {  	[smem:$0x3FB5] =	sst s0;
	s0 =	simm.s32 @!p1 $0x0  }
0x14: {  	s2 =	sld [smem:$0x3F99];
	s0 =	simm.s32 @p1 $0x1  }
0x15: {  	[smem:$0x3FB6] =	sst s0;
	s0 =	simm.s32 @!p2 $0x0  }
0x16: {  	s3 =	sld [smem:$0x3FDB];
	s0 =	simm.s32 @p2 $0x1  }
0x17: {  	s4 =	simm.s32 $0x1BF5;
	[smem:$0x3FB8] =	sst s0  }
0x18: {  	s0 =	sld [smem:$0x3F9B];
	_ =	swait.ge [sflag:s4], $0x0  }
0x19: {  	s7 =	sld [smem:$0x3F9C]  }
0x1a: {  	s8 =	sadd.s32 $0xFFFFE003, lr  }
0x1b: {  	s9 =	sadd.s32 $0xFFFFFEF7, lr;
	s5 =	simm.s32 $0xFFFFFFFF;
	p2 =	slt.u32 s8, $0xFFFFF086  }
0x1c: {  	p1 =	slt.u32 s9, $0xF7A;
	s5 =	simm.s32 @!p2 $0x0  }
0x1d: {  	s5 =	simm.s32 @p1 $0x1;
	p0 =	seq.s32 s7, s2  }
0x1e: {  	s7 =	smul.u32 @!p0 $0xF7A, s2;
	p2 =	seq.s32 @!p0 s5, $0x0  }
0x1f: {  	s9 =	smul.u32 $0xF7A, s1;
	s8 =	simm.s32 @!p0 $0x1BF5;
	p2 =	por !p2, p0  }
0x20: {  	[sflag:s8] =	ssyncset.s32 @!p0 $0xFFFFF086;
	s6 =	sadd.s32 @!p0 s3, s7;
	s7 =	simm.s32 @!p0 $0x108  }
0x21: {  	s3 =	sadd.s32 s3, s9;
	s6 =	sadd.s32 @!p0 $0x88, s6;
	s7 =	simm.s32 @p2 $0x1082  }
0x22: {  	[simem:s7], [sflag:s8] =	dma.local @!p0 [hbm:s6], $0xF7A  }
0x23: {  	s9 =	sor.u32 $0xD0000000, s2;
	s6 =	simm.s32 $0x108;
	_ =	swait.ge @!p0 [sflag:s8], $0x0  }
0x24: {  	s3 =	sadd.s32 $0x88, s3;
	s6 =	simm.s32 @!p1 $0x1082;
	[sflag:s4] =	ssyncset.s32 $0xFFFFF086  }
0x25: {  	[simem:s6], [sflag:s4] =	dma.local [hbm:s3], $0xF7A  }
0x26: {  	[smem:$0x3F9C] =	sst s1;
	(tag) =	ssettag s2;
	_ =	strace s9  }
0x27: {  	s1 =	sld [smem:$0x3FAC]  }
0x28: {  	s2 =	sld [smem:$0x3FAD]  }
0x29: {  	s4 =	sld [smem:$0x3FAF]  }
0x2a: {  	p0 =	seq.s32 s5, $0x0;
	s5 =	sld [smem:$0x3FB0]  }
0x2b: {  	s6 =	sld [smem:$0x3FB1]  }
0x2c: {  	s7 =	sld [smem:$0x3FB2]  }
0x2d: {  	s3 =	simm.s32 $0x108;
	s8 =	sld [smem:$0x3FB3]  }
0x2e: {  	s3 =	simm.s32 @!p0 $0x1082;
	s9 =	sld [smem:$0x3FB4]  }
0x2f: {  	lr =	sadd.s32 s0, s3;
	s0 =	sld [smem:$0x3FAB]  }
0x30: {  	s3 =	sld [smem:$0x3FAE]  }
0x31: {  	[smem:$0x3FB7] =	sst s10  }
0x32: {  	s10 =	sld [smem:$0x3FB5];
	_ =	sdelay $0x3  }
0x33: {  	p0 =	seq.s32 s10, $0x1;
	s10 =	sld [smem:$0x3FB7];
	_ =	sdelay $0x3  }
0x34: {  	[smem:$0x3FB7] =	sst s10  }
0x35: {  	s10 =	sld [smem:$0x3FB6];
	_ =	sdelay $0x3  }
0x36: {  	p1 =	seq.s32 s10, $0x1;
	s10 =	sld [smem:$0x3FB7];
	_ =	sdelay $0x3  }
0x37: {  	[smem:$0x3FB7] =	sst s10  }
0x38: {  	s10 =	sld [smem:$0x3FB8]  }
0x39: {  	_ = 	snop;
	(pc) =	sbr.ind lr, $3  }
0x3a: {  	_ = 	snop  }
0x3b: {  	_ = 	snop  }
0x3c: {  	p2 =	seq.s32 s10, $0x1;
	s10 =	sld [smem:$0x3FB7]  }
0x3d: {  	_ =	shalt  }
0x3e: {  	_ =	shalt  }
0x3f: {  	_ =	shalt  }
0x40: {  	_ =	shalt  }
0x41: {  	_ =	shalt  }
0x42: {  	_ =	shalt  }
0x43: {  	_ =	shalt  }
0x44: {  	_ =	shalt  }
0x45: {  	_ =	shalt  }
0x46: {  	_ =	shalt  }
0x47: {  	_ =	shalt  }
0x48: {  	_ =	shalt  }
0x49: {  	_ =	shalt  }
0x4a: {  	_ =	shalt  }
0x4b: {  	_ =	shalt  }
0x4c: {  	_ =	shalt  }
0x4d: {  	_ =	shalt  }
0x4e: {  	_ =	shalt  }
0x4f: {  	_ =	shalt  }
0x50: {  	_ =	shalt  }
0x51: {  	_ =	shalt  }
0x52: {  	_ =	shalt  }
0x53: {  	_ =	shalt  }
0x54: {  	_ =	shalt  }
0x55: {  	_ =	shalt  }
0x56: {  	_ =	shalt  }
0x57: {  	_ =	shalt  }
0x58: {  	_ =	shalt  }
0x59: {  	_ =	shalt  }
0x5a: {  	_ =	shalt  }
0x5b: {  	_ =	shalt  }
0x5c: {  	_ =	shalt  }
0x5d: {  	_ =	shalt  }
0x5e: {  	_ =	shalt  }
0x5f: {  	_ =	shalt  }
0x60: {  	_ =	shalt  }
0x61: {  	_ =	shalt  }
0x62: {  	_ =	shalt  }
0x63: {  	_ =	shalt  }
0x64: {  	_ =	shalt  }
0x65: {  	_ =	shalt  }
0x66: {  	_ =	shalt  }
0x67: {  	_ =	shalt  }
0x68: {  	_ =	shalt  }
0x69: {  	_ =	shalt  }
0x6a: {  	_ =	shalt  }
0x6b: {  	_ =	shalt  }
0x6c: {  	_ =	shalt  }
0x6d: {  	_ =	shalt  }
0x6e: {  	_ =	shalt  }
0x6f: {  	_ =	shalt  }
0x70: {  	_ =	shalt  }
0x71: {  	_ =	shalt  }
0x72: {  	_ =	shalt  }
0x73: {  	_ =	shalt  }
0x74: {  	_ =	shalt  }
0x75: {  	_ =	shalt  }
0x76: {  	_ =	shalt  }
0x77: {  	_ =	shalt  }
0x78: {  	_ =	shalt  }
0x79: {  	_ =	shalt  }
0x7a: {  	_ =	shalt  }
0x7b: {  	_ =	shalt  }
0x7c: {  	_ =	shalt  }
0x7d: {  	_ =	shalt  }
0x7e: {  	_ =	shalt  }
0x7f: {  	_ =	shalt  }
0x80: {  	_ =	shalt  }
0x81: {  	_ =	shalt  }
0x82: {  	_ =	shalt  }
0x83: {  	_ =	shalt  }
0x84: {  	_ =	shalt  }
0x85: {  	_ =	shalt  }
0x86: {  	_ =	shalt  }
0x87: {  	_ =	shalt  }
.Lfunc_end0:
.L_simem_size_0:
called_computation_lowered:
.L_overlay_start_0:
0x88: {  	s2 =	sld [smem:$0x3FD9]  }
0x89: {  	s3 =	sld [smem:$0x3FFE];
	_ =	sdelay $0x1  }
0x8a: {  	s1 =	srdreg.scid  }
0x8b: {  	s0 =	sand.u32 $0x1, s1  }
0x8c: {  	s17 =	sshll.u32 s0, $0xA;
	s2 =	sadd.s32 s3, s2  }
0x8d: {  	s2 =	sadd.s32 s2, s17  }
0x8e: {  	[smem:$0x3FC3] =	sst s2  }
0x8f: {  	_ = 	snop  }
0x90: {  	s2 =	sld [smem:$0x3FC8];
	(tm) =	ssettm $0x1  }
0x91: {  	s18 =	sld [smem:$0x3FFB];
	_ =	sdelay $0x3  }
0x92: {  	_ =	strace s18  }
0x93: {  	s3 =	sld [smem:$0x3FFC];
	_ =	sdelay $0x3  }
0x94: {  	_ =	strace s3  }
0x95: {  	s3 =	sld [smem:$0x3FFD];
	_ =	sdelay $0x3  }
0x96: {  	_ =	strace s3  }
0x97: {  	_ =	strace $0x8FFFFFFF  }
0x98: {  	s19 =	sld [smem:$0x3FDB];
	_ =	sdelay $0x1  }
0x99: {  	s4 =	simm.s32 $_scs_section_size  }
0x9a: {  	s5 =	simm.s32 $_size__tile_overlayer_lowered;
	s6 =	simm.s32 $_tile_overlayer_lowered  }
0x9b: {  	s22 =	simm.s32 $0x1BFF;
	s21 =	sshll.u32 s6, $0x1;
	s3 =	sadd.s32 s4, s19  }
0x9c: {  	s7 =	simm.s32 $0x0;
	s20 =	sshll.u32 s5, $0x1;
	s5 =	sadd.s32 s21, s3  }
0x9d: {  	[timem:s7], [sflag:s22] =	dma.local [hbm:s5], s20  }
0x9e: {  	_ =	swait.ge [sflag:s22], s20  }
0x9f: {  	s4 =	ssub.s32 $0x0, s20;
	[sflag:s22] =	ssyncset.done $0x0  }
0xa0: {  	[sflag:s22] =	ssyncadd.s32 s4;
	_ =	sdelay $0x1  }
0xa1: {  	s23 =	simm.s32 $0x1B8B  }
0xa2: {  	_ =	swait.ge [sflag:s23], $0x1  }
0xa3: {  	[sflag:s23] =	ssyncset.done $0x0  }
0xa4: {  	s25 =	simm.s32 $0x1B8E;
	s24 =	sld [smem:$0x3FFE];
	[sflag:s23] =	ssyncadd.s32 $0xFFFFFFFF  }
0xa5: {  	s26 =	simm.s32 $execute0_lowered;
	[smem:$0x3FD2] =	sst s25  }
0xa6: {  	s5 =	sshll.u32 s26, $0x1;
	_ =	strace $0x80000046;
	[dreg:$0x1] =	wrdreg $0xFFFFFFFF  }
0xa7: {  	s28 =	simm.s32 $_size_execute0_lowered;
	s3 =	sadd.s32 s3, s5;
	[dreg:$0x0] =	wrdreg $0x0  }
0xa8: {  	s5 =	sshll.u32 s28, $0x1;
	[dreg:$0x2] =	wrdreg s3  }
0xa9: {  	[dreg:$0x3] =	wrdreg s5  }
0xaa: {  	[dreg:$0x4] =	wrdreg $0xC0  }
0xab: {  	_ =	task [dreg:s7], $0x5FFFF  }
0xac: {  	[dreg:$0x1] =	wrdreg $0xFFFFFFFF  }
0xad: {  	[dreg:$0x0] =	wrdreg $0x60  }
0xae: {  	[dreg:$0x2] =	wrdreg s2  }
0xaf: {  	[dreg:$0x3] =	wrdreg s24  }
0xb0: {  	[dreg:$0x4] =	wrdreg $0x9  }
0xb1: {  	_ =	task.clear_ibuf [dreg:s7], $0x5FFFF;
	_ =	strace $0x90000046  }
0xb2: {  	s29 =	simm.s32 $0x9;
	_ =	strace $0x80000048  }
0xb3: {  	_ =	swait.ge [sflag:s29], $0x1  }
0xb4: {  	[sflag:s29] =	ssyncadd.s32 $0xFFFFFFFF  }
0xb5: {  	_ =	strace $0x90000048  }
0xb6: {  	_ =	sfence  }
0xb7: {  	s30 =	sld [smem:$0x0];
	_ =	sdelay $0x2  }
0xb8: {  	s31 =	sshll.u32 s1, $0xD;
	s1 =	sshrl.u32 s1, $0x2  }
0xb9: {  	s3 =	sand.u32 $0x4000, s31;
	s1 =	sadd.s32 s1, s30  }
0xba: {  	s0 =	sor.u32 s3, s0;
	s1 =	sshll.u32 s1, $0x11  }
0xbb: {  	s0 =	sor.u32 s1, s0  }
0xbc: {  	s0 =	sadd.s32 $0x8F2B, s0  }
0xbd: {  	[sflag:s0] =	ssyncadd.remote.s32 $0x1  }
0xbe: {  	_ =	sfence.sel $0xFFFF  }
0xbf: {  	[dreg:$0x0] =	wrdreg $0xFFFFFFFF;
	(pc) =	sbr.abs _section_cstart, $3  }
0xc0: {  	[dreg:$0x1] =	wrdreg $0xFFFFFFFF  }
0xc1: {  	_ =	task.clear_ibuf [dreg:s7], $0x2FFFF;
	_ =	strace $0x9FFFFFFF  }
0xc2: {  	(tm) =	ssettm $0x7FFFFFFF  }
0xc3: {  	_ =	shalt  }
tec
execute0_lowered:
.L_overlay_start_1:
0x0: {  	(tag) =	ssettag $0x1  }
0x1: {  	v0 =	vimm.s32 $0x1380;
	vm0 =	vcmask $0x300  }
0x2: {  	vm1 =	vcmask $0x704;
	v1 =	vimm.s32 $0x3380;
	vm2 =	vcmask $0xB08  }
0x3: {  	vm4 =	vcmask $0xF0C;
	v0 =	vsel vm0, $0x0, v0;
	v1 =	vsel vm0, $0x2000, v1  }
0x4: {  	vm5 =	vcmask $0x1310;
	v0 =	vsel vm1, $0x80, v0;
	v1 =	vsel vm1, $0x2080, v1  }
0x5: {  	vm6 =	vcmask $0x1714;
	v0 =	vsel vm2, $0x100, v0;
	v1 =	vsel vm2, $0x2100, v1  }
0x6: {  	s31 =	rddreg [dreg:$0x0];
	vm7 =	vcmask $0x1B18;
	v0 =	vsel vm4, $0x180, v0;
	v1 =	vsel vm4, $0x2180, v1  }
0x7: {  	s0 =	rddreg [dreg:$0x1];
	vm8 =	vcmask $0x1F1C;
	v0 =	vsel vm5, $0x200, v0;
	v1 =	vsel vm5, $0x2200, v1  }
0x8: {  	s3 =	simm.s32 $0x0;
	s1 =	srdreg.scid;
	s2 =	stileid.u32;
	vm9 =	vcmask $0x2320;
	v0 =	vsel vm6, $0x280, v0;
	v1 =	vsel vm6, $0x2280, v1  }
0x9: {  	vm10 =	vcmask $0x2724;
	s16 =	simm.s32 $0x4000;
	[smem:$0x7FF] =	sst s3;
	s1 =	sand.u32 $0x1, s1;
	v0 =	vsel vm7, $0x300, v0;
	v1 =	vsel vm7, $0x2300, v1  }
0xa: {  	vm11 =	vcmask $0x2B28;
	s2 =	sshll.u32 s2, $0x1;
	s25 =	sadd.s32 $0x1000, s0;
	s29 =	sadd.s32 $0xF4200, s31;
	v0 =	vsel vm8, $0x380, v0;
	v1 =	vsel vm8, $0x2380, v1  }
0xb: {  	s0 =	sadd.s32 $0x3D1800, s0;
	_ =	strace $0x80000047;
	[dreg:$0x4] =	wrdreg s25;
	v0 =	vsel vm9, $0x1000, v0;
	v1 =	vsel vm9, $0x3000, v1  }
0xc: {  	vm12 =	vcmask $0x2F2C;
	s4 =	ssub.s32 $0x2, s1;
	s5 =	sor.u32 s1, s2;
	[dreg:$0x7] =	wrdreg s29;
	v0 =	vsel vm10, $0x1080, v0;
	v1 =	vsel vm10, $0x3080, v1  }
.Ltmp0:
0xd: {  	vm13 =	vcmask $0x3330;
	[dreg:$0x8] =	wrdreg s0;
	s26 =	sshrl.u32 s4, $0x1;
	v0 =	vsel vm11, $0x1100, v0;
	v1 =	vsel vm11, $0x3100, v1;
	(pc) =	sbr.rel .LBB2_1-.Ltmp0, $4  }
0xe: {  	vm14 =	vcmask $0x3734;
	s2 =	sshll.u32 s5, $0x9;
	s28 =	sor.u32 $0x40, s5;
	[dreg:$0x3] =	wrdreg s5;
	v0 =	vsel vm12, $0x1180, v0;
	v1 =	vsel vm12, $0x3180, v1  }
0xf: {  	vm15 =	vcmask $0x3B38;
	s1 =	ssub.s32 s4, s26;
	s2 =	sadd.s32 s31, s2;
	[dreg:$0x6] =	wrdreg s28;
	v0 =	vsel vm13, $0x1200, v0;
	v1 =	vsel vm13, $0x3200, v1  }
0x10: {  	s21 =	simm.s32 $0x10000;
	v2 =	vlaneseq.u32;
	[dreg:$0x5] =	wrdreg s2;
	s30 =	smax.u32 s1, $0x1;
	v0 =	vsel vm14, $0x1280, v0;
	v1 =	vsel vm14, $0x3280, v1  }
0x11: {  	v2 =	vmul.u32 $0x80, v2;
	p0 =	sne.s32 s5, $0x1F;
	s1 =	simm.s32 $0x0;
	[dreg:$0x9] =	wrdreg s30;
	v0 =	vsel vm15, $0x1300, v0;
	v1 =	vsel vm15, $0x3300, v1  }
.LBB2_13:
0x12: {  	s1 =	sadd.s32 $0x1, s1;
	s0 =	rddreg [dreg:$0x9]  }
0x13: {  	p1 =	sne.s32 s1, s0  }
.Ltmp1:
0x14: {  	_ = 	snop;
	(pc) =	sbr.rel @!p1 .LBB2_14-.Ltmp1, $1  }
0x15: {  	_ =	sdelay $0x3  }
.LBB2_1:
.Ltmp2:
0x16: {  	(pc) =	sbr.rel .LBB2_2-.Ltmp2, $4  }
0x17: {  	[dreg:$0xa] =	wrdreg s1  }
0x18: {  	s0 =	rddreg [dreg:$0x5]  }
0x19: {  	s30 =	simm.s32 $0x1000;
	s2 =	simm.s32 $0x7A1400;
	s25 =	simm.s32 $0x0  }
0x1a: {  	[tilespmem:s3], [sflag:$0x1] =	stream.strided.gather [hbm4b:s0+s30], $0x4000, s2, s30, $0x38;
	[tilespmem:$0x11800] =	vst v63  }
.LBB2_8:
0x1b: {  	s25 =	sadd.s32 $0x1, s25  }
0x1c: {  	p1 =	sne.s32 s25, $0x1F  }
.Ltmp3:
0x1d: {  	_ = 	snop;
	(pc) =	sbr.rel @!p1 .LBB2_9-.Ltmp3, $1  }
0x1e: {  	_ =	sdelay $0x3  }
.LBB2_2:
0x1f: {  	s0 =	simm.s32 $0x4  }
0x20: {  	s1 =	simm.s32 $0x1C;
	s18 =	simm.s32 $0x8;
	s19 =	simm.s32 $0xC;
	v3 =	vmov s0  }
0x21: {  	s20 =	simm.s32 $0x10;
	s22 =	simm.s32 $0x14;
	s23 =	simm.s32 $0x0;
	v4 =	vmov s1;
	v5 =	vmov s18;
	v6 =	vmov s19  }
0x22: {  	s24 =	simm.s32 $0x18;
	s5 =	simm.s32 $0xD;
	s6 =	simm.s32 $0x11;
	v8 =	vmov s20;
	v9 =	vmov s23;
	v10 =	vmov s22  }
0x23: {  	s7 =	simm.s32 $0x15;
	s8 =	simm.s32 $0x19;
	s9 =	simm.s32 $0x1E;
	v11 =	vmov s24;
	v23 =	vmov s5;
	v25 =	vmov s6  }
0x24: {  	s14 =	simm.s32 $0x12;
	s15 =	simm.s32 $0x1F;
	s17 =	simm.s32 $0x16;
	v27 =	vmov s7;
	v28 =	vmov s8;
	v42 =	vmov s9  }
0x25: {  	v46 =	vmov s14;
	v47 =	vmov s17;
	v48 =	vmov s15  }
0x26: {  	s4 =	sshll.u32 s25, $0x6;
	s2 =	rddreg [dreg:$0x3];
	v7 =	vshll.u32 v4, $0x3;
	v4 =	vand.u32 $0x7C, v4;
	v13 =	vshll.u32 v3, $0x3  }
0x27: {  	s29 =	sor.u32 s4, s2;
	v14 =	vshll.u32 v5, $0x3;
	v15 =	vshll.u32 v6, $0x3;
	v16 =	vshll.u32 v8, $0x3  }
0x28: {  	[dreg:$0xc] =	wrdreg s4;
	s4 =	sor.u32 $0x20, s29;
	v17 =	vshll.u32 v10, $0x3;
	v18 =	vshll.u32 v11, $0x3;
	v3 =	vand.u32 $0x64, v3  }
0x29: {  	s26 =	simm.s32 $0x1;
	s18 =	simm.s32 $0x1A;
	v5 =	vand.u32 $0x68, v5;
	v6 =	vand.u32 $0x6C, v6;
	v8 =	vand.u32 $0x70, v8;
	p2 =	sgt.u32 s4, $0x7A0  }
0x2a: {  	v10 =	vand.u32 $0x74, v10;
	v11 =	vand.u32 $0x78, v11;
	v29 =	vshll.u32 v23, $0x3;
	[dreg:$0xb] =	wrdreg s4;
	s0 =	sshll.u32 @!p2 s4, $0x9;
	s1 =	simm.s32 @!p2 $0x1000  }
0x2b: {  	v30 =	vshll.u32 v25, $0x3;
	v31 =	vshll.u32 v27, $0x3;
	v32 =	vshll.u32 v28, $0x3;
	s2 =	simm.s32 @!p2 $0x7A1400;
	s4 =	simm.s32 @!p2 $0x4000;
	s0 =	sadd.s32 @!p2 s31, s0  }
0x2c: {  	v43 =	vand.u32 $0x75, v27;
	v49 =	vmov s18;
	v7 =	vand.u32 $0xC00, v7;
	[tilespmem:s4], [sflag:$0x2] =	stream.strided.gather @!p2 [hbm4b:s0+s1], $0x4000, s2, s1, $0x38;
	[tilespmem:$0x11800] =	vst v63  }
0x2d: {  	v13 =	vand.u32 $0xC00, v13;
	v14 =	vand.u32 $0xC00, v14;
	v4 =	vor.u32 v4, v7;
	_ =	swait.ge [sflag:s26], $0x4000  }
0x2e: {  	p1 =	seq.s32 s25, $0x0;
	v15 =	vand.u32 $0xC00, v15;
	v17 =	vand.u32 $0xC00, v17;
	v12 =	vor.u32 v0, v4;
	[sflag:s26] =	ssyncset.done $0x0  }
0x2f: {  	v7 =	vshll.u32 v9, $0x3;
	v9 =	vand.u32 $0x60, v9;
	v3 =	vor.u32 v3, v13;
	s0 =	simm.s32 @!p1 $0x3;
	[sflag:s26] =	ssyncadd.s32 $0xFFFFC000  }
0x30: {  	v5 =	vor.u32 v5, v14;
	v6 =	vor.u32 v6, v15;
	v14 =	vor.u32 v0, v3;
	_ =	swait.ge @!p1 [sflag:s0], $0x4000  }
0x31: {  	v10 =	vor.u32 v10, v17;
	v7 =	vand.u32 $0xC00, v7;
	v17 =	vor.u32 v0, v6;
	[sflag:s0] =	ssyncset.done @!p1 $0x0  }
0x32: {  	v16 =	vand.u32 $0xC00, v16;
	v15 =	vor.u32 v0, v5;
	v7 =	vor.u32 v9, v7;
	[sflag:s0] =	ssyncadd.s32 @!p1 $0xFFFFC000  }
0x33: {  	v18 =	vand.u32 $0xC00, v18;
	v8 =	vor.u32 v8, v16;
	v9 =	vld.idx.msk [tilespmem:v12+s3+$0x0], $0xffff;
	v12 =	vor.u32 v0, v7  }
0x34: {  	v50 =	vshll.u32 v48, $0x3;
	v11 =	vor.u32 v11, v18;
	v18 =	vor.u32 v0, v8  }
0x35: {  	s28 =	simm.s32 $0x1D;
	v51 =	vshll.u32 v47, $0x3;
	v40 =	vand.u32 $0x7FFFFC00, v30;
	v4 =	vor.u32 v1, v4;
	v14 =	vld.idx.msk [tilespmem:v14+s3+$0x0], $0xffff  }
0x36: {  	v41 =	vand.u32 $0x7FFFFC00, v31;
	v13 =	vmov s28;
	v3 =	vor.u32 v1, v3;
	v17 =	vld.idx.msk [tilespmem:v17+s3+$0x0], $0xffff  }
0x37: {  	v16 =	vshll.u32 v13, $0x3;
	v13 =	vand.u32 $0x7D, v13;
	v6 =	vor.u32 v1, v6;
	v15 =	vld.idx.msk [tilespmem:v15+s3+$0x0], $0xffff  }
0x38: {  	s30 =	simm.s32 $0x8200;
	v19 =	vor.u32 v0, v10;
	v5 =	vor.u32 v1, v5;
	v8 =	vor.u32 v1, v8;
	v12 =	vld.idx.msk [tilespmem:v12+s3+$0x0], $0xffff  }
0x39: {  	v10 =	vor.u32 v1, v10;
	v16 =	vand.u32 $0x7FFFFC00, v16;
	v18 =	vld.idx.msk [tilespmem:v18+s3+$0x0], $0xffff;
	[tilespmem:s30+$0x180] =	vst v9;
	v9 =	vor.u32 v0, v11  }
0x3a: {  	v31 =	vand.u32 $0x7FFFFC00, v50;
	s1 =	simm.s32 $0x1;
	s2 =	simm.s32 $0x5;
	v13 =	vor.u32 v13, v16;
	v7 =	vor.u32 v1, v7;
	[tilespmem:s30+$0xFFFFFE80] =	vst v14;
	v4 =	vld.idx.msk [tilespmem:v4+s3+$0x0], $0xffff  }
0x3b: {  	s4 =	simm.s32 $0x9;
	v20 =	vmov s1;
	v21 =	vmov s2;
	v16 =	vadd.s32 v0, v13;
	[tilespmem:s30+$0xFFFFFF80] =	vst v17;
	v3 =	vld.idx.msk [tilespmem:v3+s3+$0x0], $0xffff  }
0x3c: {  	v22 =	vmov s4;
	v24 =	vshll.u32 v20, $0x3;
	v26 =	vshll.u32 v21, $0x3;
	[tilespmem:s30+$0xFFFFFF00] =	vst v15;
	v6 =	vld.idx.msk [tilespmem:v6+s3+$0x0], $0xffff  }
0x3d: {  	v13 =	vadd.s32 v1, v13;
	v24 =	vand.u32 $0xC00, v24;
	v26 =	vand.u32 $0x7FFFFC00, v26;
	[tilespmem:s30+$0xFFFFFE00] =	vst v12;
	v12 =	vld.idx.msk [tilespmem:v19+s3+$0x0], $0xffff  }
0x3e: {  	v11 =	vor.u32 v1, v11;
	v14 =	vand.u32 $0x61, v20;
	v20 =	vand.u32 $0x7FFFFC00, v32;
	[tilespmem:s30+$0x0] =	vst v18;
	v9 =	vld.idx.msk [tilespmem:v9+s3+$0x0], $0xffff  }
0x3f: {  	v17 =	vand.u32 $0x6D, v23;
	v14 =	vor.u32 v14, v24;
	v19 =	vand.u32 $0x7FFFFC00, v29;
	[tilespmem:s30+$0x190] =	vst v4;
	v7 =	vld.idx.msk [tilespmem:v7+s3+$0x0], $0xffff  }
0x40: {  	v15 =	vand.u32 $0x65, v21;
	v17 =	vor.u32 v17, v19;
	v19 =	vor.u32 v0, v14;
	[tilespmem:s30+$0xFFFFFE90] =	vst v3;
	v16 =	vld.idx.msk [tilespmem:v16+s3+$0x0], $0xffff  }
0x41: {  	v21 =	vand.u32 $0x69, v22;
	v18 =	vand.u32 $0x79, v28;
	v5 =	vld.idx.msk [tilespmem:v5+s3+$0x0], $0xffff;
	v15 =	vor.u32 v15, v26;
	[tilespmem:s30+$0xFFFFFF90] =	vst v6  }
0x42: {  	v18 =	vor.u32 v18, v20;
	v8 =	vld.idx.msk [tilespmem:v8+s3+$0x0], $0xffff;
	v20 =	vadd.s32 v0, v15;
	v4 =	vshll.u32 v22, $0x3;
	[tilespmem:s30+$0x80] =	vst v12  }
0x43: {  	v23 =	vand.u32 $0x7E, v42;
	v45 =	vadd.s32 v0, v18;
	v4 =	vand.u32 $0x7FFFFC00, v4;
	[tilespmem:s30+$0x100] =	vst v9  }
0x44: {  	v22 =	vshll.u32 v42, $0x3;
	v4 =	vor.u32 v21, v4;
	v9 =	vadd.s32 v0, v17;
	v10 =	vld.idx.msk [tilespmem:v10+s3+$0x0], $0xffff;
	[tilespmem:s30+$0xFFFFFE10] =	vst v7  }
0x45: {  	v18 =	vadd.s32 v1, v18;
	v22 =	vand.u32 $0x7FFFFC00, v22;
	v21 =	vadd.s32 v0, v4;
	[tilespmem:s30+$0x1A0] =	vst v16;
	v6 =	vld.idx.msk [tilespmem:v19+s3+$0x0], $0xffff  }
0x46: {  	[tilespmem:s30+$0xFFFFFF10] =	vst v5;
	v22 =	vor.u32 v23, v22;
	v7 =	vor.u32 v1, v14;
	v16 =	vand.u32 $0x71, v25;
	v13 =	vld.idx.msk [tilespmem:v13+s3+$0x0], $0xffff  }
0x47: {  	v29 =	vand.u32 $0x7F, v48;
	[tilespmem:s30+$0x10] =	vst v8;
	v8 =	vld.idx.msk [tilespmem:v20+s3+$0x0], $0xffff;
	v23 =	vadd.s32 v0, v22;
	v12 =	vor.u32 v16, v40  }
0x48: {  	v29 =	vor.u32 v29, v31;
	v11 =	vld.idx.msk [tilespmem:v11+s3+$0x0], $0xffff;
	v16 =	vor.u32 v43, v41;
	v44 =	vadd.s32 v0, v12  }
0x49: {  	s10 =	simm.s32 $0x2;
	v52 =	vand.u32 $0x76, v47;
	v31 =	vadd.s32 v0, v29;
	v25 =	vadd.s32 v0, v16;
	v9 =	vld.idx.msk [tilespmem:v9+s3+$0x0], $0xffff;
	[tilespmem:s30+$0x90] =	vst v10  }
0x4a: {  	s12 =	simm.s32 $0xA;
	v4 =	vadd.s32 v1, v4;
	v5 =	vadd.s32 v1, v22;
	v14 =	vmov s10;
	v10 =	vld.idx.msk [tilespmem:v21+s3+$0x0], $0xffff;
	[tilespmem:s30+$0xFFFFFE20] =	vst v6  }
0x4b: {  	v22 =	vmov s12;
	v19 =	vshll.u32 v14, $0x3;
	v14 =	vand.u32 $0x62, v14;
	[tilespmem:s30+$0x1B0] =	vst v13;
	v7 =	vld.idx.msk [tilespmem:v7+s3+$0x0], $0xffff  }
0x4c: {  	s11 =	simm.s32 $0x6;
	v12 =	vadd.s32 v1, v12;
	v16 =	vadd.s32 v1, v16;
	v13 =	vadd.s32 v1, v15;
	v3 =	vld.idx.msk [tilespmem:v23+s3+$0x0], $0xffff  }
0x4d: {  	[tilespmem:s30+$0xFFFFFEA0] =	vst v8;
	v21 =	vshll.u32 v22, $0x3;
	v15 =	vadd.s32 v1, v17;
	v17 =	vmov s11;
	v24 =	vld.idx.msk [tilespmem:v44+s3+$0x0], $0xffff  }
0x4e: {  	[tilespmem:s30+$0x110] =	vst v11;
	v11 =	vshll.u32 v46, $0x3;
	v6 =	vand.u32 $0xC00, v19;
	v20 =	vshll.u32 v17, $0x3;
	v25 =	vld.idx.msk [tilespmem:v25+s3+$0x0], $0xffff  }
0x4f: {  	s13 =	simm.s32 $0xE;
	v19 =	vshll.u32 v49, $0x3;
	v8 =	vand.u32 $0x7FFFFC00, v20;
	v20 =	vand.u32 $0x7FFFFC00, v21;
	v21 =	vld.idx.msk [tilespmem:v45+s3+$0x0], $0xffff;
	[tilespmem:s30+$0xFFFFFF20] =	vst v10  }
0x50: {  	v22 =	vand.u32 $0x6A, v22;
	v19 =	vand.u32 $0x7FFFFC00, v19;
	v23 =	vmov s13;
	[tilespmem:s30+$0xFFFFFFA0] =	vst v9;
	v4 =	vld.idx.msk [tilespmem:v4+s3+$0x0], $0xffff  }
0x51: {  	v17 =	vand.u32 $0x66, v17;
	v10 =	vand.u32 $0x7FFFFC00, v11;
	v11 =	vand.u32 $0x7FFFFC00, v51;
	v9 =	vld.idx.msk [tilespmem:v13+s3+$0x0], $0xffff;
	[tilespmem:s30+$0x1C0] =	vst v3  }
0x52: {  	v20 =	vor.u32 v22, v20;
	v11 =	vor.u32 v52, v11;
	v13 =	vand.u32 $0x6E, v23;
	[tilespmem:s30+$0x20] =	vst v24;
	v5 =	vld.idx.msk [tilespmem:v5+s3+$0x0], $0xffff  }
0x53: {  	v26 =	vadd.s32 v0, v11;
	v3 =	vshll.u32 v23, $0x3;
	v23 =	vand.u32 $0x72, v46;
	[tilespmem:s30+$0xA0] =	vst v25;
	v12 =	vld.idx.msk [tilespmem:v12+s3+$0x0], $0xffff  }
0x54: {  	s22 =	simm.s32 $0xB;
	[tilespmem:s30+$0xFFFFFE30] =	vst v7;
	v3 =	vand.u32 $0x7FFFFC00, v3;
	v10 =	vor.u32 v23, v10;
	v16 =	vld.idx.msk [tilespmem:v16+s3+$0x0], $0xffff;
	v23 =	vadd.s32 v0, v20  }
0x55: {  	v7 =	vmov s22;
	[tilespmem:s30+$0x120] =	vst v21;
	v3 =	vor.u32 v13, v3;
	v13 =	vld.idx.msk [tilespmem:v15+s3+$0x0], $0xffff;
	v54 =	vadd.s32 v0, v10  }
0x56: {  	v57 =	vshll.u32 v7, $0x3;
	v7 =	vand.u32 $0x6B, v7;
	v21 =	vadd.s32 v1, v29;
	v18 =	vld.idx.msk [tilespmem:v18+s3+$0x0], $0xffff;
	[tilespmem:s30+$0xFFFFFF30] =	vst v4  }
0x57: {  	v53 =	vadd.s32 v0, v3;
	[tilespmem:s30+$0x1D0] =	vst v5;
	v5 =	vor.u32 v14, v6;
	v6 =	vor.u32 v17, v8  }
0x58: {  	s20 =	simm.s32 $0x7;
	v29 =	vand.u32 $0x7FFFFC00, v57;
	v10 =	vadd.s32 v1, v10;
	[tilespmem:s30+$0xFFFFFEB0] =	vst v9;
	v14 =	vld.idx.msk [tilespmem:v31+s3+$0x0], $0xffff;
	v9 =	vadd.s32 v0, v6  }
0x59: {  	v15 =	vmov s20;
	v29 =	vor.u32 v7, v29;
	v3 =	vadd.s32 v1, v3;
	[tilespmem:s30+$0x30] =	vst v12;
	v23 =	vld.idx.msk [tilespmem:v23+s3+$0x0], $0xffff  }
0x5a: {  	s19 =	simm.s32 $0x3;
	s23 =	simm.s32 $0xF;
	v56 =	vshll.u32 v15, $0x3;
	v8 =	vand.u32 $0x7A, v49;
	[tilespmem:s30+$0xB0] =	vst v16;
	v22 =	vor.u32 v0, v5;
	v25 =	vld.idx.msk [tilespmem:v54+s3+$0x0], $0xffff  }
0x5b: {  	v17 =	vmov s19;
	v8 =	vor.u32 v8, v19;
	v19 =	vmov s23;
	[tilespmem:s30+$0xFFFFFFB0] =	vst v13;
	v26 =	vld.idx.msk [tilespmem:v26+s3+$0x0], $0xffff  }
0x5c: {  	s26 =	simm.s32 $0x17;
	v5 =	vor.u32 v1, v5;
	v4 =	vadd.s32 v1, v6;
	v6 =	vadd.s32 v1, v20;
	v24 =	vld.idx.msk [tilespmem:v53+s3+$0x0], $0xffff  }
0x5d: {  	v13 =	vmov s26;
	v12 =	vshll.u32 v17, $0x3;
	v55 =	vadd.s32 v0, v8;
	[tilespmem:s30+$0x1E0] =	vst v14;
	v9 =	vld.idx.msk [tilespmem:v9+s3+$0x0], $0xffff  }
0x5e: {  	[tilespmem:s30+$0x130] =	vst v18;
	v18 =	vand.u32 $0x7FFFFC00, v56;
	v17 =	vand.u32 $0x63, v17;
	v16 =	vshll.u32 v19, $0x3;
	v20 =	vld.idx.msk [tilespmem:v21+s3+$0x0], $0xffff  }
0x5f: {  	s28 =	simm.s32 $0x1B;
	v59 =	vshll.u32 v13, $0x3;
	v12 =	vand.u32 $0xC00, v12;
	[tilespmem:s30+$0xFFFFFF40] =	vst v23;
	v21 =	vadd.s32 v1, v11;
	v11 =	vld.idx.msk [tilespmem:v22+s3+$0x0], $0xffff  }
0x60: {  	s24 =	simm.s32 $0x13;
	v16 =	vand.u32 $0x7FFFFC00, v16;
	[tilespmem:s30+$0x40] =	vst v25;
	v22 =	vadd.s32 v1, v8;
	v8 =	vmov s28  }
0x61: {  	v61 =	vor.u32 v17, v12;
	v14 =	vmov s24;
	v23 =	vld.idx.msk [tilespmem:v6+s3+$0x0], $0xffff;
	[tilespmem:s30+$0xC0] =	vst v26;
	v60 =	vshll.u32 v8, $0x3  }
0x62: {  	v58 =	vshll.u32 v14, $0x3;
	v27 =	vld.idx.msk [tilespmem:v55+s3+$0x0], $0xffff;
	[tilespmem:s30+$0xFFFFFFC0] =	vst v24;
	v6 =	vand.u32 $0x7B, v8;
	v28 =	vand.u32 $0x7FFFFC00, v60  }
0x63: {  	v17 =	vld.idx.msk [tilespmem:v10+s3+$0x0], $0xffff;
	v30 =	vand.u32 $0x7FFFFC00, v58;
	v10 =	vor.u32 v6, v28;
	v6 =	vor.u32 v1, v61;
	[tilespmem:s30+$0xFFFFFEC0] =	vst v9  }
0x64: {  	v9 =	vand.u32 $0x73, v14;
	v14 =	vadd.s32 v0, v29;
	[tilespmem:s30+$0xFFFFFE40] =	vst v11;
	v11 =	vand.u32 $0x67, v15;
	v4 =	vld.idx.msk [tilespmem:v4+s3+$0x0], $0xffff  }
0x65: {  	[tilespmem:s30+$0x1F0] =	vst v20;
	v20 =	vand.u32 $0x7FFFFC00, v59;
	v5 =	vld.idx.msk [tilespmem:v5+s3+$0x0], $0xffff;
	v62 =	vor.u32 v11, v18;
	v11 =	vand.u32 $0x77, v13  }
0x66: {  	v7 =	vadd.s32 v0, v10;
	v18 =	vld.idx.msk [tilespmem:v3+s3+$0x0], $0xffff;
	v11 =	vor.u32 v11, v20;
	v20 =	vor.u32 v0, v61  }
0x67: {  	[tilespmem:s30+$0xFFFFFF50] =	vst v23;
	v15 =	vand.u32 $0x6F, v19;
	v12 =	vor.u32 v9, v30;
	v19 =	vadd.s32 v0, v62  }
0x68: {  	[tilespmem:s30+$0x140] =	vst v27;
	v63 =	vor.u32 v15, v16;
	v15 =	vld.idx.msk [tilespmem:v21+s3+$0x0], $0xffff;
	v8 =	vadd.s32 v0, v12  }
0x69: {  	v16 =	vld.idx.msk [tilespmem:v22+s3+$0x0], $0xffff;
	v13 =	vadd.s32 v0, v63;
	v3 =	vadd.s32 v1, v63;
	[tilespmem:s30+$0xFFFFFED0] =	vst v4  }
0x6a: {  	s31 =	simm.s32 $0x8200;
	s1 =	simm.s32 $0x0;
	s2 =	simm.s32 $0x3F;
	v9 =	vadd.s32 v0, v11;
	v4 =	vadd.s32 v1, v29;
	[tilespmem:s30+$0xFFFFFE50] =	vst v5;
	v5 =	vadd.s32 v1, v62  }
.LBB2_3:
0x6b: {  	s0 =	sadd.s32 $0xFFFFFFE5, s2;
	s4 =	sadd.s32 $0xFFFFFFFD, s2;
	s1 =	sadd.s32 $0x8, s1;
	v20 =	vld.idx.msk [tilespmem:v20+s3+$0x0], $0xffff;
	[tilespmem:s30+$0xFFFFFFD0] =	vst v18;
	v12 =	vadd.s32 v1, v12;
	v11 =	vadd.s32 v1, v11  }
0x6c: {  	s5 =	sadd.s32 $0xFFFFFFED, s2;
	v10 =	vadd.s32 v1, v10;
	v18 =	vmov s0;
	s0 =	sadd.s32 $0xFFFFFFE9, s2;
	v21 =	vmov s4;
	p3 =	slt.u32 s1, $0x78;
	v19 =	vld.idx.msk [tilespmem:v19+s3+$0x0], $0xffff;
	[tilespmem:s30+$0x50] =	vst v17  }
0x6d: {  	s6 =	sadd.s32 $0xFFFFFFF5, s2;
	s8 =	sadd.s32 $0xFFFFFFF9, s2;
	v22 =	vmov s5;
	s4 =	sadd.s32 $0xFFFFFFF1, s2;
	v17 =	vmov s0;
	v23 =	vshll.u32 v21, $0x3;
	v14 =	vld.idx.msk [tilespmem:v14+s3+$0x0], $0xffff;
	[tilespmem:s30+$0xD0] =	vst v15  }
0x6e: {  	s15 =	sadd.s32 $0xFFFFFFE2, s2;
	s5 =	sadd.s32 $0xFFFFFFE1, s2;
	s0 =	sadd.s32 $0xFFFFFFE6, s2;
	v15 =	vmov s4;
	v21 =	vand.u32 $0x7C, v21;
	v23 =	vand.u32 $0xC00, v23;
	v13 =	vld.idx.msk [tilespmem:v13+s3+$0x0], $0xffff;
	[tilespmem:s30+$0x150] =	vst v16  }
0x6f: {  	s7 =	sadd.s32 $0xFFFFFFF2, s2;
	v24 =	vmov s6;
	s4 =	sadd.s32 $0xFFFFFFEE, s2;
	v16 =	vmov s5;
	s5 =	sadd.s32 $0xFFFFFFEA, s2;
	v21 =	vor.u32 v21, v23;
	v8 =	vld.idx.msk [tilespmem:v8+s3+$0x0], $0xffff  }
0x70: {  	s14 =	sadd.s32 $0xFFFFFFE3, s2;
	s13 =	sadd.s32 $0xFFFFFFF6, s2;
	s26 =	sadd.s32 $0xFFFFFFFA, s2;
	v25 =	vmov s8;
	v23 =	vshll.u32 v16, $0x3;
	v26 =	vor.u32 v0, v21;
	v9 =	vld.idx.msk [tilespmem:v9+s3+$0x0], $0xffff  }
0x71: {  	s22 =	sadd.s32 $0xFFFFFFE7, s2;
	s24 =	sadd.s32 $0xFFFFFFEB, s2;
	s18 =	sadd.s32 $0xFFFFFFEF, s2;
	v27 =	vshll.u32 v18, $0x3;
	v29 =	vshll.u32 v22, $0x3;
	v28 =	vshll.u32 v17, $0x3;
	[tilespmem:s30+$0xFFFFFE60] =	vst v20;
	v7 =	vld.idx.msk [tilespmem:v7+s3+$0x0], $0xffff  }
0x72: {  	s17 =	sadd.s32 $0xFFFFFFF3, s2;
	s19 =	sadd.s32 $0xFFFFFFF7, s2;
	s10 =	sadd.s32 $0xFFFFFFFB, s2;
	v30 =	vshll.u32 v24, $0x3;
	v31 =	vshll.u32 v25, $0x3;
	v20 =	vshll.u32 v15, $0x3;
	v6 =	vld.idx.msk [tilespmem:v6+s3+$0x0], $0xffff;
	[tilespmem:s30+$0xFFFFFEE0] =	vst v19  }
0x73: {  	s12 =	sadd.s32 $0xFFFFFFE8, s2;
	s9 =	sadd.s32 $0xFFFFFFEC, s2;
	s6 =	sadd.s32 $0xFFFFFFE4, s2;
	v19 =	vand.u32 $0xC00, v23;
	v23 =	vand.u32 $0xC00, v27;
	v27 =	vand.u32 $0xC00, v28;
	v5 =	vld.idx.msk [tilespmem:v5+s3+$0x0], $0xffff;
	[tilespmem:s30+$0xFFFFFF60] =	vst v14  }
0x74: {  	s11 =	sadd.s32 $0xFFFFFFF4, s2;
	s20 =	sadd.s32 $0xFFFFFFF8, s2;
	s8 =	sadd.s32 $0xFFFFFFF0, s2;
	v20 =	vand.u32 $0xC00, v20;
	v28 =	vand.u32 $0xC00, v30;
	v14 =	vand.u32 $0xC00, v29;
	v4 =	vld.idx.msk [tilespmem:v4+s3+$0x0], $0xffff;
	[tilespmem:s30+$0xFFFFFFE0] =	vst v13  }
0x75: {  	s23 =	sadd.s32 $0xFFFFFFFC, s2;
	v13 =	vand.u32 $0x60, v16;
	v16 =	vand.u32 $0x64, v18;
	v18 =	vand.u32 $0xC00, v31;
	v26 =	vld.idx.msk [tilespmem:v26+s3+$0x0], $0xffff;
	[tilespmem:s30+$0x60] =	vst v8  }
0x76: {  	v15 =	vand.u32 $0x70, v15;
	v8 =	vand.u32 $0x68, v17;
	v17 =	vand.u32 $0x6C, v22;
	v22 =	vld.idx.msk [tilespmem:v3+s3+$0x0], $0xffff;
	[tilespmem:s30+$0xE0] =	vst v9  }
0x77: {  	v21 =	vor.u32 v1, v21;
	v3 =	vand.u32 $0x74, v24;
	v9 =	vand.u32 $0x78, v25;
	v12 =	vld.idx.msk [tilespmem:v12+s3+$0x0], $0xffff;
	[tilespmem:s30+$0x160] =	vst v7  }
0x78: {  	v8 =	vor.u32 v8, v27;
	v7 =	vor.u32 v13, v19;
	v13 =	vor.u32 v16, v23;
	v11 =	vld.idx.msk [tilespmem:v11+s3+$0x0], $0xffff  }
0x79: {  	s28 =	sadd.s32 $0xFFFFFFFE, s2;
	v15 =	vor.u32 v15, v20;
	v14 =	vor.u32 v17, v14;
	v16 =	vor.u32 v3, v28;
	v3 =	vld.idx.msk [tilespmem:v10+s3+$0x0], $0xffff  }
0x7a: {  	v17 =	vmov s28;
	v9 =	vor.u32 v9, v18;
	s30 =	sadd.s32 $0x400, s30;
	v10 =	vor.u32 v0, v7;
	[tilespmem:s31+$0xFFFFFE70] =	vst v6  }
0x7b: {  	v18 =	vor.u32 v0, v8;
	v19 =	vshll.u32 v17, $0x3;
	v6 =	vor.u32 v0, v13;
	[tilespmem:s30+$0x180] =	vst v26  }
0x7c: {  	v20 =	vor.u32 v0, v14;
	v17 =	vand.u32 $0x7D, v17;
	v19 =	vand.u32 $0x7FFFFC00, v19;
	v21 =	vld.idx.msk [tilespmem:v21+s3+$0x0], $0xffff;
	[tilespmem:s31+$0xFFFFFEF0] =	vst v5  }
0x7d: {  	v23 =	vor.u32 v0, v16;
	v17 =	vor.u32 v17, v19;
	v5 =	vor.u32 v0, v15;
	[tilespmem:s31+$0xFFFFFF70] =	vst v4  }
0x7e: {  	v19 =	vadd.s32 v0, v17;
	v4 =	vor.u32 v1, v7;
	v7 =	vor.u32 v0, v9;
	[tilespmem:s31+$0xFFFFFFF0] =	vst v22  }
0x7f: {  	v8 =	vor.u32 v1, v8;
	v14 =	vor.u32 v1, v14;
	v13 =	vor.u32 v1, v13;
	v10 =	vld.idx.msk [tilespmem:v10+s3+$0x0], $0xffff  }
0x80: {  	v16 =	vor.u32 v1, v16;
	v15 =	vor.u32 v1, v15;
	v9 =	vor.u32 v1, v9;
	v6 =	vld.idx.msk [tilespmem:v6+s3+$0x0], $0xffff  }
0x81: {  	v24 =	vmov s0;
	v25 =	vmov s5;
	v22 =	vmov s15;
	v18 =	vld.idx.msk [tilespmem:v18+s3+$0x0], $0xffff  }
0x82: {  	v27 =	vmov s4;
	v28 =	vmov s7;
	v26 =	vshll.u32 v22, $0x3;
	v20 =	vld.idx.msk [tilespmem:v20+s3+$0x0], $0xffff;
	[tilespmem:s30+$0x190] =	vst v21  }
0x83: {  	v30 =	vmov s26;
	v29 =	vmov s13;
	v21 =	vshll.u32 v24, $0x3;
	v19 =	vld.idx.msk [tilespmem:v19+s3+$0x0], $0xffff;
	[tilespmem:s31+$0x70] =	vst v12  }
0x84: {  	v31 =	vshll.u32 v27, $0x3;
	v32 =	vshll.u32 v28, $0x3;
	v12 =	vshll.u32 v25, $0x3;
	v5 =	vld.idx.msk [tilespmem:v5+s3+$0x0], $0xffff;
	[tilespmem:s31+$0xF0] =	vst v11  }
0x85: {  	v17 =	vadd.s32 v1, v17;
	v11 =	vshll.u32 v29, $0x3;
	[tilespmem:s30+$0xFFFFFE00] =	vst v10;
	v10 =	vld.idx.msk [tilespmem:v23+s3+$0x0], $0xffff;
	v23 =	vshll.u32 v30, $0x3  }
0x86: {  	v26 =	vand.u32 $0xC00, v26;
	v12 =	vand.u32 $0x7FFFFC00, v12;
	[tilespmem:s30+$0xFFFFFE80] =	vst v6;
	v6 =	vand.u32 $0x7FFFFC00, v21;
	v7 =	vld.idx.msk [tilespmem:v7+s3+$0x0], $0xffff  }
0x87: {  	s0 =	sadd.s32 $0xFFFFFFFF, s2;
	v11 =	vand.u32 $0x7FFFFC00, v11;
	v21 =	vand.u32 $0x7FFFFC00, v32;
	v4 =	vld.idx.msk [tilespmem:v4+s3+$0x0], $0xffff;
	[tilespmem:s30+$0xFFFFFF00] =	vst v18;
	v18 =	vand.u32 $0x7FFFFC00, v31  }
0x88: {  	v22 =	vand.u32 $0x61, v22;
	v13 =	vld.idx.msk [tilespmem:v13+s3+$0x0], $0xffff;
	[tilespmem:s30+$0xFFFFFF80] =	vst v20;
	v20 =	vand.u32 $0x7FFFFC00, v23;
	v23 =	vmov s0  }
0x89: {  	v24 =	vand.u32 $0x65, v24;
	v25 =	vand.u32 $0x69, v25;
	v8 =	vld.idx.msk [tilespmem:v8+s3+$0x0], $0xffff;
	[tilespmem:s30+$0x1A0] =	vst v19;
	v19 =	vshll.u32 v23, $0x3  }
0x8a: {  	v27 =	vand.u32 $0x6D, v27;
	[tilespmem:s30+$0x0] =	vst v5;
	v5 =	vld.idx.msk [tilespmem:v17+s3+$0x0], $0xffff;
	v17 =	vand.u32 $0x7E, v23;
	v19 =	vand.u32 $0x7FFFFC00, v19  }
0x8b: {  	v23 =	vand.u32 $0x71, v28;
	v14 =	vld.idx.msk [tilespmem:v14+s3+$0x0], $0xffff;
	[tilespmem:s30+$0x80] =	vst v10;
	v10 =	vand.u32 $0x75, v29;
	v17 =	vor.u32 v17, v19  }
0x8c: {  	v19 =	vor.u32 v22, v26;
	v15 =	vld.idx.msk [tilespmem:v15+s3+$0x0], $0xffff;
	[tilespmem:s30+$0x100] =	vst v7;
	v7 =	vand.u32 $0x79, v30;
	v22 =	vadd.s32 v0, v17  }
0x8d: {  	v12 =	vor.u32 v25, v12;
	v6 =	vor.u32 v24, v6;
	v18 =	vor.u32 v27, v18;
	v16 =	vld.idx.msk [tilespmem:v16+s3+$0x0], $0xffff  }
0x8e: {  	v21 =	vor.u32 v23, v21;
	v10 =	vor.u32 v10, v11;
	v7 =	vor.u32 v7, v20;
	v9 =	vld.idx.msk [tilespmem:v9+s3+$0x0], $0xffff  }
0x8f: {  	v11 =	vadd.s32 v0, v6;
	v20 =	vadd.s32 v0, v12;
	[tilespmem:s30+$0xFFFFFE10] =	vst v4;
	v4 =	vor.u32 v0, v19  }
0x90: {  	v23 =	vadd.s32 v0, v18;
	v24 =	vadd.s32 v0, v21;
	v25 =	vadd.s32 v0, v10;
	[tilespmem:s30+$0x1B0] =	vst v5  }
0x91: {  	v5 =	vor.u32 v1, v19;
	v19 =	vmov s14;
	[tilespmem:s30+$0xFFFFFE90] =	vst v13;
	v13 =	vadd.s32 v0, v7;
	v22 =	vld.idx.msk [tilespmem:v22+s3+$0x0], $0xffff  }
0x92: {  	v6 =	vadd.s32 v1, v6;
	[tilespmem:s30+$0xFFFFFF10] =	vst v8;
	v8 =	vadd.s32 v1, v12;
	v12 =	vadd.s32 v1, v18  }
0x93: {  	v17 =	vadd.s32 v1, v17;
	v10 =	vadd.s32 v1, v10;
	[tilespmem:s30+$0xFFFFFF90] =	vst v14;
	v14 =	vadd.s32 v1, v21  }
0x94: {  	v7 =	vadd.s32 v1, v7;
	v18 =	vmov s22;
	v21 =	vmov s24;
	v4 =	vld.idx.msk [tilespmem:v4+s3+$0x0], $0xffff;
	[tilespmem:s30+$0x10] =	vst v15  }
0x95: {  	v27 =	vmov s17;
	v26 =	vmov s18;
	v15 =	vshll.u32 v19, $0x3;
	v11 =	vld.idx.msk [tilespmem:v11+s3+$0x0], $0xffff;
	[tilespmem:s30+$0x90] =	vst v16  }
0x96: {  	v28 =	vmov s19;
	v16 =	vshll.u32 v18, $0x3;
	v20 =	vld.idx.msk [tilespmem:v20+s3+$0x0], $0xffff;
	[tilespmem:s30+$0x110] =	vst v9;
	v9 =	vmov s2  }
0x97: {  	v30 =	vmov s10;
	v29 =	vshll.u32 v21, $0x3;
	v23 =	vld.idx.msk [tilespmem:v23+s3+$0x0], $0xffff;
	[tilespmem:s30+$0x1C0] =	vst v22;
	v22 =	vshll.u32 v9, $0x3  }
0x98: {  	v31 =	vshll.u32 v26, $0x3;
	v9 =	vand.u32 $0x7F, v9;
	v17 =	vld.idx.msk [tilespmem:v17+s3+$0x0], $0xffff;
	v22 =	vand.u32 $0x7FFFFC00, v22;
	[tilespmem:s31+$0x170] =	vst v3;
	s31 =	smov.u32 s30  }
0x99: {  	v32 =	vshll.u32 v28, $0x3;
	v3 =	vld.idx.msk [tilespmem:v24+s3+$0x0], $0xffff;
	v24 =	vshll.u32 v27, $0x3;
	v9 =	vor.u32 v9, v22  }
0x9a: {  	v22 =	vshll.u32 v30, $0x3;
	[tilespmem:s30+$0xFFFFFE20] =	vst v4;
	v4 =	vand.u32 $0xC00, v15;
	v15 =	vld.idx.msk [tilespmem:v25+s3+$0x0], $0xffff;
	v25 =	vadd.s32 v0, v9  }
0x9b: {  	[tilespmem:s30+$0xFFFFFEA0] =	vst v11;
	v11 =	vand.u32 $0x7FFFFC00, v16;
	v16 =	vand.u32 $0x7FFFFC00, v29;
	v29 =	vand.u32 $0x7FFFFC00, v31;
	v13 =	vld.idx.msk [tilespmem:v13+s3+$0x0], $0xffff  }
0x9c: {  	v22 =	vand.u32 $0x7FFFFC00, v22;
	v5 =	vld.idx.msk [tilespmem:v5+s3+$0x0], $0xffff;
	[tilespmem:s30+$0xFFFFFF20] =	vst v20;
	v20 =	vand.u32 $0x7FFFFC00, v24;
	v24 =	vand.u32 $0x7FFFFC00, v32  }
0x9d: {  	v19 =	vand.u32 $0x62, v19;
	v21 =	vand.u32 $0x6A, v21;
	v18 =	vand.u32 $0x66, v18;
	v6 =	vld.idx.msk [tilespmem:v6+s3+$0x0], $0xffff;
	[tilespmem:s30+$0xFFFFFFA0] =	vst v23  }
0x9e: {  	v23 =	vand.u32 $0x6E, v26;
	v26 =	vand.u32 $0x72, v27;
	v27 =	vand.u32 $0x76, v28;
	v8 =	vld.idx.msk [tilespmem:v8+s3+$0x0], $0xffff;
	[tilespmem:s30+$0x1D0] =	vst v17  }
0x9f: {  	v4 =	vor.u32 v19, v4;
	v11 =	vor.u32 v18, v11;
	[tilespmem:s30+$0x20] =	vst v3;
	v3 =	vand.u32 $0x7A, v30;
	v17 =	vld.idx.msk [tilespmem:v25+s3+$0x0], $0xffff  }
0xa0: {  	v18 =	vmov s6;
	v16 =	vor.u32 v21, v16;
	v19 =	vor.u32 v23, v29;
	v12 =	vld.idx.msk [tilespmem:v12+s3+$0x0], $0xffff;
	[tilespmem:s30+$0xA0] =	vst v15  }
0xa1: {  	v9 =	vadd.s32 v1, v9;
	v20 =	vor.u32 v26, v20;
	v15 =	vmov s12;
	v14 =	vld.idx.msk [tilespmem:v14+s3+$0x0], $0xffff;
	[tilespmem:s30+$0x120] =	vst v13  }
0xa2: {  	v3 =	vor.u32 v3, v22;
	v13 =	vor.u32 v27, v24;
	[tilespmem:s30+$0xFFFFFE30] =	vst v5;
	v5 =	vmov s9;
	v10 =	vld.idx.msk [tilespmem:v10+s3+$0x0], $0xffff  }
0xa3: {  	v21 =	vor.u32 v0, v4;
	v22 =	vmov s8;
	[tilespmem:s30+$0xFFFFFEB0] =	vst v6;
	v6 =	vadd.s32 v0, v11;
	v7 =	vld.idx.msk [tilespmem:v7+s3+$0x0], $0xffff  }
0xa4: {  	v23 =	vadd.s32 v0, v19;
	v24 =	vadd.s32 v0, v20;
	[tilespmem:s30+$0xFFFFFF30] =	vst v8;
	v8 =	vadd.s32 v0, v16  }
0xa5: {  	v4 =	vor.u32 v1, v4;
	v26 =	vadd.s32 v0, v3;
	v25 =	vadd.s32 v0, v13;
	[tilespmem:s30+$0x1E0] =	vst v17  }
0xa6: {  	v11 =	vadd.s32 v1, v11;
	v16 =	vadd.s32 v1, v16;
	[tilespmem:s30+$0xFFFFFFB0] =	vst v12;
	v12 =	vmov s11;
	v9 =	vld.idx.msk [tilespmem:v9+s3+$0x0], $0xffff  }
0xa7: {  	v13 =	vadd.s32 v1, v13;
	v17 =	vadd.s32 v1, v19;
	[tilespmem:s30+$0x30] =	vst v14;
	v14 =	vadd.s32 v1, v20  }
0xa8: {  	v3 =	vadd.s32 v1, v3;
	v20 =	vmov s23;
	v19 =	vld.idx.msk [tilespmem:v21+s3+$0x0], $0xffff;
	[tilespmem:s30+$0xB0] =	vst v10;
	v10 =	vmov s20  }
0xa9: {  	v27 =	vshll.u32 v15, $0x3;
	v28 =	vshll.u32 v5, $0x3;
	v21 =	vshll.u32 v18, $0x3;
	v6 =	vld.idx.msk [tilespmem:v6+s3+$0x0], $0xffff;
	[tilespmem:s30+$0x130] =	vst v7  }
0xaa: {  	v29 =	vshll.u32 v12, $0x3;
	v30 =	vshll.u32 v10, $0x3;
	v7 =	vld.idx.msk [tilespmem:v8+s3+$0x0], $0xffff;
	v8 =	vshll.u32 v22, $0x3  }
0xab: {  	v27 =	vand.u32 $0x7FFFFC00, v27;
	v31 =	vshll.u32 v20, $0x3;
	v21 =	vand.u32 $0xC00, v21;
	v23 =	vld.idx.msk [tilespmem:v23+s3+$0x0], $0xffff  }
0xac: {  	v28 =	vand.u32 $0x7FFFFC00, v28;
	v29 =	vand.u32 $0x7FFFFC00, v29;
	v8 =	vand.u32 $0x7FFFFC00, v8;
	v24 =	vld.idx.msk [tilespmem:v24+s3+$0x0], $0xffff;
	[tilespmem:s30+$0x1F0] =	vst v9  }
0xad: {  	v31 =	vand.u32 $0x7FFFFC00, v31;
	v30 =	vand.u32 $0x7FFFFC00, v30;
	v9 =	vand.u32 $0x63, v18;
	v25 =	vld.idx.msk [tilespmem:v25+s3+$0x0], $0xffff  }
0xae: {  	v15 =	vand.u32 $0x67, v15;
	v5 =	vand.u32 $0x6B, v5;
	v18 =	vand.u32 $0x6F, v22;
	[tilespmem:s30+$0xFFFFFE40] =	vst v19;
	v22 =	vld.idx.msk [tilespmem:v26+s3+$0x0], $0xffff  }
0xaf: {  	v10 =	vand.u32 $0x77, v10;
	v19 =	vand.u32 $0x7B, v20;
	v4 =	vld.idx.msk [tilespmem:v4+s3+$0x0], $0xffff;
	[tilespmem:s30+$0xFFFFFEC0] =	vst v6;
	v6 =	vand.u32 $0x73, v12  }
0xb0: {  	v9 =	vor.u32 v9, v21;
	v26 =	vor.u32 v15, v27;
	v21 =	vld.idx.msk [tilespmem:v11+s3+$0x0], $0xffff;
	[tilespmem:s30+$0xFFFFFF40] =	vst v7  }
0xb1: {  	v28 =	vor.u32 v5, v28;
	v27 =	vld.idx.msk [tilespmem:v16+s3+$0x0], $0xffff;
	[tilespmem:s30+$0xFFFFFFC0] =	vst v23;
	v23 =	vor.u32 v18, v8  }
0xb2: {  	v12 =	vor.u32 v6, v29;
	v11 =	vor.u32 v10, v30;
	v18 =	vld.idx.msk [tilespmem:v17+s3+$0x0], $0xffff;
	[tilespmem:s30+$0x40] =	vst v24  }
.Ltmp4:
0xb3: {  	v20 =	vor.u32 v0, v9;
	v10 =	vor.u32 v19, v31;
	v17 =	vld.idx.msk [tilespmem:v14+s3+$0x0], $0xffff;
	[tilespmem:s30+$0xC0] =	vst v25;
	(pc) =	sbr.rel @p3 .LBB2_3-.Ltmp4, $4  }
0xb4: {  	v19 =	vadd.s32 v0, v26;
	v14 =	vadd.s32 v0, v28;
	v15 =	vld.idx.msk [tilespmem:v13+s3+$0x0], $0xffff;
	[tilespmem:s30+$0x140] =	vst v22  }
0xb5: {  	v8 =	vadd.s32 v0, v12;
	v13 =	vadd.s32 v0, v23;
	[tilespmem:s30+$0xFFFFFE50] =	vst v4;
	v16 =	vld.idx.msk [tilespmem:v3+s3+$0x0], $0xffff  }
0xb6: {  	v6 =	vor.u32 v1, v9;
	v9 =	vadd.s32 v0, v11;
	v7 =	vadd.s32 v0, v10;
	[tilespmem:s30+$0xFFFFFED0] =	vst v21  }
0xb7: {  	s2 =	sadd.s32 $0x20, s2;
	v5 =	vadd.s32 v1, v26;
	v4 =	vadd.s32 v1, v28;
	v3 =	vadd.s32 v1, v23;
	[tilespmem:s30+$0xFFFFFF50] =	vst v27  }
0xb8: {  	_ =	sdelay $0x3  }
0xb9: {  	v20 =	vld.idx.msk [tilespmem:v20+s3+$0x0], $0xffff  }
0xba: {  	[tilespmem:s30+$0xFFFFFFD0] =	vst v18;
	v61 =	vld.idx.msk [tilespmem:v19+s3+$0x0], $0xffff  }
0xbb: {  	[tilespmem:s30+$0x50] =	vst v17;
	v14 =	vld.idx.msk [tilespmem:v14+s3+$0x0], $0xffff  }
0xbc: {  	[tilespmem:s30+$0xD0] =	vst v15;
	v13 =	vld.idx.msk [tilespmem:v13+s3+$0x0], $0xffff  }
0xbd: {  	v8 =	vld.idx.msk [tilespmem:v8+s3+$0x0], $0xffff;
	[tilespmem:s30+$0x150] =	vst v16  }
0xbe: {  	v9 =	vld.idx.msk [tilespmem:v9+s3+$0x0], $0xffff;
	[tilespmem:s30+$0xFFFFFE60] =	vst v20  }
0xbf: {  	v12 =	vadd.s32 v1, v12;
	v7 =	vld.idx.msk [tilespmem:v7+s3+$0x0], $0xffff;
	[tilespmem:s30+$0xFFFFFEE0] =	vst v61  }
0xc0: {  	v11 =	vadd.s32 v1, v11;
	[tilespmem:s30+$0xFFFFFF60] =	vst v14;
	v6 =	vld.idx.msk [tilespmem:v6+s3+$0x0], $0xffff  }
0xc1: {  	v10 =	vadd.s32 v1, v10;
	v5 =	vld.idx.msk [tilespmem:v5+s3+$0x0], $0xffff;
	[tilespmem:s30+$0xFFFFFFE0] =	vst v13  }
0xc2: {  	v4 =	vld.idx.msk [tilespmem:v4+s3+$0x0], $0xffff;
	[tilespmem:s30+$0x60] =	vst v8  }
0xc3: {  	v3 =	vld.idx.msk [tilespmem:v3+s3+$0x0], $0xffff;
	[tilespmem:s30+$0xE0] =	vst v9  }
0xc4: {  	v8 =	vld.idx.msk [tilespmem:v12+s3+$0x0], $0xffff;
	[tilespmem:s30+$0x160] =	vst v7  }
0xc5: {  	v62 =	vld.idx.msk [tilespmem:v11+s3+$0x0], $0xffff;
	[tilespmem:s31+$0xFFFFFE70] =	vst v6  }
0xc6: {  	v63 =	vld.idx.msk [tilespmem:v10+s3+$0x0], $0xffff;
	[tilespmem:s31+$0xFFFFFEF0] =	vst v5  }
0xc7: {  	[tilespmem:s31+$0xFFFFFF70] =	vst v4  }
0xc8: {  	[tilespmem:s31+$0xFFFFFFF0] =	vst v3  }
0xc9: {  	[tilespmem:s31+$0x70] =	vst v8  }
0xca: {  	[tilespmem:s31+$0xF0] =	vst v62  }
0xcb: {  	[tilespmem:s31+$0x170] =	vst v63  }
0xcc: {  	s1 =	rddreg [dreg:$0x4]  }
0xcd: {  	s0 =	sshll.u32 s29, $0xB;
	s29 =	rddreg [dreg:$0x6]  }
0xce: {  	s28 =	simm.s32 $0x8000;
	s30 =	rddreg [dreg:$0xc];
	s0 =	sadd.s32 s1, s0  }
0xcf: {  	[hbm4b:s0+s3] =	stream.linear.scatter [tilespmem:s28], [sflag:$0x3], $0x4000, $0x38;
	[tilespmem:$0x11800] =	vst v63  }
.Ltmp5:
0xd0: {  	s0 =	sadd.s32 s29, s30;
	(pc) =	sbr.rel @p2 .LBB2_8-.Ltmp5, $4  }
0xd1: {  	p3 =	sgt.u32 s0, $0x7A0  }
0xd2: {  	s31 =	rddreg [dreg:$0x0];
	s0 =	sshll.u32 @!p3 s0, $0x9;
	s1 =	simm.s32 @!p3 $0x1000  }
0xd3: {  	s2 =	simm.s32 @!p3 $0x7A1400;
	s4 =	simm.s32 @!p3 $0x0;
	s0 =	sadd.s32 @!p3 s31, s0  }
0xd4: {  	[tilespmem:s4], [sflag:$0x1] =	stream.strided.gather @!p3 [hbm4b:s0+s1], $0x4000, s2, s1, $0x38;
	[tilespmem:$0x11800] =	vst v63  }
0xd5: {  	s0 =	simm.s32 $0x4  }
0xd6: {  	s1 =	simm.s32 $0x1C;
	s19 =	simm.s32 $0x8;
	s2 =	simm.s32 $0xC;
	v3 =	vmov s0  }
0xd7: {  	s20 =	simm.s32 $0x10;
	s22 =	simm.s32 $0x14;
	s23 =	simm.s32 $0x0;
	v4 =	vmov s1;
	v5 =	vmov s19;
	v6 =	vmov s2  }
0xd8: {  	s24 =	simm.s32 $0x18;
	s4 =	simm.s32 $0x9;
	s5 =	simm.s32 $0xD;
	v8 =	vmov s20;
	v9 =	vmov s23;
	v10 =	vmov s22  }
0xd9: {  	s6 =	simm.s32 $0x11;
	s7 =	simm.s32 $0x15;
	s8 =	simm.s32 $0x19;
	v11 =	vmov s24;
	v22 =	vmov s4;
	v23 =	vmov s5  }
0xda: {  	s9 =	simm.s32 $0x1E;
	s14 =	simm.s32 $0x12;
	s17 =	simm.s32 $0x16;
	v25 =	vmov s6;
	v27 =	vmov s7;
	v28 =	vmov s8  }
0xdb: {  	s15 =	simm.s32 $0x1F;
	s18 =	simm.s32 $0x1A;
	v42 =	vmov s9;
	v46 =	vmov s14;
	v47 =	vmov s17  }
0xdc: {  	v48 =	vmov s15;
	v49 =	vmov s18;
	v7 =	vshll.u32 v4, $0x3  }
0xdd: {  	v4 =	vand.u32 $0x7C, v4;
	v13 =	vshll.u32 v3, $0x3;
	v14 =	vshll.u32 v5, $0x3  }
0xde: {  	v15 =	vshll.u32 v6, $0x3;
	v16 =	vshll.u32 v8, $0x3;
	v17 =	vshll.u32 v10, $0x3  }
0xdf: {  	v18 =	vshll.u32 v11, $0x3;
	v3 =	vand.u32 $0x64, v3;
	v5 =	vand.u32 $0x68, v5  }
0xe0: {  	s1 =	simm.s32 $0x1;
	s2 =	simm.s32 $0x5;
	v6 =	vand.u32 $0x6C, v6;
	v8 =	vand.u32 $0x70, v8;
	v10 =	vand.u32 $0x74, v10  }
0xe1: {  	v11 =	vand.u32 $0x78, v11;
	v20 =	vmov s1;
	v21 =	vmov s2  }
0xe2: {  	s26 =	simm.s32 $0x2;
	v29 =	vshll.u32 v23, $0x3;
	v30 =	vshll.u32 v25, $0x3;
	v7 =	vand.u32 $0xC00, v7  }
0xe3: {  	_ =	swait.ge [sflag:s26], $0x4000;
	v13 =	vand.u32 $0xC00, v13;
	v14 =	vand.u32 $0xC00, v14;
	v4 =	vor.u32 v4, v7  }
0xe4: {  	[sflag:s26] =	ssyncset.done $0x0;
	v15 =	vand.u32 $0xC00, v15;
	v17 =	vand.u32 $0xC00, v17;
	v12 =	vor.u32 v0, v4  }
0xe5: {  	s0 =	simm.s32 @!p1 $0x4;
	[sflag:s26] =	ssyncadd.s32 $0xFFFFC000;
	v7 =	vshll.u32 v9, $0x3;
	v9 =	vand.u32 $0x60, v9;
	v3 =	vor.u32 v3, v13  }
0xe6: {  	_ =	swait.ge @!p1 [sflag:s0], $0x4000;
	v5 =	vor.u32 v5, v14;
	v6 =	vor.u32 v6, v15;
	v14 =	vor.u32 v0, v3  }
0xe7: {  	v10 =	vor.u32 v10, v17;
	v7 =	vand.u32 $0xC00, v7;
	[sflag:s0] =	ssyncset.done @!p1 $0x0;
	v17 =	vor.u32 v0, v6  }
0xe8: {  	v16 =	vand.u32 $0xC00, v16;
	v15 =	vor.u32 v0, v5;
	[sflag:s0] =	ssyncadd.s32 @!p1 $0xFFFFC000;
	v7 =	vor.u32 v9, v7  }
0xe9: {  	v18 =	vand.u32 $0xC00, v18;
	v8 =	vor.u32 v8, v16;
	v9 =	vld.idx.msk [tilespmem:v12+s16+$0x0], $0xffff;
	v12 =	vor.u32 v0, v7  }
0xea: {  	v31 =	vshll.u32 v27, $0x3;
	v11 =	vor.u32 v11, v18;
	v18 =	vor.u32 v0, v8  }
0xeb: {  	v32 =	vshll.u32 v28, $0x3;
	v43 =	vand.u32 $0x75, v27;
	v4 =	vor.u32 v1, v4;
	v14 =	vld.idx.msk [tilespmem:v14+s16+$0x0], $0xffff  }
0xec: {  	s30 =	simm.s32 $0x1D;
	v50 =	vshll.u32 v48, $0x3;
	v51 =	vshll.u32 v47, $0x3;
	v3 =	vor.u32 v1, v3;
	v17 =	vld.idx.msk [tilespmem:v17+s16+$0x0], $0xffff  }
0xed: {  	v24 =	vshll.u32 v20, $0x3;
	v13 =	vmov s30;
	v6 =	vor.u32 v1, v6;
	v15 =	vld.idx.msk [tilespmem:v15+s16+$0x0], $0xffff  }
0xee: {  	s28 =	simm.s32 $0xC3F0;
	v26 =	vshll.u32 v21, $0x3;
	v16 =	vshll.u32 v13, $0x3;
	v19 =	vor.u32 v0, v10;
	v12 =	vld.idx.msk [tilespmem:v12+s16+$0x0], $0xffff  }
0xef: {  	v13 =	vand.u32 $0x7D, v13;
	v16 =	vand.u32 $0x7FFFFC00, v16;
	v18 =	vld.idx.msk [tilespmem:v18+s16+$0x0], $0xffff;
	[tilespmem:s28+$0xFFFFFF90] =	vst v9;
	v9 =	vor.u32 v0, v11  }
0xf0: {  	v40 =	vand.u32 $0x7FFFFC00, v30;
	v13 =	vor.u32 v13, v16;
	v7 =	vor.u32 v1, v7;
	[tilespmem:s28+$0xFFFFFC90] =	vst v14;
	v4 =	vld.idx.msk [tilespmem:v4+s16+$0x0], $0xffff  }
0xf1: {  	v41 =	vand.u32 $0x7FFFFC00, v31;
	v31 =	vand.u32 $0x7FFFFC00, v50;
	v16 =	vadd.s32 v0, v13;
	[tilespmem:s28+$0xFFFFFD90] =	vst v17;
	v3 =	vld.idx.msk [tilespmem:v3+s16+$0x0], $0xffff  }
0xf2: {  	v24 =	vand.u32 $0xC00, v24;
	v5 =	vor.u32 v1, v5;
	v8 =	vor.u32 v1, v8;
	[tilespmem:s28+$0xFFFFFD10] =	vst v15;
	v6 =	vld.idx.msk [tilespmem:v6+s16+$0x0], $0xffff  }
0xf3: {  	v26 =	vand.u32 $0x7FFFFC00, v26;
	v10 =	vor.u32 v1, v10;
	v13 =	vadd.s32 v1, v13;
	[tilespmem:s28+$0xFFFFFC10] =	vst v12;
	v12 =	vld.idx.msk [tilespmem:v19+s16+$0x0], $0xffff  }
0xf4: {  	v11 =	vor.u32 v1, v11;
	v14 =	vand.u32 $0x61, v20;
	v20 =	vand.u32 $0x7FFFFC00, v32;
	[tilespmem:s28+$0xFFFFFE10] =	vst v18;
	v9 =	vld.idx.msk [tilespmem:v9+s16+$0x0], $0xffff  }
0xf5: {  	v17 =	vand.u32 $0x6D, v23;
	v14 =	vor.u32 v14, v24;
	v19 =	vand.u32 $0x7FFFFC00, v29;
	[tilespmem:s28+$0xFFFFFFA0] =	vst v4;
	v7 =	vld.idx.msk [tilespmem:v7+s16+$0x0], $0xffff  }
0xf6: {  	v15 =	vand.u32 $0x65, v21;
	v17 =	vor.u32 v17, v19;
	v19 =	vor.u32 v0, v14;
	[tilespmem:s28+$0xFFFFFCA0] =	vst v3;
	v16 =	vld.idx.msk [tilespmem:v16+s16+$0x0], $0xffff  }
0xf7: {  	v21 =	vand.u32 $0x69, v22;
	v18 =	vand.u32 $0x79, v28;
	v5 =	vld.idx.msk [tilespmem:v5+s16+$0x0], $0xffff;
	v15 =	vor.u32 v15, v26;
	[tilespmem:s28+$0xFFFFFDA0] =	vst v6  }
0xf8: {  	v18 =	vor.u32 v18, v20;
	v8 =	vld.idx.msk [tilespmem:v8+s16+$0x0], $0xffff;
	v20 =	vadd.s32 v0, v15;
	v4 =	vshll.u32 v22, $0x3;
	[tilespmem:s28+$0xFFFFFE90] =	vst v12  }
0xf9: {  	v23 =	vand.u32 $0x7E, v42;
	v45 =	vadd.s32 v0, v18;
	v4 =	vand.u32 $0x7FFFFC00, v4;
	[tilespmem:s28+$0xFFFFFF10] =	vst v9  }
0xfa: {  	v22 =	vshll.u32 v42, $0x3;
	v4 =	vor.u32 v21, v4;
	v9 =	vadd.s32 v0, v17;
	v10 =	vld.idx.msk [tilespmem:v10+s16+$0x0], $0xffff;
	[tilespmem:s28+$0xFFFFFC20] =	vst v7  }
0xfb: {  	v18 =	vadd.s32 v1, v18;
	v22 =	vand.u32 $0x7FFFFC00, v22;
	v21 =	vadd.s32 v0, v4;
	[tilespmem:s28+$0xFFFFFFB0] =	vst v16;
	v6 =	vld.idx.msk [tilespmem:v19+s16+$0x0], $0xffff  }
0xfc: {  	[tilespmem:s28+$0xFFFFFD20] =	vst v5;
	v22 =	vor.u32 v23, v22;
	v7 =	vor.u32 v1, v14;
	v16 =	vand.u32 $0x71, v25;
	v13 =	vld.idx.msk [tilespmem:v13+s16+$0x0], $0xffff  }
0xfd: {  	v29 =	vand.u32 $0x7F, v48;
	[tilespmem:s28+$0xFFFFFE20] =	vst v8;
	v8 =	vld.idx.msk [tilespmem:v20+s16+$0x0], $0xffff;
	v23 =	vadd.s32 v0, v22;
	v12 =	vor.u32 v16, v40  }
0xfe: {  	v29 =	vor.u32 v29, v31;
	v11 =	vld.idx.msk [tilespmem:v11+s16+$0x0], $0xffff;
	v16 =	vor.u32 v43, v41;
	v44 =	vadd.s32 v0, v12  }
0xff: {  	s10 =	simm.s32 $0x2;
	v52 =	vand.u32 $0x76, v47;
	v31 =	vadd.s32 v0, v29;
	v25 =	vadd.s32 v0, v16;
	v9 =	vld.idx.msk [tilespmem:v9+s16+$0x0], $0xffff;
	[tilespmem:s28+$0xFFFFFEA0] =	vst v10  }
0x100: {  	s12 =	simm.s32 $0xA;
	v4 =	vadd.s32 v1, v4;
	v5 =	vadd.s32 v1, v22;
	v14 =	vmov s10;
	v10 =	vld.idx.msk [tilespmem:v21+s16+$0x0], $0xffff;
	[tilespmem:s28+$0xFFFFFC30] =	vst v6  }
0x101: {  	v22 =	vmov s12;
	v19 =	vshll.u32 v14, $0x3;
	v14 =	vand.u32 $0x62, v14;
	[tilespmem:s28+$0xFFFFFFC0] =	vst v13;
	v7 =	vld.idx.msk [tilespmem:v7+s16+$0x0], $0xffff  }
0x102: {  	s11 =	simm.s32 $0x6;
	v12 =	vadd.s32 v1, v12;
	v16 =	vadd.s32 v1, v16;
	v13 =	vadd.s32 v1, v15;
	v3 =	vld.idx.msk [tilespmem:v23+s16+$0x0], $0xffff  }
0x103: {  	[tilespmem:s28+$0xFFFFFCB0] =	vst v8;
	v21 =	vshll.u32 v22, $0x3;
	v15 =	vadd.s32 v1, v17;
	v17 =	vmov s11;
	v24 =	vld.idx.msk [tilespmem:v44+s16+$0x0], $0xffff  }
0x104: {  	[tilespmem:s28+$0xFFFFFF20] =	vst v11;
	v11 =	vshll.u32 v46, $0x3;
	v6 =	vand.u32 $0xC00, v19;
	v20 =	vshll.u32 v17, $0x3;
	v25 =	vld.idx.msk [tilespmem:v25+s16+$0x0], $0xffff  }
0x105: {  	s13 =	simm.s32 $0xE;
	v19 =	vshll.u32 v49, $0x3;
	v8 =	vand.u32 $0x7FFFFC00, v20;
	v20 =	vand.u32 $0x7FFFFC00, v21;
	v21 =	vld.idx.msk [tilespmem:v45+s16+$0x0], $0xffff;
	[tilespmem:s28+$0xFFFFFD30] =	vst v10  }
0x106: {  	v22 =	vand.u32 $0x6A, v22;
	v19 =	vand.u32 $0x7FFFFC00, v19;
	v23 =	vmov s13;
	[tilespmem:s28+$0xFFFFFDB0] =	vst v9;
	v4 =	vld.idx.msk [tilespmem:v4+s16+$0x0], $0xffff  }
0x107: {  	v17 =	vand.u32 $0x66, v17;
	v10 =	vand.u32 $0x7FFFFC00, v11;
	v11 =	vand.u32 $0x7FFFFC00, v51;
	v9 =	vld.idx.msk [tilespmem:v13+s16+$0x0], $0xffff;
	[tilespmem:s28+$0xFFFFFFD0] =	vst v3  }
0x108: {  	v20 =	vor.u32 v22, v20;
	v11 =	vor.u32 v52, v11;
	v13 =	vand.u32 $0x6E, v23;
	[tilespmem:s28+$0xFFFFFE30] =	vst v24;
	v5 =	vld.idx.msk [tilespmem:v5+s16+$0x0], $0xffff  }
0x109: {  	v26 =	vadd.s32 v0, v11;
	v3 =	vshll.u32 v23, $0x3;
	v23 =	vand.u32 $0x72, v46;
	[tilespmem:s28+$0xFFFFFEB0] =	vst v25;
	v12 =	vld.idx.msk [tilespmem:v12+s16+$0x0], $0xffff  }
0x10a: {  	s22 =	simm.s32 $0xB;
	[tilespmem:s28+$0xFFFFFC40] =	vst v7;
	v3 =	vand.u32 $0x7FFFFC00, v3;
	v10 =	vor.u32 v23, v10;
	v16 =	vld.idx.msk [tilespmem:v16+s16+$0x0], $0xffff;
	v23 =	vadd.s32 v0, v20  }
0x10b: {  	v7 =	vmov s22;
	[tilespmem:s28+$0xFFFFFF30] =	vst v21;
	v3 =	vor.u32 v13, v3;
	v13 =	vld.idx.msk [tilespmem:v15+s16+$0x0], $0xffff;
	v54 =	vadd.s32 v0, v10  }
0x10c: {  	v57 =	vshll.u32 v7, $0x3;
	v7 =	vand.u32 $0x6B, v7;
	v21 =	vadd.s32 v1, v29;
	v18 =	vld.idx.msk [tilespmem:v18+s16+$0x0], $0xffff;
	[tilespmem:s28+$0xFFFFFD40] =	vst v4  }
0x10d: {  	v53 =	vadd.s32 v0, v3;
	[tilespmem:s28+$0xFFFFFFE0] =	vst v5;
	v5 =	vor.u32 v14, v6;
	v6 =	vor.u32 v17, v8  }
0x10e: {  	s20 =	simm.s32 $0x7;
	v29 =	vand.u32 $0x7FFFFC00, v57;
	v10 =	vadd.s32 v1, v10;
	[tilespmem:s28+$0xFFFFFCC0] =	vst v9;
	v14 =	vld.idx.msk [tilespmem:v31+s16+$0x0], $0xffff;
	v9 =	vadd.s32 v0, v6  }
0x10f: {  	v15 =	vmov s20;
	v29 =	vor.u32 v7, v29;
	v3 =	vadd.s32 v1, v3;
	[tilespmem:s28+$0xFFFFFE40] =	vst v12;
	v23 =	vld.idx.msk [tilespmem:v23+s16+$0x0], $0xffff  }
0x110: {  	s19 =	simm.s32 $0x3;
	s23 =	simm.s32 $0xF;
	v56 =	vshll.u32 v15, $0x3;
	v8 =	vand.u32 $0x7A, v49;
	[tilespmem:s28+$0xFFFFFEC0] =	vst v16;
	v22 =	vor.u32 v0, v5;
	v25 =	vld.idx.msk [tilespmem:v54+s16+$0x0], $0xffff  }
0x111: {  	v17 =	vmov s19;
	v8 =	vor.u32 v8, v19;
	v19 =	vmov s23;
	[tilespmem:s28+$0xFFFFFDC0] =	vst v13;
	v26 =	vld.idx.msk [tilespmem:v26+s16+$0x0], $0xffff  }
0x112: {  	s26 =	simm.s32 $0x17;
	v5 =	vor.u32 v1, v5;
	v4 =	vadd.s32 v1, v6;
	v6 =	vadd.s32 v1, v20;
	v24 =	vld.idx.msk [tilespmem:v53+s16+$0x0], $0xffff  }
0x113: {  	v13 =	vmov s26;
	v12 =	vshll.u32 v17, $0x3;
	v55 =	vadd.s32 v0, v8;
	[tilespmem:s28+$0xFFFFFFF0] =	vst v14;
	v9 =	vld.idx.msk [tilespmem:v9+s16+$0x0], $0xffff  }
0x114: {  	[tilespmem:s28+$0xFFFFFF40] =	vst v18;
	v18 =	vand.u32 $0x7FFFFC00, v56;
	v17 =	vand.u32 $0x63, v17;
	v16 =	vshll.u32 v19, $0x3;
	v20 =	vld.idx.msk [tilespmem:v21+s16+$0x0], $0xffff  }
0x115: {  	s30 =	simm.s32 $0x1B;
	v59 =	vshll.u32 v13, $0x3;
	v12 =	vand.u32 $0xC00, v12;
	[tilespmem:s28+$0xFFFFFD50] =	vst v23;
	v21 =	vadd.s32 v1, v11;
	v11 =	vld.idx.msk [tilespmem:v22+s16+$0x0], $0xffff  }
0x116: {  	s24 =	simm.s32 $0x13;
	v16 =	vand.u32 $0x7FFFFC00, v16;
	[tilespmem:s28+$0xFFFFFE50] =	vst v25;
	v22 =	vadd.s32 v1, v8;
	v8 =	vmov s30  }
0x117: {  	v61 =	vor.u32 v17, v12;
	v14 =	vmov s24;
	v23 =	vld.idx.msk [tilespmem:v6+s16+$0x0], $0xffff;
	[tilespmem:s28+$0xFFFFFED0] =	vst v26;
	v60 =	vshll.u32 v8, $0x3  }
0x118: {  	v58 =	vshll.u32 v14, $0x3;
	v27 =	vld.idx.msk [tilespmem:v55+s16+$0x0], $0xffff;
	[tilespmem:s28+$0xFFFFFDD0] =	vst v24;
	v6 =	vand.u32 $0x7B, v8;
	v28 =	vand.u32 $0x7FFFFC00, v60  }
0x119: {  	v17 =	vld.idx.msk [tilespmem:v10+s16+$0x0], $0xffff;
	v30 =	vand.u32 $0x7FFFFC00, v58;
	v10 =	vor.u32 v6, v28;
	v6 =	vor.u32 v1, v61;
	[tilespmem:s28+$0xFFFFFCD0] =	vst v9  }
0x11a: {  	v9 =	vand.u32 $0x73, v14;
	v14 =	vadd.s32 v0, v29;
	[tilespmem:s28+$0xFFFFFC50] =	vst v11;
	v11 =	vand.u32 $0x67, v15;
	v4 =	vld.idx.msk [tilespmem:v4+s16+$0x0], $0xffff  }
0x11b: {  	[tilespmem:s28+$0x0] =	vst v20;
	v20 =	vand.u32 $0x7FFFFC00, v59;
	v5 =	vld.idx.msk [tilespmem:v5+s16+$0x0], $0xffff;
	v62 =	vor.u32 v11, v18;
	v11 =	vand.u32 $0x77, v13  }
0x11c: {  	v7 =	vadd.s32 v0, v10;
	v18 =	vld.idx.msk [tilespmem:v3+s16+$0x0], $0xffff;
	v11 =	vor.u32 v11, v20;
	v20 =	vor.u32 v0, v61  }
0x11d: {  	[tilespmem:s28+$0xFFFFFD60] =	vst v23;
	v15 =	vand.u32 $0x6F, v19;
	v12 =	vor.u32 v9, v30;
	v19 =	vadd.s32 v0, v62  }
0x11e: {  	[tilespmem:s28+$0xFFFFFF50] =	vst v27;
	v63 =	vor.u32 v15, v16;
	v15 =	vld.idx.msk [tilespmem:v21+s16+$0x0], $0xffff;
	v8 =	vadd.s32 v0, v12  }
0x11f: {  	v16 =	vld.idx.msk [tilespmem:v22+s16+$0x0], $0xffff;
	v13 =	vadd.s32 v0, v63;
	v3 =	vadd.s32 v1, v63;
	[tilespmem:s28+$0xFFFFFCE0] =	vst v4  }
0x120: {  	s29 =	simm.s32 $0xC3F0;
	s1 =	simm.s32 $0x0;
	s2 =	simm.s32 $0x3F;
	v9 =	vadd.s32 v0, v11;
	v4 =	vadd.s32 v1, v29;
	[tilespmem:s28+$0xFFFFFC60] =	vst v5;
	v5 =	vadd.s32 v1, v62  }
.LBB2_6:
0x121: {  	s0 =	sadd.s32 $0xFFFFFFE5, s2;
	s4 =	sadd.s32 $0xFFFFFFFD, s2;
	s1 =	sadd.s32 $0x8, s1;
	v20 =	vld.idx.msk [tilespmem:v20+s16+$0x0], $0xffff;
	[tilespmem:s28+$0xFFFFFDE0] =	vst v18;
	v12 =	vadd.s32 v1, v12;
	v11 =	vadd.s32 v1, v11  }
0x122: {  	s5 =	sadd.s32 $0xFFFFFFED, s2;
	v10 =	vadd.s32 v1, v10;
	v18 =	vmov s0;
	s0 =	sadd.s32 $0xFFFFFFE9, s2;
	v21 =	vmov s4;
	p1 =	slt.u32 s1, $0x78;
	v19 =	vld.idx.msk [tilespmem:v19+s16+$0x0], $0xffff;
	[tilespmem:s28+$0xFFFFFE60] =	vst v17  }
0x123: {  	s6 =	sadd.s32 $0xFFFFFFF5, s2;
	s8 =	sadd.s32 $0xFFFFFFF9, s2;
	v22 =	vmov s5;
	s4 =	sadd.s32 $0xFFFFFFF1, s2;
	v17 =	vmov s0;
	v23 =	vshll.u32 v21, $0x3;
	v14 =	vld.idx.msk [tilespmem:v14+s16+$0x0], $0xffff;
	[tilespmem:s28+$0xFFFFFEE0] =	vst v15  }
0x124: {  	s15 =	sadd.s32 $0xFFFFFFE6, s2;
	s5 =	sadd.s32 $0xFFFFFFE1, s2;
	s0 =	sadd.s32 $0xFFFFFFE2, s2;
	v15 =	vmov s4;
	v21 =	vand.u32 $0x7C, v21;
	v23 =	vand.u32 $0xC00, v23;
	v13 =	vld.idx.msk [tilespmem:v13+s16+$0x0], $0xffff;
	[tilespmem:s28+$0xFFFFFF60] =	vst v16  }
0x125: {  	s7 =	sadd.s32 $0xFFFFFFF2, s2;
	v24 =	vmov s6;
	s4 =	sadd.s32 $0xFFFFFFEE, s2;
	v16 =	vmov s5;
	s5 =	sadd.s32 $0xFFFFFFEA, s2;
	v21 =	vor.u32 v21, v23;
	v8 =	vld.idx.msk [tilespmem:v8+s16+$0x0], $0xffff  }
0x126: {  	s14 =	sadd.s32 $0xFFFFFFE3, s2;
	s13 =	sadd.s32 $0xFFFFFFF6, s2;
	s26 =	sadd.s32 $0xFFFFFFFA, s2;
	v25 =	vmov s8;
	v23 =	vshll.u32 v16, $0x3;
	v26 =	vor.u32 v0, v21;
	v9 =	vld.idx.msk [tilespmem:v9+s16+$0x0], $0xffff  }
0x127: {  	s22 =	sadd.s32 $0xFFFFFFE7, s2;
	s17 =	sadd.s32 $0xFFFFFFEB, s2;
	s18 =	sadd.s32 $0xFFFFFFEF, s2;
	v27 =	vshll.u32 v18, $0x3;
	v29 =	vshll.u32 v22, $0x3;
	v28 =	vshll.u32 v17, $0x3;
	[tilespmem:s28+$0xFFFFFC70] =	vst v20;
	v7 =	vld.idx.msk [tilespmem:v7+s16+$0x0], $0xffff  }
0x128: {  	s24 =	sadd.s32 $0xFFFFFFF3, s2;
	s19 =	sadd.s32 $0xFFFFFFF7, s2;
	s10 =	sadd.s32 $0xFFFFFFFB, s2;
	v30 =	vshll.u32 v24, $0x3;
	v31 =	vshll.u32 v25, $0x3;
	v20 =	vshll.u32 v15, $0x3;
	v6 =	vld.idx.msk [tilespmem:v6+s16+$0x0], $0xffff;
	[tilespmem:s28+$0xFFFFFCF0] =	vst v19  }
0x129: {  	s12 =	sadd.s32 $0xFFFFFFE8, s2;
	s9 =	sadd.s32 $0xFFFFFFEC, s2;
	s6 =	sadd.s32 $0xFFFFFFE4, s2;
	v19 =	vand.u32 $0xC00, v23;
	v23 =	vand.u32 $0xC00, v27;
	v27 =	vand.u32 $0xC00, v28;
	v5 =	vld.idx.msk [tilespmem:v5+s16+$0x0], $0xffff;
	[tilespmem:s28+$0xFFFFFD70] =	vst v14  }
0x12a: {  	s11 =	sadd.s32 $0xFFFFFFF4, s2;
	s20 =	sadd.s32 $0xFFFFFFF8, s2;
	s8 =	sadd.s32 $0xFFFFFFF0, s2;
	v20 =	vand.u32 $0xC00, v20;
	v28 =	vand.u32 $0xC00, v30;
	v14 =	vand.u32 $0xC00, v29;
	v4 =	vld.idx.msk [tilespmem:v4+s16+$0x0], $0xffff;
	[tilespmem:s28+$0xFFFFFDF0] =	vst v13  }
0x12b: {  	s23 =	sadd.s32 $0xFFFFFFFC, s2;
	v13 =	vand.u32 $0x60, v16;
	v16 =	vand.u32 $0x64, v18;
	v18 =	vand.u32 $0xC00, v31;
	v26 =	vld.idx.msk [tilespmem:v26+s16+$0x0], $0xffff;
	[tilespmem:s28+$0xFFFFFE70] =	vst v8  }
0x12c: {  	v15 =	vand.u32 $0x70, v15;
	v8 =	vand.u32 $0x68, v17;
	v17 =	vand.u32 $0x6C, v22;
	v22 =	vld.idx.msk [tilespmem:v3+s16+$0x0], $0xffff;
	[tilespmem:s28+$0xFFFFFEF0] =	vst v9  }
0x12d: {  	v21 =	vor.u32 v1, v21;
	v3 =	vand.u32 $0x74, v24;
	v9 =	vand.u32 $0x78, v25;
	v12 =	vld.idx.msk [tilespmem:v12+s16+$0x0], $0xffff;
	[tilespmem:s28+$0xFFFFFF70] =	vst v7  }
0x12e: {  	v8 =	vor.u32 v8, v27;
	v7 =	vor.u32 v13, v19;
	v13 =	vor.u32 v16, v23;
	v11 =	vld.idx.msk [tilespmem:v11+s16+$0x0], $0xffff  }
0x12f: {  	s30 =	sadd.s32 $0xFFFFFFFE, s2;
	v15 =	vor.u32 v15, v20;
	v14 =	vor.u32 v17, v14;
	v16 =	vor.u32 v3, v28;
	v3 =	vld.idx.msk [tilespmem:v10+s16+$0x0], $0xffff  }
0x130: {  	v17 =	vmov s30;
	v9 =	vor.u32 v9, v18;
	s28 =	sadd.s32 $0x400, s28;
	v10 =	vor.u32 v0, v7;
	[tilespmem:s29+$0xFFFFFC80] =	vst v6  }
0x131: {  	v18 =	vor.u32 v0, v8;
	v19 =	vshll.u32 v17, $0x3;
	v6 =	vor.u32 v0, v13;
	[tilespmem:s28+$0xFFFFFF90] =	vst v26  }
0x132: {  	v20 =	vor.u32 v0, v14;
	v17 =	vand.u32 $0x7D, v17;
	v19 =	vand.u32 $0x7FFFFC00, v19;
	v21 =	vld.idx.msk [tilespmem:v21+s16+$0x0], $0xffff;
	[tilespmem:s29+$0xFFFFFD00] =	vst v5  }
0x133: {  	v23 =	vor.u32 v0, v16;
	v17 =	vor.u32 v17, v19;
	v5 =	vor.u32 v0, v15;
	[tilespmem:s29+$0xFFFFFD80] =	vst v4  }
0x134: {  	v19 =	vadd.s32 v0, v17;
	v4 =	vor.u32 v1, v7;
	v7 =	vor.u32 v0, v9;
	[tilespmem:s29+$0xFFFFFE00] =	vst v22  }
0x135: {  	v8 =	vor.u32 v1, v8;
	v14 =	vor.u32 v1, v14;
	v13 =	vor.u32 v1, v13;
	v10 =	vld.idx.msk [tilespmem:v10+s16+$0x0], $0xffff  }
0x136: {  	v16 =	vor.u32 v1, v16;
	v15 =	vor.u32 v1, v15;
	v9 =	vor.u32 v1, v9;
	v6 =	vld.idx.msk [tilespmem:v6+s16+$0x0], $0xffff  }
0x137: {  	v24 =	vmov s15;
	v25 =	vmov s5;
	v22 =	vmov s0;
	v18 =	vld.idx.msk [tilespmem:v18+s16+$0x0], $0xffff  }
0x138: {  	v27 =	vmov s4;
	v28 =	vmov s7;
	v26 =	vshll.u32 v22, $0x3;
	v20 =	vld.idx.msk [tilespmem:v20+s16+$0x0], $0xffff;
	[tilespmem:s28+$0xFFFFFFA0] =	vst v21  }
0x139: {  	v30 =	vmov s26;
	v29 =	vmov s13;
	v21 =	vshll.u32 v24, $0x3;
	v19 =	vld.idx.msk [tilespmem:v19+s16+$0x0], $0xffff;
	[tilespmem:s29+$0xFFFFFE80] =	vst v12  }
0x13a: {  	v31 =	vshll.u32 v27, $0x3;
	v32 =	vshll.u32 v28, $0x3;
	v12 =	vshll.u32 v25, $0x3;
	v5 =	vld.idx.msk [tilespmem:v5+s16+$0x0], $0xffff;
	[tilespmem:s29+$0xFFFFFF00] =	vst v11  }
0x13b: {  	v17 =	vadd.s32 v1, v17;
	v11 =	vshll.u32 v29, $0x3;
	[tilespmem:s28+$0xFFFFFC10] =	vst v10;
	v10 =	vld.idx.msk [tilespmem:v23+s16+$0x0], $0xffff;
	v23 =	vshll.u32 v30, $0x3  }
0x13c: {  	v26 =	vand.u32 $0xC00, v26;
	v12 =	vand.u32 $0x7FFFFC00, v12;
	[tilespmem:s28+$0xFFFFFC90] =	vst v6;
	v6 =	vand.u32 $0x7FFFFC00, v21;
	v7 =	vld.idx.msk [tilespmem:v7+s16+$0x0], $0xffff  }
0x13d: {  	s0 =	sadd.s32 $0xFFFFFFFF, s2;
	v11 =	vand.u32 $0x7FFFFC00, v11;
	v21 =	vand.u32 $0x7FFFFC00, v32;
	v4 =	vld.idx.msk [tilespmem:v4+s16+$0x0], $0xffff;
	[tilespmem:s28+$0xFFFFFD10] =	vst v18;
	v18 =	vand.u32 $0x7FFFFC00, v31  }
0x13e: {  	v22 =	vand.u32 $0x61, v22;
	v13 =	vld.idx.msk [tilespmem:v13+s16+$0x0], $0xffff;
	[tilespmem:s28+$0xFFFFFD90] =	vst v20;
	v20 =	vand.u32 $0x7FFFFC00, v23;
	v23 =	vmov s0  }
0x13f: {  	v24 =	vand.u32 $0x65, v24;
	v25 =	vand.u32 $0x69, v25;
	v8 =	vld.idx.msk [tilespmem:v8+s16+$0x0], $0xffff;
	[tilespmem:s28+$0xFFFFFFB0] =	vst v19;
	v19 =	vshll.u32 v23, $0x3  }
0x140: {  	v27 =	vand.u32 $0x6D, v27;
	[tilespmem:s28+$0xFFFFFE10] =	vst v5;
	v5 =	vld.idx.msk [tilespmem:v17+s16+$0x0], $0xffff;
	v17 =	vand.u32 $0x7E, v23;
	v19 =	vand.u32 $0x7FFFFC00, v19  }
0x141: {  	v23 =	vand.u32 $0x71, v28;
	v14 =	vld.idx.msk [tilespmem:v14+s16+$0x0], $0xffff;
	[tilespmem:s28+$0xFFFFFE90] =	vst v10;
	v10 =	vand.u32 $0x75, v29;
	v17 =	vor.u32 v17, v19  }
0x142: {  	v19 =	vor.u32 v22, v26;
	v15 =	vld.idx.msk [tilespmem:v15+s16+$0x0], $0xffff;
	[tilespmem:s28+$0xFFFFFF10] =	vst v7;
	v7 =	vand.u32 $0x79, v30;
	v22 =	vadd.s32 v0, v17  }
0x143: {  	v12 =	vor.u32 v25, v12;
	v6 =	vor.u32 v24, v6;
	v18 =	vor.u32 v27, v18;
	v16 =	vld.idx.msk [tilespmem:v16+s16+$0x0], $0xffff  }
0x144: {  	v21 =	vor.u32 v23, v21;
	v10 =	vor.u32 v10, v11;
	v7 =	vor.u32 v7, v20;
	v9 =	vld.idx.msk [tilespmem:v9+s16+$0x0], $0xffff  }
0x145: {  	v11 =	vadd.s32 v0, v6;
	v20 =	vadd.s32 v0, v12;
	[tilespmem:s28+$0xFFFFFC20] =	vst v4;
	v4 =	vor.u32 v0, v19  }
0x146: {  	v23 =	vadd.s32 v0, v18;
	v24 =	vadd.s32 v0, v21;
	v25 =	vadd.s32 v0, v10;
	[tilespmem:s28+$0xFFFFFFC0] =	vst v5  }
0x147: {  	v5 =	vor.u32 v1, v19;
	v19 =	vmov s14;
	[tilespmem:s28+$0xFFFFFCA0] =	vst v13;
	v13 =	vadd.s32 v0, v7;
	v22 =	vld.idx.msk [tilespmem:v22+s16+$0x0], $0xffff  }
0x148: {  	v6 =	vadd.s32 v1, v6;
	[tilespmem:s28+$0xFFFFFD20] =	vst v8;
	v8 =	vadd.s32 v1, v12;
	v12 =	vadd.s32 v1, v18  }
0x149: {  	v17 =	vadd.s32 v1, v17;
	v10 =	vadd.s32 v1, v10;
	[tilespmem:s28+$0xFFFFFDA0] =	vst v14;
	v14 =	vadd.s32 v1, v21  }
0x14a: {  	v7 =	vadd.s32 v1, v7;
	v18 =	vmov s22;
	v21 =	vmov s17;
	v4 =	vld.idx.msk [tilespmem:v4+s16+$0x0], $0xffff;
	[tilespmem:s28+$0xFFFFFE20] =	vst v15  }
0x14b: {  	v27 =	vmov s24;
	v26 =	vmov s18;
	v15 =	vshll.u32 v19, $0x3;
	v11 =	vld.idx.msk [tilespmem:v11+s16+$0x0], $0xffff;
	[tilespmem:s28+$0xFFFFFEA0] =	vst v16  }
0x14c: {  	v28 =	vmov s19;
	v16 =	vshll.u32 v18, $0x3;
	v20 =	vld.idx.msk [tilespmem:v20+s16+$0x0], $0xffff;
	[tilespmem:s28+$0xFFFFFF20] =	vst v9;
	v9 =	vmov s2  }
0x14d: {  	v30 =	vmov s10;
	v29 =	vshll.u32 v21, $0x3;
	v23 =	vld.idx.msk [tilespmem:v23+s16+$0x0], $0xffff;
	[tilespmem:s28+$0xFFFFFFD0] =	vst v22;
	v22 =	vshll.u32 v9, $0x3  }
0x14e: {  	v31 =	vshll.u32 v26, $0x3;
	v9 =	vand.u32 $0x7F, v9;
	v17 =	vld.idx.msk [tilespmem:v17+s16+$0x0], $0xffff;
	v22 =	vand.u32 $0x7FFFFC00, v22;
	[tilespmem:s29+$0xFFFFFF80] =	vst v3;
	s29 =	smov.u32 s28  }
0x14f: {  	v32 =	vshll.u32 v28, $0x3;
	v3 =	vld.idx.msk [tilespmem:v24+s16+$0x0], $0xffff;
	v24 =	vshll.u32 v27, $0x3;
	v9 =	vor.u32 v9, v22  }
0x150: {  	v22 =	vshll.u32 v30, $0x3;
	[tilespmem:s28+$0xFFFFFC30] =	vst v4;
	v4 =	vand.u32 $0xC00, v15;
	v15 =	vld.idx.msk [tilespmem:v25+s16+$0x0], $0xffff;
	v25 =	vadd.s32 v0, v9  }
0x151: {  	[tilespmem:s28+$0xFFFFFCB0] =	vst v11;
	v11 =	vand.u32 $0x7FFFFC00, v16;
	v16 =	vand.u32 $0x7FFFFC00, v29;
	v29 =	vand.u32 $0x7FFFFC00, v31;
	v13 =	vld.idx.msk [tilespmem:v13+s16+$0x0], $0xffff  }
0x152: {  	v22 =	vand.u32 $0x7FFFFC00, v22;
	v5 =	vld.idx.msk [tilespmem:v5+s16+$0x0], $0xffff;
	[tilespmem:s28+$0xFFFFFD30] =	vst v20;
	v20 =	vand.u32 $0x7FFFFC00, v24;
	v24 =	vand.u32 $0x7FFFFC00, v32  }
0x153: {  	v19 =	vand.u32 $0x62, v19;
	v21 =	vand.u32 $0x6A, v21;
	v18 =	vand.u32 $0x66, v18;
	v6 =	vld.idx.msk [tilespmem:v6+s16+$0x0], $0xffff;
	[tilespmem:s28+$0xFFFFFDB0] =	vst v23  }
0x154: {  	v23 =	vand.u32 $0x6E, v26;
	v26 =	vand.u32 $0x72, v27;
	v27 =	vand.u32 $0x76, v28;
	v8 =	vld.idx.msk [tilespmem:v8+s16+$0x0], $0xffff;
	[tilespmem:s28+$0xFFFFFFE0] =	vst v17  }
0x155: {  	v4 =	vor.u32 v19, v4;
	v11 =	vor.u32 v18, v11;
	[tilespmem:s28+$0xFFFFFE30] =	vst v3;
	v3 =	vand.u32 $0x7A, v30;
	v17 =	vld.idx.msk [tilespmem:v25+s16+$0x0], $0xffff  }
0x156: {  	v18 =	vmov s6;
	v16 =	vor.u32 v21, v16;
	v19 =	vor.u32 v23, v29;
	v12 =	vld.idx.msk [tilespmem:v12+s16+$0x0], $0xffff;
	[tilespmem:s28+$0xFFFFFEB0] =	vst v15  }
0x157: {  	v9 =	vadd.s32 v1, v9;
	v20 =	vor.u32 v26, v20;
	v15 =	vmov s12;
	v14 =	vld.idx.msk [tilespmem:v14+s16+$0x0], $0xffff;
	[tilespmem:s28+$0xFFFFFF30] =	vst v13  }
0x158: {  	v3 =	vor.u32 v3, v22;
	v13 =	vor.u32 v27, v24;
	[tilespmem:s28+$0xFFFFFC40] =	vst v5;
	v5 =	vmov s9;
	v10 =	vld.idx.msk [tilespmem:v10+s16+$0x0], $0xffff  }
0x159: {  	v21 =	vor.u32 v0, v4;
	v22 =	vmov s8;
	[tilespmem:s28+$0xFFFFFCC0] =	vst v6;
	v6 =	vadd.s32 v0, v11;
	v7 =	vld.idx.msk [tilespmem:v7+s16+$0x0], $0xffff  }
0x15a: {  	v23 =	vadd.s32 v0, v19;
	v24 =	vadd.s32 v0, v20;
	[tilespmem:s28+$0xFFFFFD40] =	vst v8;
	v8 =	vadd.s32 v0, v16  }
0x15b: {  	v4 =	vor.u32 v1, v4;
	v26 =	vadd.s32 v0, v3;
	v25 =	vadd.s32 v0, v13;
	[tilespmem:s28+$0xFFFFFFF0] =	vst v17  }
0x15c: {  	v11 =	vadd.s32 v1, v11;
	v16 =	vadd.s32 v1, v16;
	[tilespmem:s28+$0xFFFFFDC0] =	vst v12;
	v12 =	vmov s11;
	v9 =	vld.idx.msk [tilespmem:v9+s16+$0x0], $0xffff  }
0x15d: {  	v13 =	vadd.s32 v1, v13;
	v17 =	vadd.s32 v1, v19;
	[tilespmem:s28+$0xFFFFFE40] =	vst v14;
	v14 =	vadd.s32 v1, v20  }
0x15e: {  	v3 =	vadd.s32 v1, v3;
	v20 =	vmov s23;
	v19 =	vld.idx.msk [tilespmem:v21+s16+$0x0], $0xffff;
	[tilespmem:s28+$0xFFFFFEC0] =	vst v10;
	v10 =	vmov s20  }
0x15f: {  	v27 =	vshll.u32 v15, $0x3;
	v28 =	vshll.u32 v5, $0x3;
	v21 =	vshll.u32 v18, $0x3;
	v6 =	vld.idx.msk [tilespmem:v6+s16+$0x0], $0xffff;
	[tilespmem:s28+$0xFFFFFF40] =	vst v7  }
0x160: {  	v29 =	vshll.u32 v12, $0x3;
	v30 =	vshll.u32 v10, $0x3;
	v7 =	vld.idx.msk [tilespmem:v8+s16+$0x0], $0xffff;
	v8 =	vshll.u32 v22, $0x3  }
0x161: {  	v27 =	vand.u32 $0x7FFFFC00, v27;
	v31 =	vshll.u32 v20, $0x3;
	v21 =	vand.u32 $0xC00, v21;
	v23 =	vld.idx.msk [tilespmem:v23+s16+$0x0], $0xffff  }
0x162: {  	v28 =	vand.u32 $0x7FFFFC00, v28;
	v29 =	vand.u32 $0x7FFFFC00, v29;
	v8 =	vand.u32 $0x7FFFFC00, v8;
	v24 =	vld.idx.msk [tilespmem:v24+s16+$0x0], $0xffff;
	[tilespmem:s28+$0x0] =	vst v9  }
0x163: {  	v31 =	vand.u32 $0x7FFFFC00, v31;
	v30 =	vand.u32 $0x7FFFFC00, v30;
	v9 =	vand.u32 $0x63, v18;
	v25 =	vld.idx.msk [tilespmem:v25+s16+$0x0], $0xffff  }
0x164: {  	v15 =	vand.u32 $0x67, v15;
	v5 =	vand.u32 $0x6B, v5;
	v18 =	vand.u32 $0x6F, v22;
	[tilespmem:s28+$0xFFFFFC50] =	vst v19;
	v22 =	vld.idx.msk [tilespmem:v26+s16+$0x0], $0xffff  }
0x165: {  	v10 =	vand.u32 $0x77, v10;
	v19 =	vand.u32 $0x7B, v20;
	v4 =	vld.idx.msk [tilespmem:v4+s16+$0x0], $0xffff;
	[tilespmem:s28+$0xFFFFFCD0] =	vst v6;
	v6 =	vand.u32 $0x73, v12  }
0x166: {  	v9 =	vor.u32 v9, v21;
	v26 =	vor.u32 v15, v27;
	v21 =	vld.idx.msk [tilespmem:v11+s16+$0x0], $0xffff;
	[tilespmem:s28+$0xFFFFFD50] =	vst v7  }
0x167: {  	v28 =	vor.u32 v5, v28;
	v27 =	vld.idx.msk [tilespmem:v16+s16+$0x0], $0xffff;
	[tilespmem:s28+$0xFFFFFDD0] =	vst v23;
	v23 =	vor.u32 v18, v8  }
0x168: {  	v12 =	vor.u32 v6, v29;
	v11 =	vor.u32 v10, v30;
	v18 =	vld.idx.msk [tilespmem:v17+s16+$0x0], $0xffff;
	[tilespmem:s28+$0xFFFFFE50] =	vst v24  }
.Ltmp6:
0x169: {  	v20 =	vor.u32 v0, v9;
	v10 =	vor.u32 v19, v31;
	v17 =	vld.idx.msk [tilespmem:v14+s16+$0x0], $0xffff;
	[tilespmem:s28+$0xFFFFFED0] =	vst v25;
	(pc) =	sbr.rel @p1 .LBB2_6-.Ltmp6, $4  }
0x16a: {  	v19 =	vadd.s32 v0, v26;
	v14 =	vadd.s32 v0, v28;
	v15 =	vld.idx.msk [tilespmem:v13+s16+$0x0], $0xffff;
	[tilespmem:s28+$0xFFFFFF50] =	vst v22  }
0x16b: {  	v8 =	vadd.s32 v0, v12;
	v13 =	vadd.s32 v0, v23;
	[tilespmem:s28+$0xFFFFFC60] =	vst v4;
	v16 =	vld.idx.msk [tilespmem:v3+s16+$0x0], $0xffff  }
0x16c: {  	v6 =	vor.u32 v1, v9;
	v9 =	vadd.s32 v0, v11;
	v7 =	vadd.s32 v0, v10;
	[tilespmem:s28+$0xFFFFFCE0] =	vst v21  }
0x16d: {  	s2 =	sadd.s32 $0x20, s2;
	v5 =	vadd.s32 v1, v26;
	v4 =	vadd.s32 v1, v28;
	v3 =	vadd.s32 v1, v23;
	[tilespmem:s28+$0xFFFFFD60] =	vst v27  }
0x16e: {  	_ =	sdelay $0x3  }
0x16f: {  	v20 =	vld.idx.msk [tilespmem:v20+s16+$0x0], $0xffff  }
0x170: {  	[tilespmem:s28+$0xFFFFFDE0] =	vst v18;
	v61 =	vld.idx.msk [tilespmem:v19+s16+$0x0], $0xffff  }
0x171: {  	[tilespmem:s28+$0xFFFFFE60] =	vst v17;
	v14 =	vld.idx.msk [tilespmem:v14+s16+$0x0], $0xffff  }
0x172: {  	[tilespmem:s28+$0xFFFFFEE0] =	vst v15;
	v13 =	vld.idx.msk [tilespmem:v13+s16+$0x0], $0xffff  }
0x173: {  	v8 =	vld.idx.msk [tilespmem:v8+s16+$0x0], $0xffff;
	[tilespmem:s28+$0xFFFFFF60] =	vst v16  }
0x174: {  	v9 =	vld.idx.msk [tilespmem:v9+s16+$0x0], $0xffff;
	[tilespmem:s28+$0xFFFFFC70] =	vst v20  }
0x175: {  	v12 =	vadd.s32 v1, v12;
	v7 =	vld.idx.msk [tilespmem:v7+s16+$0x0], $0xffff;
	[tilespmem:s28+$0xFFFFFCF0] =	vst v61  }
0x176: {  	v11 =	vadd.s32 v1, v11;
	[tilespmem:s28+$0xFFFFFD70] =	vst v14;
	v6 =	vld.idx.msk [tilespmem:v6+s16+$0x0], $0xffff  }
0x177: {  	v10 =	vadd.s32 v1, v10;
	v5 =	vld.idx.msk [tilespmem:v5+s16+$0x0], $0xffff;
	[tilespmem:s28+$0xFFFFFDF0] =	vst v13  }
0x178: {  	v4 =	vld.idx.msk [tilespmem:v4+s16+$0x0], $0xffff;
	[tilespmem:s28+$0xFFFFFE70] =	vst v8  }
0x179: {  	v3 =	vld.idx.msk [tilespmem:v3+s16+$0x0], $0xffff;
	[tilespmem:s28+$0xFFFFFEF0] =	vst v9  }
0x17a: {  	v8 =	vld.idx.msk [tilespmem:v12+s16+$0x0], $0xffff;
	[tilespmem:s28+$0xFFFFFF70] =	vst v7  }
0x17b: {  	v62 =	vld.idx.msk [tilespmem:v11+s16+$0x0], $0xffff;
	[tilespmem:s29+$0xFFFFFC80] =	vst v6  }
0x17c: {  	v63 =	vld.idx.msk [tilespmem:v10+s16+$0x0], $0xffff;
	[tilespmem:s29+$0xFFFFFD00] =	vst v5  }
0x17d: {  	[tilespmem:s29+$0xFFFFFD80] =	vst v4  }
0x17e: {  	[tilespmem:s29+$0xFFFFFE00] =	vst v3  }
0x17f: {  	[tilespmem:s29+$0xFFFFFE80] =	vst v8  }
.Ltmp7:
0x180: {  	[tilespmem:s29+$0xFFFFFF00] =	vst v62;
	(pc) =	sbr.rel .LBB2_8-.Ltmp7, $4  }
0x181: {  	s0 =	rddreg [dreg:$0xb];
	[tilespmem:s29+$0xFFFFFF80] =	vst v63  }
0x182: {  	s0 =	sshll.u32 s0, $0xB;
	s1 =	rddreg [dreg:$0x4]  }
0x183: {  	s30 =	simm.s32 $0xC000;
	s0 =	sadd.s32 s1, s0  }
0x184: {  	[hbm4b:s0+s3] =	stream.linear.scatter [tilespmem:s30], [sflag:$0x4], $0x4000, $0x38;
	[tilespmem:$0x11800] =	vst v63  }
.LBB2_9:
0x185: {  	s0 =	simm.s32 $0x3  }
0x186: {  	_ =	swait.ge [sflag:s0], $0x4000  }
.Ltmp8:
0x187: {  	[sflag:s0] =	ssyncset.done $0x0;
	(pc) =	sbr.rel @p0 .LBB2_13-.Ltmp8, $4  }
0x188: {  	s30 =	simm.s32 $0x4;
	[sflag:s0] =	ssyncadd.s32 $0xFFFFC000  }
0x189: {  	_ =	swait.ge [sflag:s30], $0x4000  }
0x18a: {  	[sflag:s30] =	ssyncset.done $0x0  }
0x18b: {  	s1 =	rddreg [dreg:$0xa];
	[sflag:s30] =	ssyncadd.s32 $0xFFFFC000  }
0x18c: {  	s0 =	rddreg [dreg:$0x7]  }
0x18d: {  	s1 =	simm.s32 $0x7A1400;
	s2 =	simm.s32 $0x400;
	s30 =	simm.s32 $0x5  }
0x18e: {  	[tilespmem:s21], [sflag:$0x5] =	stream.strided.gather [hbm4b:s0+s2], $0x1000, s1, s2, $0x38;
	[tilespmem:$0x11800] =	vst v63  }
0x18f: {  	_ =	swait.ge [sflag:s30], $0x1000  }
0x190: {  	[sflag:s30] =	ssyncset.done $0x0  }
0x191: {  	s6 =	simm.s32 $0x0;
	p1 =	por $0x1, $0x1;
	[sflag:s30] =	ssyncadd.s32 $0xFFFFF000  }
.LBB2_11:
0x192: {  	s0 =	sshll.u32 s6, $0x2;
	s4 =	sor.u32 $0x1, s6  }
0x193: {  	v3 =	vmov s0;
	s5 =	sshll.u32 s4, $0x2  }
0x194: {  	v3 =	vand.u32 $0x60, v3;
	v4 =	vmov s5  }
0x195: {  	v5 =	vbroadcast v3, $0x0;
	v3 =	vand.u32 $0x64, v4  }
0x196: {  	v4 =	vbroadcast v3, $0x0  }
0x197: {  	v3 =	vor.u32 v2, v5  }
0x198: {  	v6 =	vor.u32 v2, v4;
	_ =	sdelay $0x3  }
0x199: {  	v7 =	vld.idx.msk [tilespmem:v3+s21+$0x0], $0xffff;
	v3 =	vor.u32 $0x800, v2  }
0x19a: {  	v5 =	vor.u32 v3, v5;
	v6 =	vld.idx.msk [tilespmem:v6+s21+$0x0], $0xffff  }
0x19b: {  	s1 =	sor.u32 $0x1, s0;
	v4 =	vor.u32 v3, v4  }
0x19c: {  	s2 =	sshll.u32 s6, $0x7;
	v8 =	vmov s1;
	s7 =	sor.u32 $0x1, s5  }
0x19d: {  	s14 =	sand.u32 $0x3FFFFF80, s2;
	s17 =	sshll.u32 s4, $0x7;
	v8 =	vand.u32 $0x61, v8;
	v9 =	vmov s7  }
0x19e: {  	s2 =	sand.u32 $0x3FFFFF80, s17;
	v18 =	vbroadcast v8, $0x0;
	v19 =	vand.u32 $0x65, v9;
	[tilespmem:s14+$0x11000] =	vst v7  }
0x19f: {  	v20 =	vbroadcast v19, $0x0;
	v5 =	vld.idx.msk [tilespmem:v5+s21+$0x0], $0xffff;
	[tilespmem:s2+$0x11000] =	vst v6  }
0x1a0: {  	v21 =	vor.u32 v2, v18;
	v4 =	vld.idx.msk [tilespmem:v4+s21+$0x0], $0xffff  }
0x1a1: {  	v22 =	vor.u32 v2, v20;
	_ =	sdelay $0x2  }
0x1a2: {  	[tilespmem:s14+$0x11010] =	vst v5  }
0x1a3: {  	v5 =	vld.idx.msk [tilespmem:v21+s21+$0x0], $0xffff;
	[tilespmem:s2+$0x11010] =	vst v4  }
0x1a4: {  	v23 =	vor.u32 v3, v18;
	v24 =	vld.idx.msk [tilespmem:v22+s21+$0x0], $0xffff  }
0x1a5: {  	s0 =	sor.u32 $0x2, s0;
	v6 =	vor.u32 v3, v20  }
0x1a6: {  	v25 =	vmov s0;
	s18 =	sor.u32 $0x2, s5  }
0x1a7: {  	v26 =	vmov s18;
	v8 =	vand.u32 $0x62, v25  }
0x1a8: {  	v28 =	vand.u32 $0x66, v26;
	v27 =	vbroadcast v8, $0x0;
	[tilespmem:s14+$0x11020] =	vst v5  }
0x1a9: {  	v29 =	vbroadcast v28, $0x0;
	v4 =	vld.idx.msk [tilespmem:v23+s21+$0x0], $0xffff;
	[tilespmem:s2+$0x11020] =	vst v24  }
0x1aa: {  	v30 =	vor.u32 v2, v27;
	v6 =	vld.idx.msk [tilespmem:v6+s21+$0x0], $0xffff  }
0x1ab: {  	v31 =	vor.u32 v2, v29;
	_ =	sdelay $0x2  }
0x1ac: {  	[tilespmem:s14+$0x11030] =	vst v4  }
0x1ad: {  	v4 =	vld.idx.msk [tilespmem:v30+s21+$0x0], $0xffff;
	[tilespmem:s2+$0x11030] =	vst v6  }
0x1ae: {  	v5 =	vor.u32 v3, v27;
	v6 =	vld.idx.msk [tilespmem:v31+s21+$0x0], $0xffff  }
0x1af: {  	s19 =	sshllo.u32 s6, $0x2;
	v7 =	vor.u32 v3, v29  }
0x1b0: {  	v32 =	vmov s19;
	s20 =	sshllo.u32 s4, $0x2  }
0x1b1: {  	s10 =	sor.u32 $0x2, s6;
	v33 =	vmov s20;
	v8 =	vand.u32 $0x63, v32  }
0x1b2: {  	s4 =	sshll.u32 s10, $0x2;
	v35 =	vand.u32 $0x67, v33;
	v34 =	vbroadcast v8, $0x0;
	[tilespmem:s14+$0x11040] =	vst v4  }
0x1b3: {  	s8 =	sor.u32 $0x3, s6;
	s11 =	sor.u32 $0x4, s6;
	v10 =	vmov s4;
	v36 =	vbroadcast v35, $0x0;
	v5 =	vld.idx.msk [tilespmem:v5+s21+$0x0], $0xffff;
	[tilespmem:s2+$0x11040] =	vst v6  }
0x1b4: {  	s0 =	sshll.u32 s8, $0x2;
	s5 =	sshll.u32 s11, $0x2;
	v10 =	vand.u32 $0x68, v10;
	v37 =	vor.u32 v2, v34;
	v7 =	vld.idx.msk [tilespmem:v7+s21+$0x0], $0xffff  }
0x1b5: {  	v11 =	vmov s0;
	v43 =	vmov s5;
	v38 =	vor.u32 v2, v36  }
0x1b6: {  	s12 =	sor.u32 $0x5, s6;
	v39 =	vbroadcast v10, $0x0;
	v40 =	vand.u32 $0x6C, v11;
	v11 =	vand.u32 $0x70, v43  }
0x1b7: {  	s17 =	sor.u32 $0x7, s6;
	s7 =	sshll.u32 s12, $0x2;
	s18 =	sor.u32 $0x6, s6;
	v11 =	vbroadcast v11, $0x0  }
0x1b8: {  	s13 =	sshll.u32 s17, $0x2;
	v13 =	vmov s7;
	s15 =	sshll.u32 s18, $0x2;
	v42 =	vor.u32 v2, v39;
	[tilespmem:s14+$0x11050] =	vst v5  }
0x1b9: {  	v15 =	vmov s13;
	v14 =	vmov s15;
	v44 =	vor.u32 v2, v11;
	v8 =	vld.idx.msk [tilespmem:v37+s21+$0x0], $0xffff;
	[tilespmem:s2+$0x11050] =	vst v7  }
0x1ba: {  	v41 =	vbroadcast v40, $0x0;
	v14 =	vand.u32 $0x78, v14;
	v4 =	vor.u32 v3, v34;
	v9 =	vld.idx.msk [tilespmem:v38+s21+$0x0], $0xffff  }
0x1bb: {  	v15 =	vand.u32 $0x7C, v15;
	v14 =	vbroadcast v14, $0x0;
	v6 =	vor.u32 v3, v36  }
0x1bc: {  	v13 =	vand.u32 $0x74, v13;
	v15 =	vbroadcast v15, $0x0;
	v12 =	vor.u32 v2, v41  }
0x1bd: {  	v13 =	vbroadcast v13, $0x0;
	v16 =	vor.u32 v2, v14;
	v10 =	vld.idx.msk [tilespmem:v42+s21+$0x0], $0xffff  }
0x1be: {  	v18 =	vor.u32 v2, v15;
	[tilespmem:s14+$0x11060] =	vst v8;
	v8 =	vld.idx.msk [tilespmem:v44+s21+$0x0], $0xffff  }
0x1bf: {  	v45 =	vor.u32 v2, v13;
	v4 =	vld.idx.msk [tilespmem:v4+s21+$0x0], $0xffff;
	[tilespmem:s2+$0x11060] =	vst v9  }
0x1c0: {  	s24 =	sshll.u32 s10, $0x7;
	s22 =	sor.u32 $0x1, s4;
	v6 =	vld.idx.msk [tilespmem:v6+s21+$0x0], $0xffff  }
0x1c1: {  	s9 =	sshll.u32 s11, $0x7;
	s1 =	sand.u32 $0x3FFFFF80, s24;
	v17 =	vmov s22;
	s26 =	sor.u32 $0x1, s5;
	v12 =	vld.idx.msk [tilespmem:v12+s21+$0x0], $0xffff;
	v5 =	vor.u32 v3, v39  }
0x1c2: {  	s23 =	sor.u32 $0x1, s0;
	s6 =	sand.u32 $0x3FFFFF80, s9;
	v17 =	vand.u32 $0x69, v17;
	v49 =	vmov s26;
	v11 =	vor.u32 v3, v11;
	v16 =	vld.idx.msk [tilespmem:v16+s21+$0x0], $0xffff;
	[tilespmem:s1+$0x11000] =	vst v10  }
0x1c3: {  	s20 =	sor.u32 $0x1, s13;
	v19 =	vmov s23;
	v17 =	vbroadcast v17, $0x0;
	v18 =	vld.idx.msk [tilespmem:v18+s21+$0x0], $0xffff;
	v7 =	vor.u32 v3, v41;
	[tilespmem:s6+$0x11000] =	vst v8  }
0x1c4: {  	s25 =	sshll.u32 s8, $0x7;
	s19 =	sshll.u32 s18, $0x7;
	v50 =	vand.u32 $0x71, v49;
	v57 =	vmov s20;
	v15 =	vor.u32 v3, v15;
	v9 =	vld.idx.msk [tilespmem:v45+s21+$0x0], $0xffff;
	[tilespmem:s14+$0x11070] =	vst v4  }
0x1c5: {  	s29 =	sor.u32 $0x1, s15;
	v19 =	vand.u32 $0x6D, v19;
	v52 =	vbroadcast v50, $0x0;
	v13 =	vor.u32 v3, v13;
	s14 =	sor.u32 $0x1, s7;
	[tilespmem:s2+$0x11070] =	vst v6;
	s2 =	sand.u32 $0x3FFFFF80, s25  }
0x1c6: {  	s30 =	sshll.u32 s17, $0x7;
	v54 =	vmov s29;
	v14 =	vor.u32 v3, v14;
	v5 =	vld.idx.msk [tilespmem:v5+s21+$0x0], $0xffff;
	v51 =	vmov s14;
	s14 =	sand.u32 $0x3FFFFF80, s19;
	[tilespmem:s2+$0x11000] =	vst v12  }
0x1c7: {  	s28 =	sshll.u32 s12, $0x7;
	v58 =	vand.u32 $0x7D, v57;
	v46 =	vbroadcast v19, $0x0;
	v47 =	vor.u32 v2, v17;
	v11 =	vld.idx.msk [tilespmem:v11+s21+$0x0], $0xffff;
	s19 =	sand.u32 $0x3FFFFF80, s30;
	[tilespmem:s14+$0x11000] =	vst v16  }
0x1c8: {  	s9 =	sand.u32 $0x3FFFFF80, s28;
	v20 =	vor.u32 v2, v52;
	v53 =	vand.u32 $0x75, v51;
	[tilespmem:s19+$0x11000] =	vst v18;
	v16 =	vbroadcast v58, $0x0;
	v7 =	vld.idx.msk [tilespmem:v7+s21+$0x0], $0xffff  }
0x1c9: {  	v56 =	vand.u32 $0x79, v54;
	v48 =	vor.u32 v2, v46;
	[tilespmem:s9+$0x11000] =	vst v9;
	v55 =	vbroadcast v53, $0x0;
	v15 =	vld.idx.msk [tilespmem:v15+s21+$0x0], $0xffff  }
0x1ca: {  	v13 =	vld.idx.msk [tilespmem:v13+s21+$0x0], $0xffff;
	v12 =	vbroadcast v56, $0x0;
	v61 =	vor.u32 v2, v16  }
0x1cb: {  	[tilespmem:s1+$0x11010] =	vst v5;
	v14 =	vld.idx.msk [tilespmem:v14+s21+$0x0], $0xffff;
	v59 =	vor.u32 v2, v55  }
0x1cc: {  	s4 =	sor.u32 $0x2, s4;
	v6 =	vld.idx.msk [tilespmem:v47+s21+$0x0], $0xffff;
	v60 =	vor.u32 v2, v12;
	[tilespmem:s6+$0x11010] =	vst v11  }
0x1cd: {  	v62 =	vmov s4;
	s0 =	sor.u32 $0x2, s0;
	s23 =	sor.u32 $0x2, s13;
	v17 =	vor.u32 v3, v17;
	v20 =	vld.idx.msk [tilespmem:v20+s21+$0x0], $0xffff;
	[tilespmem:s2+$0x11010] =	vst v7  }
0x1ce: {  	s5 =	sor.u32 $0x2, s5;
	v63 =	vmov s0;
	s22 =	sor.u32 $0x2, s15;
	v25 =	vmov s23;
	v8 =	vor.u32 v3, v52;
	[tilespmem:s19+$0x11010] =	vst v15;
	v10 =	vld.idx.msk [tilespmem:v48+s21+$0x0], $0xffff  }
0x1cf: {  	v21 =	vmov s5;
	v22 =	vmov s22;
	v4 =	vor.u32 v3, v46;
	[tilespmem:s9+$0x11010] =	vst v13;
	v7 =	vld.idx.msk [tilespmem:v61+s21+$0x0], $0xffff  }
0x1d0: {  	v29 =	vand.u32 $0x72, v21;
	v18 =	vand.u32 $0x6A, v62;
	v16 =	vor.u32 v3, v16;
	[tilespmem:s14+$0x11010] =	vst v14;
	v19 =	vld.idx.msk [tilespmem:v59+s21+$0x0], $0xffff  }
0x1d1: {  	v26 =	vbroadcast v18, $0x0;
	v9 =	vor.u32 v3, v55;
	v11 =	vand.u32 $0x6E, v63;
	[tilespmem:s1+$0x11020] =	vst v6;
	v5 =	vld.idx.msk [tilespmem:v60+s21+$0x0], $0xffff  }
0x1d2: {  	s20 =	sor.u32 $0x2, s7;
	v12 =	vor.u32 v3, v12;
	v28 =	vbroadcast v11, $0x0;
	v11 =	vbroadcast v29, $0x0;
	v27 =	vld.idx.msk [tilespmem:v17+s21+$0x0], $0xffff;
	[tilespmem:s6+$0x11020] =	vst v20  }
0x1d3: {  	v24 =	vmov s20;
	v30 =	vor.u32 v2, v26;
	v14 =	vand.u32 $0x7E, v25;
	v8 =	vld.idx.msk [tilespmem:v8+s21+$0x0], $0xffff;
	[tilespmem:s2+$0x11020] =	vst v10  }
0x1d4: {  	v13 =	vand.u32 $0x76, v24;
	v33 =	vor.u32 v2, v11;
	v36 =	vbroadcast v14, $0x0;
	[tilespmem:s19+$0x11020] =	vst v7;
	v4 =	vld.idx.msk [tilespmem:v4+s21+$0x0], $0xffff  }
0x1d5: {  	v32 =	vand.u32 $0x7A, v22;
	v13 =	vbroadcast v13, $0x0;
	v31 =	vor.u32 v2, v28;
	[tilespmem:s9+$0x11020] =	vst v19;
	v38 =	vld.idx.msk [tilespmem:v16+s21+$0x0], $0xffff  }
0x1d6: {  	v34 =	vbroadcast v32, $0x0;
	v40 =	vor.u32 v2, v36;
	[tilespmem:s14+$0x11020] =	vst v5;
	v9 =	vld.idx.msk [tilespmem:v9+s21+$0x0], $0xffff  }
0x1d7: {  	v35 =	vor.u32 v2, v13;
	[tilespmem:s1+$0x11030] =	vst v27;
	v12 =	vld.idx.msk [tilespmem:v12+s21+$0x0], $0xffff  }
0x1d8: {  	s26 =	sshllo.u32 s11, $0x2;
	v37 =	vor.u32 v2, v34;
	v39 =	vld.idx.msk [tilespmem:v30+s21+$0x0], $0xffff;
	[tilespmem:s6+$0x11030] =	vst v8  }
0x1d9: {  	s24 =	sshllo.u32 s10, $0x2;
	s28 =	sshllo.u32 s12, $0x2;
	v43 =	vmov s26;
	v6 =	vor.u32 v3, v26;
	v20 =	vld.idx.msk [tilespmem:v33+s21+$0x0], $0xffff;
	[tilespmem:s2+$0x11030] =	vst v4  }
0x1da: {  	s29 =	sshllo.u32 s18, $0x2;
	v41 =	vmov s24;
	v44 =	vmov s28;
	v11 =	vor.u32 v3, v11;
	[tilespmem:s19+$0x11030] =	vst v38;
	v18 =	vld.idx.msk [tilespmem:v31+s21+$0x0], $0xffff  }
0x1db: {  	v45 =	vmov s29;
	s25 =	sshllo.u32 s8, $0x2;
	s30 =	sshllo.u32 s17, $0x2;
	v47 =	vand.u32 $0x6B, v41;
	v10 =	vor.u32 v3, v28;
	[tilespmem:s9+$0x11030] =	vst v9;
	v4 =	vld.idx.msk [tilespmem:v40+s21+$0x0], $0xffff  }
0x1dc: {  	v42 =	vmov s25;
	v46 =	vmov s30;
	v7 =	vor.u32 v3, v36;
	[tilespmem:s14+$0x11030] =	vst v12;
	v19 =	vld.idx.msk [tilespmem:v35+s21+$0x0], $0xffff  }
0x1dd: {  	v15 =	vbroadcast v47, $0x0;
	v13 =	vor.u32 v3, v13;
	v48 =	vand.u32 $0x73, v43;
	[tilespmem:s1+$0x11040] =	vst v39;
	v14 =	vld.idx.msk [tilespmem:v37+s21+$0x0], $0xffff  }
0x1de: {  	v5 =	vor.u32 v3, v34;
	v16 =	vbroadcast v48, $0x0;
	v8 =	vand.u32 $0x6F, v42;
	v6 =	vld.idx.msk [tilespmem:v6+s21+$0x0], $0xffff;
	[tilespmem:s6+$0x11040] =	vst v20  }
0x1df: {  	v49 =	vor.u32 v2, v15;
	v8 =	vbroadcast v8, $0x0;
	v12 =	vand.u32 $0x7F, v46;
	v11 =	vld.idx.msk [tilespmem:v11+s21+$0x0], $0xffff;
	[tilespmem:s2+$0x11040] =	vst v18  }
0x1e0: {  	v52 =	vor.u32 v2, v16;
	v9 =	vand.u32 $0x77, v44;
	v12 =	vbroadcast v12, $0x0;
	[tilespmem:s19+$0x11040] =	vst v4;
	v10 =	vld.idx.msk [tilespmem:v10+s21+$0x0], $0xffff  }
0x1e1: {  	v51 =	vand.u32 $0x7B, v45;
	v50 =	vor.u32 v2, v8;
	v9 =	vbroadcast v9, $0x0;
	[tilespmem:s9+$0x11040] =	vst v19;
	v7 =	vld.idx.msk [tilespmem:v7+s21+$0x0], $0xffff  }
0x1e2: {  	v55 =	vor.u32 v2, v12;
	[tilespmem:s14+$0x11040] =	vst v14;
	v19 =	vbroadcast v51, $0x0;
	v13 =	vld.idx.msk [tilespmem:v13+s21+$0x0], $0xffff  }
0x1e3: {  	v53 =	vor.u32 v2, v9;
	[tilespmem:s1+$0x11050] =	vst v6;
	v5 =	vld.idx.msk [tilespmem:v5+s21+$0x0], $0xffff  }
0x1e4: {  	v17 =	vld.idx.msk [tilespmem:v49+s21+$0x0], $0xffff;
	v54 =	vor.u32 v2, v19;
	[tilespmem:s6+$0x11050] =	vst v11  }
0x1e5: {  	v56 =	vor.u32 v3, v15;
	v58 =	vld.idx.msk [tilespmem:v52+s21+$0x0], $0xffff;
	[tilespmem:s2+$0x11050] =	vst v10  }
0x1e6: {  	v59 =	vor.u32 v3, v16;
	[tilespmem:s19+$0x11050] =	vst v7;
	v57 =	vld.idx.msk [tilespmem:v50+s21+$0x0], $0xffff  }
0x1e7: {  	v8 =	vor.u32 v3, v8;
	v60 =	vor.u32 v3, v9;
	[tilespmem:s9+$0x11050] =	vst v13;
	v10 =	vld.idx.msk [tilespmem:v55+s21+$0x0], $0xffff  }
0x1e8: {  	v61 =	vor.u32 v3, v19;
	v3 =	vor.u32 v3, v12;
	[tilespmem:s14+$0x11050] =	vst v5;
	v4 =	vld.idx.msk [tilespmem:v53+s21+$0x0], $0xffff  }
0x1e9: {  	[tilespmem:s1+$0x11060] =	vst v17;
	v6 =	vld.idx.msk [tilespmem:v54+s21+$0x0], $0xffff  }
0x1ea: {  	v11 =	vld.idx.msk [tilespmem:v56+s21+$0x0], $0xffff;
	[tilespmem:s6+$0x11060] =	vst v58  }
0x1eb: {  	v62 =	vld.idx.msk [tilespmem:v59+s21+$0x0], $0xffff;
	[tilespmem:s2+$0x11060] =	vst v57  }
0x1ec: {  	[tilespmem:s19+$0x11060] =	vst v10;
	v8 =	vld.idx.msk [tilespmem:v8+s21+$0x0], $0xffff  }
0x1ed: {  	[tilespmem:s9+$0x11060] =	vst v4;
	v3 =	vld.idx.msk [tilespmem:v3+s21+$0x0], $0xffff  }
0x1ee: {  	[tilespmem:s14+$0x11060] =	vst v6;
	v63 =	vld.idx.msk [tilespmem:v60+s21+$0x0], $0xffff  }
0x1ef: {  	p2 =	por p1, p1;
	[tilespmem:s1+$0x11070] =	vst v11;
	v6 =	vld.idx.msk [tilespmem:v61+s21+$0x0], $0xffff  }
.Ltmp9:
0x1f0: {  	[tilespmem:s6+$0x11070] =	vst v62;
	(pc) =	sbr.rel @p2 .LBB2_11-.Ltmp9, $4  }
0x1f1: {  	[tilespmem:s2+$0x11070] =	vst v8  }
0x1f2: {  	[tilespmem:s19+$0x11070] =	vst v3  }
0x1f3: {  	[tilespmem:s9+$0x11070] =	vst v63  }
0x1f4: {  	p1 =	por $0x0, $0x0;
	s6 =	simm.s32 $0x8;
	[tilespmem:s14+$0x11070] =	vst v6  }
0x1f5: {  	s0 =	rddreg [dreg:$0x8]  }
.Ltmp10:
0x1f6: {  	s1 =	simm.s32 $0x11000;
	s30 =	simm.s32 $0x5;
	(pc) =	sbr.rel .LBB2_13-.Ltmp10, $4  }
0x1f7: {  	[hbm4b:s0+s3] =	stream.linear.scatter [tilespmem:s1], [sflag:$0x5], $0x800, $0x38;
	[tilespmem:$0x11800] =	vst v63  }
0x1f8: {  	_ =	swait.ge [sflag:s30], $0x800  }
0x1f9: {  	[sflag:s30] =	ssyncset.done $0x0  }
0x1fa: {  	s1 =	rddreg [dreg:$0xa];
	[sflag:s30] =	ssyncadd.s32 $0xFFFFF800  }
.LBB2_14:
0x1fb: {  	_ =	sfence.sel $0x180000  }
0x1fc: {  	[bflag:$0x0] =	sbarrier.arrive $0xFFFF  }
0x1fd: {  	_ =	strace $0x90000047  }
0x1fe: {  	s0 =	stileid.u32;
	[bflag:$0x2] =	sbarrier.arrive $0xFFFF  }
0x1ff: {  	p0 =	sne.s32 s0, $0x0;
	s0 =	rddreg [dreg:$0x2]  }
0x200: {  	s0 =	sadd.s32 @!p0 $0x100000, s0  }
0x201: {  	[sflag:s0] =	ssyncadd.tile.s32 @!p0 $0x1;
	_ =	shalt  }
.Lfunc_end2:
_tile_overlayer_lowered:
.L_overlay_start_2:
0x202: {  	(tag) =	ssettag $0x2  }
0x203: {  	s0 =	rddreg [dreg:$0x0];
	s2 =	stileid.u32  }
0x204: {  	s1 =	rddreg [dreg:$0x1];
	p0 =	sne.s32 s2, $0x0  }
0x205: {  	s3 =	rddreg [dreg:$0x2];
	[bflag:$0x3] =	sbarrier.arrive $0xFFFF;
	s2 =	simm.s32 @!p0 $0x1C05  }
0x206: {  	[timem:s3], [sflag:s2] =	dma.local @!p0 [hbm:s0], s1  }
0x207: {  	s0 =	simm.s32 @!p0 $0x5  }
0x208: {  	_ =	swait.ge @!p0 [sflag:s0], s1  }
0x209: {  	s1 =	ssub.s32 @!p0 $0x0, s1;
	[sflag:s0] =	ssyncset.done @!p0 $0x0  }
0x20a: {  	[sflag:s0] =	ssyncadd.s32 @!p0 s1  }
0x20b: {  	[bflag:$0x3] =	sbarrier.arrive $0xFFFF  }
0x20c: {  	_ =	shalt  }

// kernel: kernel.8.cloned.1.call-start
scs
__scs_entry_jumppad:
0x0: {  	(pc) =	sbr.rel $0x88, $3  }
0x1: {  	(tag) =	ssettag $0x0;
	lr =	simm.s32 $0x1  }
0x2: {  	[smem:$0x3F9C] =	sst lr;
	_ =	strace $0xD0000000  }
0x3: {  	_ = 	snop  }
0x4: {  	_ = 	snop  }
0x5: {  	_ = 	snop  }
0x6: {  	_ = 	snop  }
0x7: {  	_ = 	snop  }
__scs_overlays_trampoline_lowered:
0x8: {  	[smem:$0x3FAB] =	sst s0  }
0x9: {  	[smem:$0x3FAC] =	sst s1  }
0xa: {  	[smem:$0x3FAD] =	sst s2  }
0xb: {  	[smem:$0x3FAE] =	sst s3  }
0xc: {  	[smem:$0x3FAF] =	sst s4  }
0xd: {  	[smem:$0x3FB0] =	sst s5  }
0xe: {  	[smem:$0x3FB1] =	sst s6  }
0xf: {  	[smem:$0x3FB2] =	sst s7  }
0x10: {  	[smem:$0x3FB3] =	sst s8  }
0x11: {  	[smem:$0x3FB4] =	sst s9;
	s0 =	simm.s32 @!p0 $0x0  }
0x12: {  	s1 =	sld [smem:$0x3F9A];
	s0 =	simm.s32 @p0 $0x1  }
0x13: {  	[smem:$0x3FB5] =	sst s0;
	s0 =	simm.s32 @!p1 $0x0  }
0x14: {  	s2 =	sld [smem:$0x3F99];
	s0 =	simm.s32 @p1 $0x1  }
0x15: {  	[smem:$0x3FB6] =	sst s0;
	s0 =	simm.s32 @!p2 $0x0  }
0x16: {  	s3 =	sld [smem:$0x3FDB];
	s0 =	simm.s32 @p2 $0x1  }
0x17: {  	s4 =	simm.s32 $0x1BF5;
	[smem:$0x3FB8] =	sst s0  }
0x18: {  	s0 =	sld [smem:$0x3F9B];
	_ =	swait.ge [sflag:s4], $0x0  }
0x19: {  	s7 =	sld [smem:$0x3F9C]  }
0x1a: {  	s8 =	sadd.s32 $0xFFFFE003, lr  }
0x1b: {  	s9 =	sadd.s32 $0xFFFFFEF7, lr;
	s5 =	simm.s32 $0xFFFFFFFF;
	p2 =	slt.u32 s8, $0xFFFFF086  }
0x1c: {  	p1 =	slt.u32 s9, $0xF7A;
	s5 =	simm.s32 @!p2 $0x0  }
0x1d: {  	s5 =	simm.s32 @p1 $0x1;
	p0 =	seq.s32 s7, s2  }
0x1e: {  	s7 =	smul.u32 @!p0 $0xF7A, s2;
	p2 =	seq.s32 @!p0 s5, $0x0  }
0x1f: {  	s9 =	smul.u32 $0xF7A, s1;
	s8 =	simm.s32 @!p0 $0x1BF5;
	p2 =	por !p2, p0  }
0x20: {  	[sflag:s8] =	ssyncset.s32 @!p0 $0xFFFFF086;
	s6 =	sadd.s32 @!p0 s3, s7;
	s7 =	simm.s32 @!p0 $0x108  }
0x21: {  	s3 =	sadd.s32 s3, s9;
	s6 =	sadd.s32 @!p0 $0x88, s6;
	s7 =	simm.s32 @p2 $0x1082  }
0x22: {  	[simem:s7], [sflag:s8] =	dma.local @!p0 [hbm:s6], $0xF7A  }
0x23: {  	s9 =	sor.u32 $0xD0000000, s2;
	s6 =	simm.s32 $0x108;
	_ =	swait.ge @!p0 [sflag:s8], $0x0  }
0x24: {  	s3 =	sadd.s32 $0x88, s3;
	s6 =	simm.s32 @!p1 $0x1082;
	[sflag:s4] =	ssyncset.s32 $0xFFFFF086  }
0x25: {  	[simem:s6], [sflag:s4] =	dma.local [hbm:s3], $0xF7A  }
0x26: {  	[smem:$0x3F9C] =	sst s1;
	(tag) =	ssettag s2;
	_ =	strace s9  }
0x27: {  	s1 =	sld [smem:$0x3FAC]  }
0x28: {  	s2 =	sld [smem:$0x3FAD]  }
0x29: {  	s4 =	sld [smem:$0x3FAF]  }
0x2a: {  	p0 =	seq.s32 s5, $0x0;
	s5 =	sld [smem:$0x3FB0]  }
0x2b: {  	s6 =	sld [smem:$0x3FB1]  }
0x2c: {  	s7 =	sld [smem:$0x3FB2]  }
0x2d: {  	s3 =	simm.s32 $0x108;
	s8 =	sld [smem:$0x3FB3]  }
0x2e: {  	s3 =	simm.s32 @!p0 $0x1082;
	s9 =	sld [smem:$0x3FB4]  }
0x2f: {  	lr =	sadd.s32 s0, s3;
	s0 =	sld [smem:$0x3FAB]  }
0x30: {  	s3 =	sld [smem:$0x3FAE]  }
0x31: {  	[smem:$0x3FB7] =	sst s10  }
0x32: {  	s10 =	sld [smem:$0x3FB5];
	_ =	sdelay $0x3  }
0x33: {  	p0 =	seq.s32 s10, $0x1;
	s10 =	sld [smem:$0x3FB7];
	_ =	sdelay $0x3  }
0x34: {  	[smem:$0x3FB7] =	sst s10  }
0x35: {  	s10 =	sld [smem:$0x3FB6];
	_ =	sdelay $0x3  }
0x36: {  	p1 =	seq.s32 s10, $0x1;
	s10 =	sld [smem:$0x3FB7];
	_ =	sdelay $0x3  }
0x37: {  	[smem:$0x3FB7] =	sst s10  }
0x38: {  	s10 =	sld [smem:$0x3FB8]  }
0x39: {  	_ = 	snop;
	(pc) =	sbr.ind lr, $3  }
0x3a: {  	_ = 	snop  }
0x3b: {  	_ = 	snop  }
0x3c: {  	p2 =	seq.s32 s10, $0x1;
	s10 =	sld [smem:$0x3FB7]  }
0x3d: {  	_ =	shalt  }
0x3e: {  	_ =	shalt  }
0x3f: {  	_ =	shalt  }
0x40: {  	_ =	shalt  }
0x41: {  	_ =	shalt  }
0x42: {  	_ =	shalt  }
0x43: {  	_ =	shalt  }
0x44: {  	_ =	shalt  }
0x45: {  	_ =	shalt  }
0x46: {  	_ =	shalt  }
0x47: {  	_ =	shalt  }
0x48: {  	_ =	shalt  }
0x49: {  	_ =	shalt  }
0x4a: {  	_ =	shalt  }
0x4b: {  	_ =	shalt  }
0x4c: {  	_ =	shalt  }
0x4d: {  	_ =	shalt  }
0x4e: {  	_ =	shalt  }
0x4f: {  	_ =	shalt  }
0x50: {  	_ =	shalt  }
0x51: {  	_ =	shalt  }
0x52: {  	_ =	shalt  }
0x53: {  	_ =	shalt  }
0x54: {  	_ =	shalt  }
0x55: {  	_ =	shalt  }
0x56: {  	_ =	shalt  }
0x57: {  	_ =	shalt  }
0x58: {  	_ =	shalt  }
0x59: {  	_ =	shalt  }
0x5a: {  	_ =	shalt  }
0x5b: {  	_ =	shalt  }
0x5c: {  	_ =	shalt  }
0x5d: {  	_ =	shalt  }
0x5e: {  	_ =	shalt  }
0x5f: {  	_ =	shalt  }
0x60: {  	_ =	shalt  }
0x61: {  	_ =	shalt  }
0x62: {  	_ =	shalt  }
0x63: {  	_ =	shalt  }
0x64: {  	_ =	shalt  }
0x65: {  	_ =	shalt  }
0x66: {  	_ =	shalt  }
0x67: {  	_ =	shalt  }
0x68: {  	_ =	shalt  }
0x69: {  	_ =	shalt  }
0x6a: {  	_ =	shalt  }
0x6b: {  	_ =	shalt  }
0x6c: {  	_ =	shalt  }
0x6d: {  	_ =	shalt  }
0x6e: {  	_ =	shalt  }
0x6f: {  	_ =	shalt  }
0x70: {  	_ =	shalt  }
0x71: {  	_ =	shalt  }
0x72: {  	_ =	shalt  }
0x73: {  	_ =	shalt  }
0x74: {  	_ =	shalt  }
0x75: {  	_ =	shalt  }
0x76: {  	_ =	shalt  }
0x77: {  	_ =	shalt  }
0x78: {  	_ =	shalt  }
0x79: {  	_ =	shalt  }
0x7a: {  	_ =	shalt  }
0x7b: {  	_ =	shalt  }
0x7c: {  	_ =	shalt  }
0x7d: {  	_ =	shalt  }
0x7e: {  	_ =	shalt  }
0x7f: {  	_ =	shalt  }
0x80: {  	_ =	shalt  }
0x81: {  	_ =	shalt  }
0x82: {  	_ =	shalt  }
0x83: {  	_ =	shalt  }
0x84: {  	_ =	shalt  }
0x85: {  	_ =	shalt  }
0x86: {  	_ =	shalt  }
0x87: {  	_ =	shalt  }
.Lfunc_end0:
.L_simem_size_0:
called_computation.1_lowered:
.L_overlay_start_0:
0x88: {  	s2 =	sld [smem:$0x3FD9]  }
0x89: {  	s3 =	sld [smem:$0x3FFE];
	_ =	sdelay $0x1  }
0x8a: {  	s1 =	srdreg.scid  }
0x8b: {  	s0 =	sand.u32 $0x1, s1  }
0x8c: {  	s17 =	sshll.u32 s0, $0xA;
	s2 =	sadd.s32 s3, s2  }
0x8d: {  	s2 =	sadd.s32 s2, s17  }
0x8e: {  	[smem:$0x3FC3] =	sst s2  }
0x8f: {  	_ = 	snop  }
0x90: {  	s2 =	sld [smem:$0x3FD0];
	(tm) =	ssettm $0x1  }
0x91: {  	s18 =	sld [smem:$0x3FFB];
	_ =	sdelay $0x3  }
0x92: {  	_ =	strace s18  }
0x93: {  	s3 =	sld [smem:$0x3FFC];
	_ =	sdelay $0x3  }
0x94: {  	_ =	strace s3  }
0x95: {  	s3 =	sld [smem:$0x3FFD];
	_ =	sdelay $0x3  }
0x96: {  	_ =	strace s3  }
0x97: {  	_ =	strace $0x8FFFFFFF  }
0x98: {  	s19 =	sld [smem:$0x3FDB];
	_ =	sdelay $0x1  }
0x99: {  	s4 =	simm.s32 $_scs_section_size  }
0x9a: {  	s5 =	simm.s32 $_size__tile_overlayer_lowered;
	s6 =	simm.s32 $_tile_overlayer_lowered  }
0x9b: {  	s22 =	simm.s32 $0x1BFF;
	s21 =	sshll.u32 s6, $0x1;
	s3 =	sadd.s32 s4, s19  }
0x9c: {  	s7 =	simm.s32 $0x0;
	s20 =	sshll.u32 s5, $0x1;
	s5 =	sadd.s32 s21, s3  }
0x9d: {  	[timem:s7], [sflag:s22] =	dma.local [hbm:s5], s20  }
0x9e: {  	_ =	swait.ge [sflag:s22], s20  }
0x9f: {  	s4 =	ssub.s32 $0x0, s20;
	[sflag:s22] =	ssyncset.done $0x0  }
0xa0: {  	[sflag:s22] =	ssyncadd.s32 s4;
	_ =	sdelay $0x1  }
0xa1: {  	s23 =	simm.s32 $0x1B8B  }
0xa2: {  	_ =	swait.ge [sflag:s23], $0x1  }
0xa3: {  	[sflag:s23] =	ssyncset.done $0x0  }
0xa4: {  	s25 =	simm.s32 $0x1B8E;
	s24 =	sld [smem:$0x3FFE];
	[sflag:s23] =	ssyncadd.s32 $0xFFFFFFFF  }
0xa5: {  	s26 =	simm.s32 $execute0_lowered;
	[smem:$0x3FD2] =	sst s25  }
0xa6: {  	s5 =	sshll.u32 s26, $0x1;
	_ =	strace $0x80000049;
	[dreg:$0x1] =	wrdreg $0xFFFFFFFF  }
0xa7: {  	s28 =	simm.s32 $_size_execute0_lowered;
	s3 =	sadd.s32 s3, s5;
	[dreg:$0x0] =	wrdreg $0x0  }
0xa8: {  	s5 =	sshll.u32 s28, $0x1;
	[dreg:$0x2] =	wrdreg s3  }
0xa9: {  	[dreg:$0x3] =	wrdreg s5  }
0xaa: {  	[dreg:$0x4] =	wrdreg $0xC0  }
0xab: {  	_ =	task [dreg:s7], $0x5FFFF  }
0xac: {  	[dreg:$0x1] =	wrdreg $0xFFFFFFFF  }
0xad: {  	[dreg:$0x0] =	wrdreg $0x60  }
0xae: {  	[dreg:$0x2] =	wrdreg s2  }
0xaf: {  	[dreg:$0x3] =	wrdreg s24  }
0xb0: {  	[dreg:$0x4] =	wrdreg $0x9  }
0xb1: {  	_ =	task.clear_ibuf [dreg:s7], $0x5FFFF;
	_ =	strace $0x90000049  }
0xb2: {  	s29 =	simm.s32 $0x9;
	_ =	strace $0x8000004B  }
0xb3: {  	_ =	swait.ge [sflag:s29], $0x1  }
0xb4: {  	[sflag:s29] =	ssyncadd.s32 $0xFFFFFFFF  }
0xb5: {  	_ =	strace $0x9000004B  }
0xb6: {  	_ =	sfence  }
0xb7: {  	s30 =	sld [smem:$0x0];
	_ =	sdelay $0x2  }
0xb8: {  	s31 =	sshll.u32 s1, $0xD;
	s1 =	sshrl.u32 s1, $0x2  }
0xb9: {  	s3 =	sand.u32 $0x4000, s31;
	s1 =	sadd.s32 s1, s30  }
0xba: {  	s0 =	sor.u32 s3, s0;
	s1 =	sshll.u32 s1, $0x11  }
0xbb: {  	s0 =	sor.u32 s1, s0  }
0xbc: {  	s0 =	sadd.s32 $0x8F2B, s0  }
0xbd: {  	[sflag:s0] =	ssyncadd.remote.s32 $0x1  }
0xbe: {  	_ =	sfence.sel $0xFFFF  }
0xbf: {  	[dreg:$0x0] =	wrdreg $0xFFFFFFFF;
	(pc) =	sbr.abs _section_cstart, $3  }
0xc0: {  	[dreg:$0x1] =	wrdreg $0xFFFFFFFF  }
0xc1: {  	_ =	task.clear_ibuf [dreg:s7], $0x2FFFF;
	_ =	strace $0x9FFFFFFF  }
0xc2: {  	(tm) =	ssettm $0x7FFFFFFF  }
0xc3: {  	_ =	shalt  }
tec
execute0_lowered:
.L_overlay_start_1:
0x0: {  	(tag) =	ssettag $0x1  }
0x1: {  	s1 =	srdreg.scid;
	s0 =	stileid.u32  }
0x2: {  	s14 =	sand.u32 $0x1, s1;
	s26 =	sshll.u32 s0, $0x1  }
0x3: {  	s13 =	rddreg [dreg:$0x0];
	s8 =	sor.u32 s14, s26  }
0x4: {  	s9 =	rddreg [dreg:$0x1];
	s15 =	smul.u32 $0x2800, s8  }
0x5: {  	s2 =	simm.s32 $0x0;
	s1 =	rddreg [dreg:$0x2]  }
0x6: {  	[smem:$0x7FF] =	sst s2;
	s3 =	sshrl.u32 s15, $0x3  }
0x7: {  	_ =	strace $0x8000004A;
	s4 =	sadd.s32 s13, s3;
	s3 =	simm.s32 $0x2  }
0x8: {  	[tilespmem:s2], [sflag:$0x2] =	stream.linear.gather [hbm4b:s4+s2], $0xA00, $0x38;
	[tilespmem:$0x14A00] =	vst v63  }
0x9: {  	_ =	swait.ge [sflag:s3], $0xA00  }
0xa: {  	s6 =	simm.s32 $0xA00;
	[sflag:s3] =	ssyncset.done $0x0  }
0xb: {  	s7 =	simm.s32 $0x1;
	s5 =	sadd.s32 $0x1000, s9;
	[sflag:s3] =	ssyncadd.s32 $0xFFFFF600  }
0xc: {  	[tilespmem:s6], [sflag:$0x1] =	stream.indirect.gather [hbm4b:s5+s6], $0x20, s2, s6, $0xb8;
	[tilespmem:$0x14A00] =	vst v63  }
0xd: {  	s8 =	smul.u32 $0xA000, s8;
	_ =	swait.ge [sflag:s7], $0x14000  }
0xe: {  	s16 =	sadd.s32 $0x3D1A00, s9;
	[sflag:s7] =	ssyncset.done $0x0  }
0xf: {  	s8 =	sadd.s32 s16, s8;
	[sflag:s7] =	ssyncadd.s32 $0xFFFEC000  }
0x10: {  	[hbm4b:s8+s2] =	stream.linear.scatter [tilespmem:s6], [sflag:$0x2], $0x14000, $0x38;
	[tilespmem:$0x14A00] =	vst v63  }
0x11: {  	s10 =	sadd.s32 $0xA00, s15;
	_ =	swait.ge [sflag:s3], $0x14000  }
0x12: {  	s28 =	sshrl.u32 s10, $0x3;
	[sflag:s3] =	ssyncset.done $0x0  }
0x13: {  	s9 =	sadd.s32 s13, s28;
	[sflag:s3] =	ssyncadd.s32 $0xFFFEC000  }
0x14: {  	[tilespmem:s2], [sflag:$0x2] =	stream.linear.gather [hbm4b:s9+s2], $0xA00, $0x38;
	[tilespmem:$0x14A00] =	vst v63  }
0x15: {  	_ =	swait.ge [sflag:s3], $0xA00  }
0x16: {  	[sflag:s3] =	ssyncset.done $0x0  }
0x17: {  	[sflag:s3] =	ssyncadd.s32 $0xFFFFF600  }
0x18: {  	[tilespmem:s6], [sflag:$0x1] =	stream.indirect.gather [hbm4b:s5+s6], $0x20, s2, s6, $0xb8;
	[tilespmem:$0x14A00] =	vst v63  }
0x19: {  	_ =	swait.ge [sflag:s7], $0x14000  }
0x1a: {  	s10 =	sshll.u32 s10, $0x2;
	[sflag:s7] =	ssyncset.done $0x0  }
0x1b: {  	s10 =	sadd.s32 s16, s10;
	[sflag:s7] =	ssyncadd.s32 $0xFFFEC000  }
0x1c: {  	[hbm4b:s10+s2] =	stream.linear.scatter [tilespmem:s6], [sflag:$0x2], $0x14000, $0x38;
	[tilespmem:$0x14A00] =	vst v63  }
0x1d: {  	s12 =	sadd.s32 $0x1400, s15;
	_ =	swait.ge [sflag:s3], $0x14000  }
0x1e: {  	s11 =	sshrl.u32 s12, $0x3;
	[sflag:s3] =	ssyncset.done $0x0  }
0x1f: {  	s11 =	sadd.s32 s13, s11;
	[sflag:s3] =	ssyncadd.s32 $0xFFFEC000  }
0x20: {  	[tilespmem:s2], [sflag:$0x2] =	stream.linear.gather [hbm4b:s11+s2], $0xA00, $0x38;
	[tilespmem:$0x14A00] =	vst v63  }
0x21: {  	_ =	swait.ge [sflag:s3], $0xA00  }
0x22: {  	[sflag:s3] =	ssyncset.done $0x0  }
0x23: {  	[sflag:s3] =	ssyncadd.s32 $0xFFFFF600  }
0x24: {  	[tilespmem:s6], [sflag:$0x1] =	stream.indirect.gather [hbm4b:s5+s6], $0x20, s2, s6, $0xb8;
	[tilespmem:$0x14A00] =	vst v63  }
0x25: {  	_ =	swait.ge [sflag:s7], $0x14000  }
0x26: {  	s12 =	sshll.u32 s12, $0x2;
	[sflag:s7] =	ssyncset.done $0x0  }
0x27: {  	s12 =	sadd.s32 s16, s12;
	[sflag:s7] =	ssyncadd.s32 $0xFFFEC000  }
0x28: {  	[hbm4b:s12+s2] =	stream.linear.scatter [tilespmem:s6], [sflag:$0x2], $0x14000, $0x38;
	[tilespmem:$0x14A00] =	vst v63  }
0x29: {  	s15 =	sadd.s32 $0x1E00, s15;
	_ =	swait.ge [sflag:s3], $0x14000  }
0x2a: {  	s17 =	sshrl.u32 s15, $0x3;
	[sflag:s3] =	ssyncset.done $0x0  }
0x2b: {  	s14 =	ssub.s32 $0x2, s14;
	s13 =	sadd.s32 s13, s17;
	[sflag:s3] =	ssyncadd.s32 $0xFFFEC000  }
0x2c: {  	[tilespmem:s2], [sflag:$0x2] =	stream.linear.gather [hbm4b:s13+s2], $0xA00, $0x38;
	[tilespmem:$0x14A00] =	vst v63  }
0x2d: {  	s29 =	sshrl.u32 s14, $0x1;
	_ =	swait.ge [sflag:s3], $0xA00  }
0x2e: {  	s17 =	ssub.s32 s14, s29;
	[sflag:s3] =	ssyncset.done $0x0  }
0x2f: {  	s31 =	smax.u32 s17, $0x1;
	[sflag:s3] =	ssyncadd.s32 $0xFFFFF600  }
0x30: {  	[tilespmem:s6], [sflag:$0x1] =	stream.indirect.gather [hbm4b:s5+s6], $0x20, s2, s6, $0xb8;
	[tilespmem:$0x14A00] =	vst v63  }
0x31: {  	p0 =	sne.s32 s31, $0x1;
	_ =	swait.ge [sflag:s7], $0x14000  }
.Ltmp0:
0x32: {  	s30 =	sshll.u32 s15, $0x2;
	[sflag:s7] =	ssyncset.done $0x0;
	(pc) =	sbr.rel @!p0 .LBB2_2-.Ltmp0, $4  }
0x33: {  	s14 =	sadd.s32 s16, s30;
	[sflag:s7] =	ssyncadd.s32 $0xFFFEC000  }
0x34: {  	[hbm4b:s14+s2] =	stream.linear.scatter [tilespmem:s6], [sflag:$0x2], $0x14000, $0x38;
	[tilespmem:$0x14A00] =	vst v63  }
0x35: {  	_ =	swait.ge [sflag:s3], $0x14000  }
0x36: {  	s15 =	sadd.s32 $0xFFFFFFFF, s31;
	[sflag:s3] =	ssyncset.done $0x0  }
.LBB2_1:
0x37: {  	p0 =	sne.s32 s15, $0x1;
	s15 =	sadd.s32 $0xFFFFFFFF, s15;
	[sflag:s3] =	ssyncadd.s32 $0xFFFEC000  }
0x38: {  	[tilespmem:s2], [sflag:$0x2] =	stream.linear.gather [hbm4b:s4+s2], $0xA00, $0x38;
	[tilespmem:$0x14A00] =	vst v63  }
0x39: {  	_ =	swait.ge [sflag:s3], $0xA00  }
0x3a: {  	[sflag:s3] =	ssyncset.done $0x0  }
0x3b: {  	[sflag:s3] =	ssyncadd.s32 $0xFFFFF600  }
0x3c: {  	[tilespmem:s6], [sflag:$0x1] =	stream.indirect.gather [hbm4b:s5+s6], $0x20, s2, s6, $0xb8;
	[tilespmem:$0x14A00] =	vst v63  }
0x3d: {  	_ =	swait.ge [sflag:s7], $0x14000  }
0x3e: {  	[sflag:s7] =	ssyncset.done $0x0  }
0x3f: {  	[sflag:s7] =	ssyncadd.s32 $0xFFFEC000  }
0x40: {  	[hbm4b:s8+s2] =	stream.linear.scatter [tilespmem:s6], [sflag:$0x2], $0x14000, $0x38;
	[tilespmem:$0x14A00] =	vst v63  }
0x41: {  	_ =	swait.ge [sflag:s3], $0x14000  }
0x42: {  	[sflag:s3] =	ssyncset.done $0x0  }
0x43: {  	[sflag:s3] =	ssyncadd.s32 $0xFFFEC000  }
0x44: {  	[tilespmem:s2], [sflag:$0x2] =	stream.linear.gather [hbm4b:s9+s2], $0xA00, $0x38;
	[tilespmem:$0x14A00] =	vst v63  }
0x45: {  	_ =	swait.ge [sflag:s3], $0xA00  }
0x46: {  	[sflag:s3] =	ssyncset.done $0x0  }
0x47: {  	[sflag:s3] =	ssyncadd.s32 $0xFFFFF600  }
0x48: {  	[tilespmem:s6], [sflag:$0x1] =	stream.indirect.gather [hbm4b:s5+s6], $0x20, s2, s6, $0xb8;
	[tilespmem:$0x14A00] =	vst v63  }
0x49: {  	_ =	swait.ge [sflag:s7], $0x14000  }
0x4a: {  	[sflag:s7] =	ssyncset.done $0x0  }
0x4b: {  	[sflag:s7] =	ssyncadd.s32 $0xFFFEC000  }
0x4c: {  	[hbm4b:s10+s2] =	stream.linear.scatter [tilespmem:s6], [sflag:$0x2], $0x14000, $0x38;
	[tilespmem:$0x14A00] =	vst v63  }
0x4d: {  	_ =	swait.ge [sflag:s3], $0x14000  }
0x4e: {  	[sflag:s3] =	ssyncset.done $0x0  }
0x4f: {  	[sflag:s3] =	ssyncadd.s32 $0xFFFEC000  }
0x50: {  	[tilespmem:s2], [sflag:$0x2] =	stream.linear.gather [hbm4b:s11+s2], $0xA00, $0x38;
	[tilespmem:$0x14A00] =	vst v63  }
0x51: {  	_ =	swait.ge [sflag:s3], $0xA00  }
0x52: {  	[sflag:s3] =	ssyncset.done $0x0  }
0x53: {  	[sflag:s3] =	ssyncadd.s32 $0xFFFFF600  }
0x54: {  	[tilespmem:s6], [sflag:$0x1] =	stream.indirect.gather [hbm4b:s5+s6], $0x20, s2, s6, $0xb8;
	[tilespmem:$0x14A00] =	vst v63  }
0x55: {  	_ =	swait.ge [sflag:s7], $0x14000  }
0x56: {  	[sflag:s7] =	ssyncset.done $0x0  }
0x57: {  	[sflag:s7] =	ssyncadd.s32 $0xFFFEC000  }
0x58: {  	[hbm4b:s12+s2] =	stream.linear.scatter [tilespmem:s6], [sflag:$0x2], $0x14000, $0x38;
	[tilespmem:$0x14A00] =	vst v63  }
0x59: {  	_ =	swait.ge [sflag:s3], $0x14000  }
0x5a: {  	[sflag:s3] =	ssyncset.done $0x0  }
0x5b: {  	[sflag:s3] =	ssyncadd.s32 $0xFFFEC000  }
0x5c: {  	[tilespmem:s2], [sflag:$0x2] =	stream.linear.gather [hbm4b:s13+s2], $0xA00, $0x38;
	[tilespmem:$0x14A00] =	vst v63  }
0x5d: {  	_ =	swait.ge [sflag:s3], $0xA00  }
0x5e: {  	[sflag:s3] =	ssyncset.done $0x0  }
0x5f: {  	[sflag:s3] =	ssyncadd.s32 $0xFFFFF600  }
0x60: {  	[tilespmem:s6], [sflag:$0x1] =	stream.indirect.gather [hbm4b:s5+s6], $0x20, s2, s6, $0xb8;
	[tilespmem:$0x14A00] =	vst v63  }
0x61: {  	_ =	swait.ge [sflag:s7], $0x14000  }
.Ltmp1:
0x62: {  	[sflag:s7] =	ssyncset.done $0x0;
	(pc) =	sbr.rel @p0 .LBB2_1-.Ltmp1, $4  }
0x63: {  	[sflag:s7] =	ssyncadd.s32 $0xFFFEC000  }
0x64: {  	[hbm4b:s14+s2] =	stream.linear.scatter [tilespmem:s6], [sflag:$0x2], $0x14000, $0x38;
	[tilespmem:$0x14A00] =	vst v63  }
0x65: {  	_ =	swait.ge [sflag:s3], $0x14000  }
0x66: {  	[sflag:s3] =	ssyncset.done $0x0  }
.LBB2_2:
0x67: {  	[sflag:s3] =	ssyncadd.s32 $0xFFFEC000  }
0x68: {  	_ =	sfence.sel $0x180000  }
0x69: {  	[bflag:$0x0] =	sbarrier.arrive $0xFFFF  }
0x6a: {  	p0 =	sne.s32 s0, $0x0;
	_ =	strace $0x9000004A  }
0x6b: {  	s0 =	sadd.s32 @!p0 $0x100000, s1;
	[bflag:$0x2] =	sbarrier.arrive $0xFFFF  }
0x6c: {  	[sflag:s0] =	ssyncadd.tile.s32 @!p0 $0x1;
	_ =	shalt  }
.Lfunc_end2:
_tile_overlayer_lowered:
.L_overlay_start_2:
0x6d: {  	(tag) =	ssettag $0x2  }
0x6e: {  	s0 =	rddreg [dreg:$0x0];
	s2 =	stileid.u32  }
0x6f: {  	s1 =	rddreg [dreg:$0x1];
	p0 =	sne.s32 s2, $0x0  }
0x70: {  	s3 =	rddreg [dreg:$0x2];
	[bflag:$0x3] =	sbarrier.arrive $0xFFFF;
	s2 =	simm.s32 @!p0 $0x1C02  }
0x71: {  	[timem:s3], [sflag:s2] =	dma.local @!p0 [hbm:s0], s1  }
0x72: {  	s0 =	simm.s32 @!p0 $0x2  }
0x73: {  	_ =	swait.ge @!p0 [sflag:s0], s1  }
0x74: {  	s1 =	ssub.s32 @!p0 $0x0, s1;
	[sflag:s0] =	ssyncset.done @!p0 $0x0  }
0x75: {  	[sflag:s0] =	ssyncadd.s32 @!p0 s1  }
0x76: {  	[bflag:$0x3] =	sbarrier.arrive $0xFFFF  }
0x77: {  	_ =	shalt  }

</sc_bundles>
